<compile_context>
chip_gen: v7x
topology: tpu7x:2x2x1
jax: 0.10.2.dev20260603
libtpu: 0.0.44.dev20260713+nightly
codegen_flags: <defaults>
</compile_context>

<pallas_src>
import functools

import jax
import jax.numpy as jnp
from jax import lax
from jax.experimental import pallas as pl
from jax.experimental.pallas import tpu as pltpu
from jax.experimental.pallas import tpu_sc as plsc

HID = 16
CHUNK = 128
NW = 32


def _silu(x):
    return x * jax.nn.sigmoid(x)


def _elu01(x):
    return jnp.where(x > 0, x, 0.1 * (jnp.exp(x) - 1.0))


def _cdiv(a, b):
    return -(-a // b)



def _sc_mesh():
    return plsc.VectorSubcoreMesh(core_axis_name="c", subcore_axis_name="s")


def _wid():
    return lax.axis_index("s") * 2 + lax.axis_index("c")


def _sc_gather_uv(t, row2d, col2d, nchunks, slots):
    n, w = t.shape
    epad = slots * NW * CHUNK

    def body(t_hbm, row_hbm, col_hbm, ug_hbm, vg_hbm,
             idxr, idxc, ubuf, vbuf, semu, semv):
        base = _wid() * slots
        nj = jnp.clip(nchunks - base, 0, slots)
        pltpu.sync_copy(row_hbm.at[pl.ds(base, slots)], idxr)
        pltpu.sync_copy(col_hbm.at[pl.ds(base, slots)], idxc)

        def step(j, carry):
            chunk = base + j
            hu = pltpu.async_copy(t_hbm.at[idxr.at[j]], ubuf, semu)
            hv = pltpu.async_copy(t_hbm.at[idxc.at[j]], vbuf, semv)
            hu.wait()
            pltpu.sync_copy(ubuf, ug_hbm.at[pl.ds(chunk * CHUNK, CHUNK)])
            hv.wait()
            pltpu.sync_copy(vbuf, vg_hbm.at[pl.ds(chunk * CHUNK, CHUNK)])
            return carry

        lax.fori_loop(0, nj, step, 0)

    f = pl.kernel(
        body,
        out_type=[
            jax.ShapeDtypeStruct((epad, w), jnp.float32),
            jax.ShapeDtypeStruct((epad, w), jnp.float32),
        ],
        mesh=_sc_mesh(),
        scratch_types=[
            pltpu.VMEM((slots, CHUNK), jnp.int32),
            pltpu.VMEM((slots, CHUNK), jnp.int32),
            pltpu.VMEM((CHUNK, w), jnp.float32),
            pltpu.VMEM((CHUNK, w), jnp.float32),
            pltpu.SemaphoreType.DMA,
            pltpu.SemaphoreType.DMA,
        ],
    )
    return f(t, row2d, col2d)


def _sc_scatter(eftr, row2d, z128, nchunks, slots, npad):
    rpt = npad // 16

    def body(v_hbm, row_hbm, z_hbm, p, idxr, vbuf, acc):
        cid = lax.axis_index("c")
        sid = lax.axis_index("s")
        base = _wid() * slots
        nj = jnp.clip(nchunks - base, 0, slots)
        r0 = sid * rpt
        pltpu.sync_copy(z_hbm.at[pl.ds(r0, rpt)], acc.at[pl.ds(r0, rpt)])
        pltpu.sync_copy(row_hbm.at[pl.ds(base, slots)], idxr)
        plsc.subcore_barrier()

        def step(j, carry):
            chunk = base + j
            pltpu.sync_copy(v_hbm.at[pl.ds(chunk * CHUNK, CHUNK)], vbuf)
            pltpu.sync_copy(vbuf, acc.at[idxr.at[j]], add=True)
            return carry

        lax.fori_loop(0, nj, step, 0)
        plsc.subcore_barrier()
        pltpu.sync_copy(acc.at[pl.ds(r0, rpt)], p.at[cid, pl.ds(r0, rpt)])

    f = pl.kernel(
        body,
        out_type=[
            jax.ShapeDtypeStruct((2, npad, 128), jnp.float32),
        ],
        mesh=_sc_mesh(),
        scratch_types=[
            pltpu.VMEM((slots, CHUNK), jnp.int32),
            pltpu.VMEM((CHUNK, 128), jnp.float32),
            pltpu.VMEM_SHARED((npad, 128), jnp.float32),
        ],
    )
    return f(eftr, row2d, z128)


def _sc_gin_agg(x, row2d, col2d, z128, nchunks, slots, npad):
    rpt = npad // 16

    def body(x_hbm, row_hbm, col_hbm, z_hbm, p,
             idxr, idxc, buf, acc, sem):
        cid = lax.axis_index("c")
        sid = lax.axis_index("s")
        base = _wid() * slots
        nj = jnp.clip(nchunks - base, 0, slots)
        r0 = sid * rpt
        pltpu.sync_copy(z_hbm.at[pl.ds(r0, rpt)], acc.at[pl.ds(r0, rpt)])
        pltpu.sync_copy(row_hbm.at[pl.ds(base, slots)], idxr)
        pltpu.sync_copy(col_hbm.at[pl.ds(base, slots)], idxc)
        plsc.subcore_barrier()

        def step(j, carry):
            pltpu.async_copy(x_hbm.at[idxr.at[j]], buf, sem).wait()
            pltpu.sync_copy(buf, acc.at[idxc.at[j]], add=True)
            return carry

        lax.fori_loop(0, nj, step, 0)
        plsc.subcore_barrier()
        pltpu.sync_copy(acc.at[pl.ds(r0, rpt)], p.at[cid, pl.ds(r0, rpt)])

    f = pl.kernel(
        body,
        out_type=[
            jax.ShapeDtypeStruct((2, npad, 128), jnp.float32),
        ],
        mesh=_sc_mesh(),
        scratch_types=[
            pltpu.VMEM((slots, CHUNK), jnp.int32),
            pltpu.VMEM((slots, CHUNK), jnp.int32),
            pltpu.VMEM((CHUNK, 128), jnp.float32),
            pltpu.VMEM_SHARED((npad, 128), jnp.float32),
            pltpu.SemaphoreType.DMA,
        ],
    )
    return f(x, row2d, col2d, z128)



def _proj_body(h_ref, c4_ref, w_ref, t_ref, hwh_ref):
    proj = jnp.dot(h_ref[...], w_ref[...], preferred_element_type=jnp.float32)
    c4 = c4_ref[...]
    pad = jnp.zeros((proj.shape[0], 92), jnp.float32)
    t_ref[...] = jnp.concatenate([proj[:, :2 * HID], c4, pad], axis=1)
    hwh_ref[...] = proj[:, 2 * HID:3 * HID]


def _proj_assemble(h, c4, wcat, blk=2000):
    n, inp = h.shape
    return pl.pallas_call(
        _proj_body,
        grid=(n // blk,),
        in_specs=[
            pl.BlockSpec((blk, inp), lambda i: (i, 0)),
            pl.BlockSpec((blk, 4), lambda i: (i, 0)),
            pl.BlockSpec((inp, 3 * HID), lambda i: (0, 0)),
        ],
        out_specs=[
            pl.BlockSpec((blk, 128), lambda i: (i, 0)),
            pl.BlockSpec((blk, HID), lambda i: (i, 0)),
        ],
        out_shape=[
            jax.ShapeDtypeStruct((n, 128), jnp.float32),
            jax.ShapeDtypeStruct((n, HID), jnp.float32),
        ],
    )(h, c4, wcat)


def _edge_chain_body(u_ref, v_ref, w2_ref, wc1_ref, stk_ref, o_ref):
    u = u_ref[...]
    v = v_ref[...]
    stk = stk_ref[...]
    wr = stk[0:1, :]
    b1 = stk[1:2, :]
    b2 = stk[2:3, :]
    bc1 = stk[3:4, :]
    wc2 = stk[4:5, :]
    cd = u[:, 2 * HID:2 * HID + 3] - v[:, 2 * HID:2 * HID + 3]
    radial = jnp.sum(cd * cd, axis=1, keepdims=True)
    m = _silu(u[:, :HID] + v[:, HID:2 * HID] + radial * wr + b1)
    ef = _silu(jnp.dot(m, w2_ref[...], preferred_element_type=jnp.float32) + b2)
    t = _silu(jnp.dot(ef, wc1_ref[...], preferred_element_type=jnp.float32) + bc1)
    coef = jnp.sum(t * wc2, axis=1, keepdims=True)
    one = jnp.ones_like(coef)
    zpad = jnp.zeros((coef.shape[0], 108), jnp.float32)
    o_ref[...] = jnp.concatenate([ef, cd * coef, one, zpad], axis=1)


def _edge_chain(ug, vg, w2, wc1, stk, e, blk=2000):
    return pl.pallas_call(
        _edge_chain_body,
        grid=(e // blk,),
        in_specs=[
            pl.BlockSpec((blk, 128), lambda i: (i, 0)),
            pl.BlockSpec((blk, 128), lambda i: (i, 0)),
            pl.BlockSpec((HID, HID), lambda i: (0, 0)),
            pl.BlockSpec((HID, HID), lambda i: (0, 0)),
            pl.BlockSpec((8, HID), lambda i: (0, 0)),
        ],
        out_specs=pl.BlockSpec((blk, 128), lambda i: (i, 0)),
        out_shape=jax.ShapeDtypeStruct((e, 128), jnp.float32),
    )(ug, vg, w2, wc1, stk)


def _combine_node_body(residual, p_ref, c4_ref,
                       hwh_ref, hres_ref, wagg_ref, w2_ref, stk_ref,
                       h_ref, c4o_ref):
    stk = stk_ref[...]
    bn1 = stk[0:1, :]
    bn2 = stk[1:2, :]
    tot = p_ref[0] + p_ref[1]
    agg = tot[:, :HID]
    tr = tot[:, HID:HID + 4]
    inv = 1.0 / jnp.maximum(tr[:, 3:4], 1.0)
    c4o = c4_ref[...] + tr * inv
    lane = lax.broadcasted_iota(jnp.int32, c4o.shape, 1)
    c4o_ref[...] = jnp.where(lane == 3, 0.0, c4o)
    z = _silu(hwh_ref[...] +
              jnp.dot(agg, wagg_ref[...], preferred_element_type=jnp.float32)
              + bn1)
    hn = jnp.dot(z, w2_ref[...], preferred_element_type=jnp.float32) + bn2
    if residual:
        hn = hn + hres_ref[...]
    h_ref[...] = hn


def _combine_node(p, c4, hwh, hres, wagg, w2, stk,
                  residual, n, blk=2000):
    return pl.pallas_call(
        functools.partial(_combine_node_body, residual),
        grid=(n // blk,),
        in_specs=[
            pl.BlockSpec((2, blk, 128), lambda i: (0, i, 0)),
            pl.BlockSpec((blk, 4), lambda i: (i, 0)),
            pl.BlockSpec((blk, HID), lambda i: (i, 0)),
            pl.BlockSpec((blk, HID), lambda i: (i, 0)),
            pl.BlockSpec((HID, HID), lambda i: (0, 0)),
            pl.BlockSpec((HID, HID), lambda i: (0, 0)),
            pl.BlockSpec((8, HID), lambda i: (0, 0)),
        ],
        out_specs=[
            pl.BlockSpec((blk, HID), lambda i: (i, 0)),
            pl.BlockSpec((blk, 4), lambda i: (i, 0)),
        ],
        out_shape=[
            jax.ShapeDtypeStruct((n, HID), jnp.float32),
            jax.ShapeDtypeStruct((n, 4), jnp.float32),
        ],
    )(p, c4, hwh, hres, wagg, w2, stk)


def _gin_z_body(x_ref, p_ref, w_ref, b_ref, z_ref):
    agg = (p_ref[0] + p_ref[1])[:, :HID]
    z_ref[...] = (jnp.dot(x_ref[...] + agg, w_ref[...],
                          preferred_element_type=jnp.float32) + b_ref[0:1, :])


def _gin_z(x, p, w, b8, n, blk=2000):
    return pl.pallas_call(
        _gin_z_body,
        grid=(n // blk,),
        in_specs=[
            pl.BlockSpec((blk, HID), lambda i: (i, 0)),
            pl.BlockSpec((2, blk, 128), lambda i: (0, i, 0)),
            pl.BlockSpec((HID, HID), lambda i: (0, 0)),
            pl.BlockSpec((8, HID), lambda i: (0, 0)),
        ],
        out_specs=pl.BlockSpec((blk, HID), lambda i: (i, 0)),
        out_shape=jax.ShapeDtypeStruct((n, HID), jnp.float32),
    )(x, p, w, b8)


def _gin_out_body(z_ref, w2_ref, stk_ref, out_ref):
    stk = stk_ref[...]
    scale = stk[0:1, :]
    shift = stk[1:2, :]
    b2 = stk[2:3, :]
    zn = jax.nn.relu(z_ref[...] * scale + shift)
    out_ref[...] = _elu01(
        jnp.dot(zn, w2_ref[...], preferred_element_type=jnp.float32) + b2)


def _gin_out(z, w2, stk, blk=2000):
    n = z.shape[0]
    return pl.pallas_call(
        _gin_out_body,
        grid=(n // blk,),
        in_specs=[
            pl.BlockSpec((blk, HID), lambda i: (i, 0)),
            pl.BlockSpec((HID, HID), lambda i: (0, 0)),
            pl.BlockSpec((8, HID), lambda i: (0, 0)),
        ],
        out_specs=pl.BlockSpec((blk, HID), lambda i: (i, 0)),
        out_shape=jax.ShapeDtypeStruct((n, HID), jnp.float32),
    )(z, w2, stk)


def _pool_body(nb, batch_ref, h_ref, ht_ref, sum_ref, max_ref):
    i = pl.program_id(0)

    @pl.when(i == 0)
    def _():
        sum_ref[...] = jnp.zeros_like(sum_ref)
        max_ref[...] = jnp.full_like(max_ref, -3.4e38)

    seg = batch_ref[...]
    h = h_ref[...]
    ht = ht_ref[...]
    blk = h.shape[0]
    mask = (seg == lax.broadcasted_iota(jnp.int32, (nb, blk), 0))
    hx = jnp.concatenate(
        [h, jnp.ones((blk, 1), jnp.float32),
         jnp.zeros((blk, 15), jnp.float32)], axis=1)
    sum_ref[...] += jnp.dot(mask.astype(jnp.float32), hx,
                            preferred_element_type=jnp.float32)
    for f in range(HID):
        hf = jnp.broadcast_to(ht[f:f + 1, :], (nb, blk))
        cand = jnp.max(jnp.where(mask, hf, -3.4e38), axis=1, keepdims=True)
        max_ref[:, f:f + 1] = jnp.maximum(max_ref[:, f:f + 1], cand)


def _pool(batch, h, ht, nb, blk=2048):
    n = h.shape[0]
    return pl.pallas_call(
        functools.partial(_pool_body, nb),
        grid=(n // blk,),
        in_specs=[
            pl.BlockSpec((1, blk), lambda i: (0, i)),
            pl.BlockSpec((blk, HID), lambda i: (i, 0)),
            pl.BlockSpec((HID, blk), lambda i: (0, i)),
        ],
        out_specs=[
            pl.BlockSpec((nb, 2 * HID), lambda i: (0, 0)),
            pl.BlockSpec((nb, HID), lambda i: (0, 0)),
        ],
        out_shape=[
            jax.ShapeDtypeStruct((nb, 2 * HID), jnp.float32),
            jax.ShapeDtypeStruct((nb, HID), jnp.float32),
        ],
    )(batch.reshape(1, n), h, ht)


def _classifier_body(sum_ref, max_ref, g_ref, c1a_ref, c1b_ref, c2_ref,
                     stk_ref, out_ref):
    stk = stk_ref[...]
    c1g = stk[0:1, :]
    cb1 = stk[1:2, :]
    b2 = stk[2:3, :10]
    s = sum_ref[...]
    x1 = s[:, :HID] / jnp.maximum(s[:, HID:HID + 1], 1.0)
    xh = _elu01(
        jnp.dot(x1, c1a_ref[...], preferred_element_type=jnp.float32)
        + jnp.dot(max_ref[...], c1b_ref[...],
                  preferred_element_type=jnp.float32)
        + g_ref[...] * c1g + cb1)
    logits = jnp.dot(xh, c2_ref[...], preferred_element_type=jnp.float32) + b2
    mx = jnp.max(logits, axis=1, keepdims=True)
    ex = jnp.exp(logits - mx)
    out_ref[...] = ex / jnp.sum(ex, axis=1, keepdims=True)


def _classifier(sums, maxs, g, c1a, c1b, c2, stk):
    b = sums.shape[0]
    return pl.pallas_call(
        _classifier_body,
        grid=(1,),
        in_specs=[
            pl.BlockSpec((b, 2 * HID), lambda i: (0, 0)),
            pl.BlockSpec((b, HID), lambda i: (0, 0)),
            pl.BlockSpec((b, 1), lambda i: (0, 0)),
            pl.BlockSpec((HID, HID), lambda i: (0, 0)),
            pl.BlockSpec((HID, HID), lambda i: (0, 0)),
            pl.BlockSpec((HID, 10), lambda i: (0, 0)),
            pl.BlockSpec((8, HID), lambda i: (0, 0)),
        ],
        out_specs=pl.BlockSpec((b, 10), lambda i: (0, 0)),
        out_shape=jax.ShapeDtypeStruct((b, 10), jnp.float32),
    )(sums, maxs, g, c1a, c1b, c2, stk)



def _stack_rows(rows):
    out = jnp.zeros((8, HID), jnp.float32)
    for i, r in enumerate(rows):
        out = out.at[i, :r.shape[0]].set(r)
    return out


def _egcl(p, h, c4, row2d, col2d, z128, nchunks, slots, npad, residual):
    n, inp = h.shape
    w1 = p["ew1"]["W"]
    wa, wb, wr = w1[:inp], w1[inp:2 * inp], w1[2 * inp]
    wh = p["nw1"]["W"][:inp]
    t, hwh = _proj_assemble(h, c4, jnp.concatenate([wa, wb, wh], axis=1))
    ug, vg = _sc_gather_uv(t, row2d, col2d, nchunks, slots)
    stk = _stack_rows([wr, p["ew1"]["b"], p["ew2"]["b"], p["cw1"]["b"],
                       p["cw2"][:, 0]])
    eftr = _edge_chain(ug, vg, p["ew2"]["W"], p["cw1"]["W"], stk,
                       nchunks * CHUNK)
    (pagg,) = _sc_scatter(eftr, row2d, z128, nchunks, slots, npad)
    nstk = _stack_rows([p["nw1"]["b"], p["nw2"]["b"]])
    hres = h if residual else hwh
    return _combine_node(pagg, c4, hwh, hres,
                         p["nw1"]["W"][inp:], p["nw2"]["W"], nstk,
                         residual, n)


def _gin(p, x, row2d, col2d, z128, nchunks, slots, npad):
    n = x.shape[0]
    x128 = jnp.pad(x, ((0, 0), (0, 128 - HID)))
    (pagg,) = _sc_gin_agg(x128, row2d, col2d, z128, nchunks, slots, npad)
    b8 = _stack_rows([p["l1"]["b"]])
    z = _gin_z(x, pagg, p["l1"]["W"], b8, n)
    mu = jnp.mean(z, axis=0)
    var = jnp.var(z, axis=0)
    inv = 1.0 / jnp.sqrt(var + 1e-5)
    scale = p["gamma"] * inv
    shift = p["beta"] - mu * scale
    stk = _stack_rows([scale, shift, p["l2"]["b"]])
    return _gin_out(z, p["l2"]["W"], stk)


def kernel(h0, coord0, g0, edge_index, batch, params):
    n = h0.shape[0]
    e = edge_index.shape[1]
    b = g0.shape[0]
    nchunks = e // CHUNK
    slots = _cdiv(_cdiv(nchunks, NW), 8) * 8
    npad = _cdiv(n, 128) * 128

    row2d = jnp.pad(edge_index[0].reshape(nchunks, CHUNK),
                    ((0, slots * NW - nchunks), (0, 0)))
    col2d = jnp.pad(edge_index[1].reshape(nchunks, CHUNK),
                    ((0, slots * NW - nchunks), (0, 0)))
    z128 = jnp.zeros((npad, 128), jnp.float32)
    c4 = jnp.concatenate([coord0, jnp.zeros((n, 1), jnp.float32)], axis=1)

    h, c4 = _egcl(params["egcl0"], h0, c4, row2d, col2d, z128,
                  nchunks, slots, npad, False)
    h, c4 = _egcl(params["egcl1"], h, c4, row2d, col2d, z128,
                  nchunks, slots, npad, True)
    h = _gin(params["gin0"], h, row2d, col2d, z128, nchunks, slots, npad)
    h = _gin(params["gin1"], h, row2d, col2d, z128, nchunks, slots, npad)

    n_pool = _cdiv(n, 2048) * 2048
    batch_p = jnp.pad(batch, (0, n_pool - n), constant_values=b)
    h_p = jnp.pad(h, ((0, n_pool - n), (0, 0)))
    sums, maxs = _pool(batch_p, h_p, h_p.T, b)
    c1w = params["c1"]["W"]
    stk = _stack_rows([c1w[2 * HID], params["c1"]["b"], params["c2"]["b"]])
    return _classifier(sums, maxs, g0.reshape(b, 1), c1w[:HID],
                       c1w[HID:2 * HID], params["c2"]["W"], stk)

# --- scband reference (transcript-rebuilt; emitter-appended) ---
"""Pipeline reference for scband-egnn-84447646974711 (READ-ONLY COPY).

The authoritative reference and input builder live on the scoring server;
editing this copy changes nothing except your own understanding.
"""

import jax, jax.numpy as jnp
import numpy as np

N = 10000
E = 320000
D_FEAT = 128
B = 64
HID = 16
NUM_CLASSES = 10

def silu(x):
    return x * jax.nn.sigmoid(x)

def elu01(x):
    return jnp.where(x > 0, x, 0.1 * jnp.expm1(x))

def _lin(key, fan_in, fan_out):
    k1, k2 = jax.random.split(key)
    bound = 1.0 / np.sqrt(fan_in)
    return {"W": jax.random.uniform(k1, (fan_in, fan_out), minval=-bound, maxval=bound, dtype=jnp.float32),
            "b": jax.random.uniform(k2, (fan_out,), minval=-bound, maxval=bound, dtype=jnp.float32)}

def make_params(key):
    ks = jax.random.split(key, 6)
    def egcl(k, inp):
        kk = jax.random.split(k, 6)
        bound = 0.001 * np.sqrt(6.0 / (HID + 1))
        return {"ew1": _lin(kk[0], 2 * inp + 1, HID), "ew2": _lin(kk[1], HID, HID),
                "nw1": _lin(kk[2], HID + inp, HID), "nw2": _lin(kk[3], HID, HID),
                "cw1": _lin(kk[4], HID, HID),
                "cw2": jax.random.uniform(kk[5], (HID, 1), minval=-bound, maxval=bound, dtype=jnp.float32)}
    def gin(k):
        kk = jax.random.split(k, 2)
        return {"l1": _lin(kk[0], HID, HID), "gamma": jnp.ones((HID,), jnp.float32),
                "beta": jnp.zeros((HID,), jnp.float32), "l2": _lin(kk[1], HID, HID)}
    return {"egcl0": egcl(ks[0], D_FEAT), "egcl1": egcl(ks[1], HID),
            "gin0": gin(ks[2]), "gin1": gin(ks[3]),
            "c1": _lin(ks[4], 2 * HID + 1, HID),
            "c2": _lin(ks[5], HID, NUM_CLASSES)}

def _segment_mean(vals, ids, num_segments):
    s = jax.ops.segment_sum(vals, ids, num_segments=num_segments)
    c = jax.ops.segment_sum(jnp.ones((vals.shape[0], 1), vals.dtype), ids, num_segments=num_segments)
    return s / jnp.maximum(c, 1.0)

def egcl_forward(p, h, edge_index, coord, residual):
    row, col = edge_index[0], edge_index[1]
    coord_diff = coord[row] - coord[col]
    radial = jnp.sum(coord_diff ** 2, axis=1, keepdims=True)
    e_in = jnp.concatenate([h[row], h[col], radial], axis=1)
    m = silu(e_in @ p["ew1"]["W"] + p["ew1"]["b"])
    edge_feat = silu(m @ p["ew2"]["W"] + p["ew2"]["b"])
    t = silu(edge_feat @ p["cw1"]["W"] + p["cw1"]["b"])
    trans = coord_diff * (t @ p["cw2"])
    coord_new = coord + _segment_mean(trans, row, h.shape[0])
    agg = jax.ops.segment_sum(edge_feat, row, num_segments=h.shape[0])
    n_in = jnp.concatenate([h, agg], axis=1)
    hn = silu(n_in @ p["nw1"]["W"] + p["nw1"]["b"])
    hn = hn @ p["nw2"]["W"] + p["nw2"]["b"]
    if residual:
        hn = h + hn
    return hn, coord_new

def gin_forward(p, x, edge_index):
    row, col = edge_index[0], edge_index[1]
    agg = jax.ops.segment_sum(x[row], col, num_segments=x.shape[0])
    z = x + agg
    z = z @ p["l1"]["W"] + p["l1"]["b"]
    mu = jnp.mean(z, axis=0)
    var = jnp.var(z, axis=0)
    z = (z - mu) / jnp.sqrt(var + 1e-5) * p["gamma"] + p["beta"]
    z = jax.nn.relu(z)
    z = z @ p["l2"]["W"] + p["l2"]["b"]
    return elu01(z)

def model_forward(params, h0, coord0, g0, edge_index, batch):
    h, coord = egcl_forward(params["egcl0"], h0, edge_index, coord0, False)
    h, coord = egcl_forward(params["egcl1"], h, edge_index, coord, True)
    h = gin_forward(params["gin0"], h, edge_index)
    h = gin_forward(params["gin1"], h, edge_index)
    x1 = _segment_mean(h, batch, B)
    x2 = jax.ops.segment_max(h, batch, num_segments=B)
    x = jnp.concatenate([x1, x2, g0.reshape(-1, 1)], axis=1)
    x = elu01(x @ params["c1"]["W"] + params["c1"]["b"])
    x = x @ params["c2"]["W"] + params["c2"]["b"]
    return jax.nn.softmax(x, axis=1)

def setup_inputs(seed: int = 0):
    key = jax.random.key(seed)
    ks = jax.random.split(key, 6)
    h0 = jax.random.normal(ks[0], (N, D_FEAT), dtype=jnp.float32)
    coord0 = jax.random.normal(ks[1], (N, 3), dtype=jnp.float32)
    g0 = jax.random.normal(ks[2], (B,), dtype=jnp.float32)
    edge_index = jax.random.randint(ks[3], (2, E), 0, N, dtype=jnp.int32)
    batch = jnp.sort(jax.random.randint(ks[4], (N,), 0, B, dtype=jnp.int32))
    params = make_params(ks[5])
    return {"h0": h0, "coord0": coord0, "g0": g0, "edge_index": edge_index, "batch": batch, "params": params}

def reference(h0, coord0, g0, edge_index, batch, params):
    return model_forward(params, h0, coord0, g0, edge_index, batch)

if __name__ == "__main__":
    import jax
    _d = setup_inputs()
    print(jax.jit(kernel)(*tuple(_d.values())))

</pallas_src>

<mosaic_0001>
#map = affine_map<(d0, d1) -> (0, 0)>
module attributes {stable_mosaic.version = 14 : i64} {
  func.func @body(%arg0: i32, %arg1: i32, %arg2: memref<10000x128xf32, #tpu.memory_space<hbm>>, %arg3: memref<2560x128xi32, #tpu.memory_space<hbm>>, %arg4: memref<2560x128xi32, #tpu.memory_space<hbm>>, %arg5: memref<327680x128xf32, #tpu.memory_space<hbm>>, %arg6: memref<327680x128xf32, #tpu.memory_space<hbm>>, %arg7: memref<80x128xi32, #tpu.memory_space<vmem>>, %arg8: memref<80x128xi32, #tpu.memory_space<vmem>>, %arg9: memref<128x128xf32, #tpu.memory_space<vmem>>, %arg10: memref<128x128xf32, #tpu.memory_space<vmem>>, %arg11: memref<!tpu.dma_semaphore, #tpu.memory_space<semaphore_mem>>, %arg12: memref<!tpu.dma_semaphore, #tpu.memory_space<semaphore_mem>>) attributes {dimension_semantics = [#tpu.dimension_semantics<core_parallel>, #tpu.dimension_semantics<subcore_parallel>], iteration_bounds = array<i64: 2, 16>, scalar_prefetch = 0 : i64, scratch_operands = 6 : i64, tpu.core_type = #tpu.core_type<sc_vector_subcore>, window_params = [{transform_indices = #map}, {transform_indices = #map}, {transform_indices = #map}, {transform_indices = #map}, {transform_indices = #map}]} {
    %mul3A = arith.constant 2 : i32
    %mul3A_0 = arith.muli %arg1, %mul3A : i32
    %add3A = arith.addi %mul3A_0, %arg0 : i32
    %mul3A_1 = arith.constant 80 : i32
    %mul3A_2 = arith.muli %add3A, %mul3A_1 : i32
    %sub3A = arith.constant 2500 : i32
    %sub3A_3 = arith.subi %sub3A, %mul3A_2 : i32
    %jit3A = arith.constant 0 : i32
    %jit3A_4 = arith.constant 80 : i32
    %max3A = arith.maxsi %jit3A, %sub3A_3 : i32
    %min3A = arith.minsi %jit3A_4, %max3A : i32
    "tpu.region"() ({
      %run_scoped3A = tpu.sem_alloc : memref<!tpu.dma_semaphore, #tpu.memory_space<semaphore_mem>>
      %dma_start3A = arith.constant 0 : i32
      %dma_start3A_14 = tpu.memref_slice %arg3[%mul3A_2, %dma_start3A] : memref<2560x128xi32, #tpu.memory_space<hbm>> -> memref<80x128xi32, #tpu.memory_space<hbm>>
      %dma_start3A_15 = arith.constant 0 : i32
      %dma_start3A_16 = tpu.memref_slice %arg3[%mul3A_2, %dma_start3A_15] : memref<2560x128xi32, #tpu.memory_space<hbm>> -> memref<80x128xi32, #tpu.memory_space<hbm>>
      tpu.enqueue_dma source(%dma_start3A_16 : memref<80x128xi32, #tpu.memory_space<hbm>>) target(%arg7 : memref<80x128xi32, #tpu.memory_space<vmem>>) target_semaphore(%run_scoped3A : memref<!tpu.dma_semaphore, #tpu.memory_space<semaphore_mem>>)
      %dma_wait3A = arith.constant 0 : i32
      %dma_wait3A_17 = tpu.memref_slice %arg3[%mul3A_2, %dma_wait3A] : memref<2560x128xi32, #tpu.memory_space<hbm>> -> memref<80x128xi32, #tpu.memory_space<hbm>>
      %dma_wait3A_18 = arith.constant 0 : i32
      %dma_wait3A_19 = tpu.memref_slice %arg3[%mul3A_2, %dma_wait3A_18] : memref<2560x128xi32, #tpu.memory_space<hbm>> -> memref<80x128xi32, #tpu.memory_space<hbm>>
      tpu.wait_dma2 semaphore(%run_scoped3A : memref<!tpu.dma_semaphore, #tpu.memory_space<semaphore_mem>>) src(%dma_wait3A_19 : memref<80x128xi32, #tpu.memory_space<hbm>>) dst(%arg7 : memref<80x128xi32, #tpu.memory_space<vmem>>)
      tpu.yield
    }) : () -> ()
    "tpu.region"() ({
      %run_scoped3A = tpu.sem_alloc : memref<!tpu.dma_semaphore, #tpu.memory_space<semaphore_mem>>
      %dma_start3A = arith.constant 0 : i32
      %dma_start3A_14 = tpu.memref_slice %arg4[%mul3A_2, %dma_start3A] : memref<2560x128xi32, #tpu.memory_space<hbm>> -> memref<80x128xi32, #tpu.memory_space<hbm>>
      %dma_start3A_15 = arith.constant 0 : i32
      %dma_start3A_16 = tpu.memref_slice %arg4[%mul3A_2, %dma_start3A_15] : memref<2560x128xi32, #tpu.memory_space<hbm>> -> memref<80x128xi32, #tpu.memory_space<hbm>>
      tpu.enqueue_dma source(%dma_start3A_16 : memref<80x128xi32, #tpu.memory_space<hbm>>) target(%arg8 : memref<80x128xi32, #tpu.memory_space<vmem>>) target_semaphore(%run_scoped3A : memref<!tpu.dma_semaphore, #tpu.memory_space<semaphore_mem>>)
      %dma_wait3A = arith.constant 0 : i32
      %dma_wait3A_17 = tpu.memref_slice %arg4[%mul3A_2, %dma_wait3A] : memref<2560x128xi32, #tpu.memory_space<hbm>> -> memref<80x128xi32, #tpu.memory_space<hbm>>
      %dma_wait3A_18 = arith.constant 0 : i32
      %dma_wait3A_19 = tpu.memref_slice %arg4[%mul3A_2, %dma_wait3A_18] : memref<2560x128xi32, #tpu.memory_space<hbm>> -> memref<80x128xi32, #tpu.memory_space<hbm>>
      tpu.wait_dma2 semaphore(%run_scoped3A : memref<!tpu.dma_semaphore, #tpu.memory_space<semaphore_mem>>) src(%dma_wait3A_19 : memref<80x128xi32, #tpu.memory_space<hbm>>) dst(%arg8 : memref<80x128xi32, #tpu.memory_space<vmem>>)
      tpu.yield
    }) : () -> ()
    %while3A = arith.constant 0 : i32
    %while3A_5 = arith.constant 0 : i32
    %while3A_6 = arith.subi %min3A, %while3A_5 : i32
    %while3A_7 = arith.addi %while3A_5, %while3A_6 : i32
    %while3A_8 = arith.constant 1 : i32
    %while3A_9 = arith.divsi %while3A_6, %while3A_8 : i32
    %while3A_10 = arith.muli %while3A_9, %while3A_8 : i32
    %while3A_11 = arith.addi %while3A_5, %while3A_10 : i32
    %while3A_12 = arith.constant 1 : i32
    scf.for %while3A_14 = %while3A_5 to %while3A_11 step %while3A_12  : i32 {
      %add3A_15 = arith.addi %mul3A_2, %while3A_14 : i32
      %dma_start3A = arith.constant 0 : i32
      %dma_start3A_16 = tpu.memref_slice %arg7[%while3A_14, %dma_start3A] : memref<80x128xi32, #tpu.memory_space<vmem>> -> memref<1x128xi32, #tpu.memory_space<vmem>>
      %dma_start3A_17 = tpu.memref_squeeze %dma_start3A_16 : memref<1x128xi32, #tpu.memory_space<vmem>> -> memref<128xi32, #tpu.memory_space<vmem>>
      %dma_start3A_18 = arith.constant 0 : i32
      %dma_start3A_19 = arith.constant 0 : i32
      %dma_start3A_20 = tpu.memref_slice %arg2[%dma_start3A_18, %dma_start3A_19] : memref<10000x128xf32, #tpu.memory_space<hbm>> -> memref<10000x128xf32, #tpu.memory_space<hbm>>
      tpu.enqueue_indirect_dma source(%dma_start3A_20 : memref<10000x128xf32, #tpu.memory_space<hbm>>) target(%arg9 : memref<128x128xf32, #tpu.memory_space<vmem>>) offsets(%dma_start3A_17 : memref<128xi32, #tpu.memory_space<vmem>>) semaphore(%arg11 : memref<!tpu.dma_semaphore, #tpu.memory_space<semaphore_mem>>)
      %dma_start3A_21 = arith.constant 0 : i32
      %dma_start3A_22 = tpu.memref_slice %arg8[%while3A_14, %dma_start3A_21] : memref<80x128xi32, #tpu.memory_space<vmem>> -> memref<1x128xi32, #tpu.memory_space<vmem>>
      %dma_start3A_23 = tpu.memref_squeeze %dma_start3A_22 : memref<1x128xi32, #tpu.memory_space<vmem>> -> memref<128xi32, #tpu.memory_space<vmem>>
      %dma_start3A_24 = arith.constant 0 : i32
      %dma_start3A_25 = arith.constant 0 : i32
      %dma_start3A_26 = tpu.memref_slice %arg2[%dma_start3A_24, %dma_start3A_25] : memref<10000x128xf32, #tpu.memory_space<hbm>> -> memref<10000x128xf32, #tpu.memory_space<hbm>>
      tpu.enqueue_indirect_dma source(%dma_start3A_26 : memref<10000x128xf32, #tpu.memory_space<hbm>>) target(%arg10 : memref<128x128xf32, #tpu.memory_space<vmem>>) offsets(%dma_start3A_23 : memref<128xi32, #tpu.memory_space<vmem>>) semaphore(%arg12 : memref<!tpu.dma_semaphore, #tpu.memory_space<semaphore_mem>>)
      %dma_wait3A = arith.constant 0 : i32
      %dma_wait3A_27 = tpu.memref_slice %arg7[%while3A_14, %dma_wait3A] : memref<80x128xi32, #tpu.memory_space<vmem>> -> memref<1x128xi32, #tpu.memory_space<vmem>>
      %dma_wait3A_28 = tpu.memref_squeeze %dma_wait3A_27 : memref<1x128xi32, #tpu.memory_space<vmem>> -> memref<128xi32, #tpu.memory_space<vmem>>
      %dma_wait3A_29 = arith.constant 0 : i32
      %dma_wait3A_30 = arith.constant 0 : i32
      %dma_wait3A_31 = tpu.memref_slice %arg2[%dma_wait3A_29, %dma_wait3A_30] : memref<10000x128xf32, #tpu.memory_space<hbm>> -> memref<10000x128xf32, #tpu.memory_space<hbm>>
      tpu.wait_indirect_dma semaphore(%arg11 : memref<!tpu.dma_semaphore, #tpu.memory_space<semaphore_mem>>) src(%dma_wait3A_31 : memref<10000x128xf32, #tpu.memory_space<hbm>>) dst(%arg9 : memref<128x128xf32, #tpu.memory_space<vmem>>)
      %mul3A_32 = arith.constant 128 : i32
      %mul3A_33 = arith.muli %add3A_15, %mul3A_32 : i32
      "tpu.region"() ({
        %run_scoped3A = tpu.sem_alloc : memref<!tpu.dma_semaphore, #tpu.memory_space<semaphore_mem>>
        %dma_start3A_42 = arith.constant 0 : i32
        %dma_start3A_43 = tpu.memref_slice %arg5[%mul3A_33, %dma_start3A_42] : memref<327680x128xf32, #tpu.memory_space<hbm>> -> memref<128x128xf32, #tpu.memory_space<hbm>>
        %dma_start3A_44 = arith.constant 0 : i32
        %dma_start3A_45 = tpu.memref_slice %arg5[%mul3A_33, %dma_start3A_44] : memref<327680x128xf32, #tpu.memory_space<hbm>> -> memref<128x128xf32, #tpu.memory_space<hbm>>
        tpu.enqueue_dma source(%arg9 : memref<128x128xf32, #tpu.memory_space<vmem>>) target(%dma_start3A_45 : memref<128x128xf32, #tpu.memory_space<hbm>>) target_semaphore(%run_scoped3A : memref<!tpu.dma_semaphore, #tpu.memory_space<semaphore_mem>>)
        %dma_wait3A_46 = arith.constant 0 : i32
        %dma_wait3A_47 = tpu.memref_slice %arg5[%mul3A_33, %dma_wait3A_46] : memref<327680x128xf32, #tpu.memory_space<hbm>> -> memref<128x128xf32, #tpu.memory_space<hbm>>
        %dma_wait3A_48 = arith.constant 0 : i32
        %dma_wait3A_49 = tpu.memref_slice %arg5[%mul3A_33, %dma_wait3A_48] : memref<327680x128xf32, #tpu.memory_space<hbm>> -> memref<128x128xf32, #tpu.memory_space<hbm>>
        tpu.wait_dma2 semaphore(%run_scoped3A : memref<!tpu.dma_semaphore, #tpu.memory_space<semaphore_mem>>) src(%arg9 : memref<128x128xf32, #tpu.memory_space<vmem>>) dst(%dma_wait3A_49 : memref<128x128xf32, #tpu.memory_space<hbm>>)
        tpu.yield
      }) : () -> ()
      %dma_wait3A_34 = arith.constant 0 : i32
      %dma_wait3A_35 = tpu.memref_slice %arg8[%while3A_14, %dma_wait3A_34] : memref<80x128xi32, #tpu.memory_space<vmem>> -> memref<1x128xi32, #tpu.memory_space<vmem>>
      %dma_wait3A_36 = tpu.memref_squeeze %dma_wait3A_35 : memref<1x128xi32, #tpu.memory_space<vmem>> -> memref<128xi32, #tpu.memory_space<vmem>>
      %dma_wait3A_37 = arith.constant 0 : i32
      %dma_wait3A_38 = arith.constant 0 : i32
      %dma_wait3A_39 = tpu.memref_slice %arg2[%dma_wait3A_37, %dma_wait3A_38] : memref<10000x128xf32, #tpu.memory_space<hbm>> -> memref<10000x128xf32, #tpu.memory_space<hbm>>
      tpu.wait_indirect_dma semaphore(%arg12 : memref<!tpu.dma_semaphore, #tpu.memory_space<semaphore_mem>>) src(%dma_wait3A_39 : memref<10000x128xf32, #tpu.memory_space<hbm>>) dst(%arg10 : memref<128x128xf32, #tpu.memory_space<vmem>>)
      %mul3A_40 = arith.constant 128 : i32
      %mul3A_41 = arith.muli %add3A_15, %mul3A_40 : i32
      "tpu.region"() ({
        %run_scoped3A = tpu.sem_alloc : memref<!tpu.dma_semaphore, #tpu.memory_space<semaphore_mem>>
        %dma_start3A_42 = arith.constant 0 : i32
        %dma_start3A_43 = tpu.memref_slice %arg6[%mul3A_41, %dma_start3A_42] : memref<327680x128xf32, #tpu.memory_space<hbm>> -> memref<128x128xf32, #tpu.memory_space<hbm>>
        %dma_start3A_44 = arith.constant 0 : i32
        %dma_start3A_45 = tpu.memref_slice %arg6[%mul3A_41, %dma_start3A_44] : memref<327680x128xf32, #tpu.memory_space<hbm>> -> memref<128x128xf32, #tpu.memory_space<hbm>>
        tpu.enqueue_dma source(%arg10 : memref<128x128xf32, #tpu.memory_space<vmem>>) target(%dma_start3A_45 : memref<128x128xf32, #tpu.memory_space<hbm>>) target_semaphore(%run_scoped3A : memref<!tpu.dma_semaphore, #tpu.memory_space<semaphore_mem>>)
        %dma_wait3A_46 = arith.constant 0 : i32
        %dma_wait3A_47 = tpu.memref_slice %arg6[%mul3A_41, %dma_wait3A_46] : memref<327680x128xf32, #tpu.memory_space<hbm>> -> memref<128x128xf32, #tpu.memory_space<hbm>>
        %dma_wait3A_48 = arith.constant 0 : i32
        %dma_wait3A_49 = tpu.memref_slice %arg6[%mul3A_41, %dma_wait3A_48] : memref<327680x128xf32, #tpu.memory_space<hbm>> -> memref<128x128xf32, #tpu.memory_space<hbm>>
        tpu.wait_dma2 semaphore(%run_scoped3A : memref<!tpu.dma_semaphore, #tpu.memory_space<semaphore_mem>>) src(%arg10 : memref<128x128xf32, #tpu.memory_space<vmem>>) dst(%dma_wait3A_49 : memref<128x128xf32, #tpu.memory_space<hbm>>)
        tpu.yield
      }) : () -> ()
    }
    %while3A_13 = arith.constant 1 : i32
    scf.for %while3A_14 = %while3A_11 to %while3A_7 step %while3A_13  : i32 {
      %add3A_15 = arith.addi %mul3A_2, %while3A_14 : i32
      %dma_start3A = arith.constant 0 : i32
      %dma_start3A_16 = tpu.memref_slice %arg7[%while3A_14, %dma_start3A] : memref<80x128xi32, #tpu.memory_space<vmem>> -> memref<1x128xi32, #tpu.memory_space<vmem>>
      %dma_start3A_17 = tpu.memref_squeeze %dma_start3A_16 : memref<1x128xi32, #tpu.memory_space<vmem>> -> memref<128xi32, #tpu.memory_space<vmem>>
      %dma_start3A_18 = arith.constant 0 : i32
      %dma_start3A_19 = arith.constant 0 : i32
      %dma_start3A_20 = tpu.memref_slice %arg2[%dma_start3A_18, %dma_start3A_19] : memref<10000x128xf32, #tpu.memory_space<hbm>> -> memref<10000x128xf32, #tpu.memory_space<hbm>>
      tpu.enqueue_indirect_dma source(%dma_start3A_20 : memref<10000x128xf32, #tpu.memory_space<hbm>>) target(%arg9 : memref<128x128xf32, #tpu.memory_space<vmem>>) offsets(%dma_start3A_17 : memref<128xi32, #tpu.memory_space<vmem>>) semaphore(%arg11 : memref<!tpu.dma_semaphore, #tpu.memory_space<semaphore_mem>>)
      %dma_start3A_21 = arith.constant 0 : i32
      %dma_start3A_22 = tpu.memref_slice %arg8[%while3A_14, %dma_start3A_21] : memref<80x128xi32, #tpu.memory_space<vmem>> -> memref<1x128xi32, #tpu.memory_space<vmem>>
      %dma_start3A_23 = tpu.memref_squeeze %dma_start3A_22 : memref<1x128xi32, #tpu.memory_space<vmem>> -> memref<128xi32, #tpu.memory_space<vmem>>
      %dma_start3A_24 = arith.constant 0 : i32
      %dma_start3A_25 = arith.constant 0 : i32
      %dma_start3A_26 = tpu.memref_slice %arg2[%dma_start3A_24, %dma_start3A_25] : memref<10000x128xf32, #tpu.memory_space<hbm>> -> memref<10000x128xf32, #tpu.memory_space<hbm>>
      tpu.enqueue_indirect_dma source(%dma_start3A_26 : memref<10000x128xf32, #tpu.memory_space<hbm>>) target(%arg10 : memref<128x128xf32, #tpu.memory_space<vmem>>) offsets(%dma_start3A_23 : memref<128xi32, #tpu.memory_space<vmem>>) semaphore(%arg12 : memref<!tpu.dma_semaphore, #tpu.memory_space<semaphore_mem>>)
      %dma_wait3A = arith.constant 0 : i32
      %dma_wait3A_27 = tpu.memref_slice %arg7[%while3A_14, %dma_wait3A] : memref<80x128xi32, #tpu.memory_space<vmem>> -> memref<1x128xi32, #tpu.memory_space<vmem>>
      %dma_wait3A_28 = tpu.memref_squeeze %dma_wait3A_27 : memref<1x128xi32, #tpu.memory_space<vmem>> -> memref<128xi32, #tpu.memory_space<vmem>>
      %dma_wait3A_29 = arith.constant 0 : i32
      %dma_wait3A_30 = arith.constant 0 : i32
      %dma_wait3A_31 = tpu.memref_slice %arg2[%dma_wait3A_29, %dma_wait3A_30] : memref<10000x128xf32, #tpu.memory_space<hbm>> -> memref<10000x128xf32, #tpu.memory_space<hbm>>
      tpu.wait_indirect_dma semaphore(%arg11 : memref<!tpu.dma_semaphore, #tpu.memory_space<semaphore_mem>>) src(%dma_wait3A_31 : memref<10000x128xf32, #tpu.memory_space<hbm>>) dst(%arg9 : memref<128x128xf32, #tpu.memory_space<vmem>>)
      %mul3A_32 = arith.constant 128 : i32
      %mul3A_33 = arith.muli %add3A_15, %mul3A_32 : i32
      "tpu.region"() ({
        %run_scoped3A = tpu.sem_alloc : memref<!tpu.dma_semaphore, #tpu.memory_space<semaphore_mem>>
        %dma_start3A_42 = arith.constant 0 : i32
        %dma_start3A_43 = tpu.memref_slice %arg5[%mul3A_33, %dma_start3A_42] : memref<327680x128xf32, #tpu.memory_space<hbm>> -> memref<128x128xf32, #tpu.memory_space<hbm>>
        %dma_start3A_44 = arith.constant 0 : i32
        %dma_start3A_45 = tpu.memref_slice %arg5[%mul3A_33, %dma_start3A_44] : memref<327680x128xf32, #tpu.memory_space<hbm>> -> memref<128x128xf32, #tpu.memory_space<hbm>>
        tpu.enqueue_dma source(%arg9 : memref<128x128xf32, #tpu.memory_space<vmem>>) target(%dma_start3A_45 : memref<128x128xf32, #tpu.memory_space<hbm>>) target_semaphore(%run_scoped3A : memref<!tpu.dma_semaphore, #tpu.memory_space<semaphore_mem>>)
        %dma_wait3A_46 = arith.constant 0 : i32
        %dma_wait3A_47 = tpu.memref_slice %arg5[%mul3A_33, %dma_wait3A_46] : memref<327680x128xf32, #tpu.memory_space<hbm>> -> memref<128x128xf32, #tpu.memory_space<hbm>>
        %dma_wait3A_48 = arith.constant 0 : i32
        %dma_wait3A_49 = tpu.memref_slice %arg5[%mul3A_33, %dma_wait3A_48] : memref<327680x128xf32, #tpu.memory_space<hbm>> -> memref<128x128xf32, #tpu.memory_space<hbm>>
        tpu.wait_dma2 semaphore(%run_scoped3A : memref<!tpu.dma_semaphore, #tpu.memory_space<semaphore_mem>>) src(%arg9 : memref<128x128xf32, #tpu.memory_space<vmem>>) dst(%dma_wait3A_49 : memref<128x128xf32, #tpu.memory_space<hbm>>)
        tpu.yield
      }) : () -> ()
      %dma_wait3A_34 = arith.constant 0 : i32
      %dma_wait3A_35 = tpu.memref_slice %arg8[%while3A_14, %dma_wait3A_34] : memref<80x128xi32, #tpu.memory_space<vmem>> -> memref<1x128xi32, #tpu.memory_space<vmem>>
      %dma_wait3A_36 = tpu.memref_squeeze %dma_wait3A_35 : memref<1x128xi32, #tpu.memory_space<vmem>> -> memref<128xi32, #tpu.memory_space<vmem>>
      %dma_wait3A_37 = arith.constant 0 : i32
      %dma_wait3A_38 = arith.constant 0 : i32
      %dma_wait3A_39 = tpu.memref_slice %arg2[%dma_wait3A_37, %dma_wait3A_38] : memref<10000x128xf32, #tpu.memory_space<hbm>> -> memref<10000x128xf32, #tpu.memory_space<hbm>>
      tpu.wait_indirect_dma semaphore(%arg12 : memref<!tpu.dma_semaphore, #tpu.memory_space<semaphore_mem>>) src(%dma_wait3A_39 : memref<10000x128xf32, #tpu.memory_space<hbm>>) dst(%arg10 : memref<128x128xf32, #tpu.memory_space<vmem>>)
      %mul3A_40 = arith.constant 128 : i32
      %mul3A_41 = arith.muli %add3A_15, %mul3A_40 : i32
      "tpu.region"() ({
        %run_scoped3A = tpu.sem_alloc : memref<!tpu.dma_semaphore, #tpu.memory_space<semaphore_mem>>
        %dma_start3A_42 = arith.constant 0 : i32
        %dma_start3A_43 = tpu.memref_slice %arg6[%mul3A_41, %dma_start3A_42] : memref<327680x128xf32, #tpu.memory_space<hbm>> -> memref<128x128xf32, #tpu.memory_space<hbm>>
        %dma_start3A_44 = arith.constant 0 : i32
        %dma_start3A_45 = tpu.memref_slice %arg6[%mul3A_41, %dma_start3A_44] : memref<327680x128xf32, #tpu.memory_space<hbm>> -> memref<128x128xf32, #tpu.memory_space<hbm>>
        tpu.enqueue_dma source(%arg10 : memref<128x128xf32, #tpu.memory_space<vmem>>) target(%dma_start3A_45 : memref<128x128xf32, #tpu.memory_space<hbm>>) target_semaphore(%run_scoped3A : memref<!tpu.dma_semaphore, #tpu.memory_space<semaphore_mem>>)
        %dma_wait3A_46 = arith.constant 0 : i32
        %dma_wait3A_47 = tpu.memref_slice %arg6[%mul3A_41, %dma_wait3A_46] : memref<327680x128xf32, #tpu.memory_space<hbm>> -> memref<128x128xf32, #tpu.memory_space<hbm>>
        %dma_wait3A_48 = arith.constant 0 : i32
        %dma_wait3A_49 = tpu.memref_slice %arg6[%mul3A_41, %dma_wait3A_48] : memref<327680x128xf32, #tpu.memory_space<hbm>> -> memref<128x128xf32, #tpu.memory_space<hbm>>
        tpu.wait_dma2 semaphore(%run_scoped3A : memref<!tpu.dma_semaphore, #tpu.memory_space<semaphore_mem>>) src(%arg10 : memref<128x128xf32, #tpu.memory_space<vmem>>) dst(%dma_wait3A_49 : memref<128x128xf32, #tpu.memory_space<hbm>>)
        tpu.yield
      }) : () -> ()
    }
    return
  }
}

#map = affine_map<(d0, d1) -> (0, 0)>
#map1 = affine_map<(d0, d1) -> (0, 0, 0)>
module attributes {stable_mosaic.version = 14 : i64} {
  func.func @body(%arg0: i32, %arg1: i32, %arg2: memref<320000x128xf32, #tpu.memory_space<hbm>>, %arg3: memref<2560x128xi32, #tpu.memory_space<hbm>>, %arg4: memref<10112x128xf32, #tpu.memory_space<hbm>>, %arg5: memref<2x10112x128xf32, #tpu.memory_space<hbm>>, %arg6: memref<80x128xi32, #tpu.memory_space<vmem>>, %arg7: memref<128x128xf32, #tpu.memory_space<vmem>>, %arg8: memref<10112x128xf32, #tpu.memory_space<vmem_shared>>) attributes {dimension_semantics = [#tpu.dimension_semantics<core_parallel>, #tpu.dimension_semantics<subcore_parallel>], iteration_bounds = array<i64: 2, 16>, scalar_prefetch = 0 : i64, scratch_operands = 3 : i64, tpu.core_type = #tpu.core_type<sc_vector_subcore>, window_params = [{transform_indices = #map}, {transform_indices = #map}, {transform_indices = #map}, {transform_indices = #map1}]} {
    %mul3A = arith.constant 2 : i32
    %mul3A_0 = arith.muli %arg1, %mul3A : i32
    %add3A = arith.addi %mul3A_0, %arg0 : i32
    %mul3A_1 = arith.constant 80 : i32
    %mul3A_2 = arith.muli %add3A, %mul3A_1 : i32
    %sub3A = arith.constant 2500 : i32
    %sub3A_3 = arith.subi %sub3A, %mul3A_2 : i32
    %jit3A = arith.constant 0 : i32
    %jit3A_4 = arith.constant 80 : i32
    %max3A = arith.maxsi %jit3A, %sub3A_3 : i32
    %min3A = arith.minsi %jit3A_4, %max3A : i32
    %mul3A_5 = arith.constant 632 : i32
    %mul3A_6 = arith.muli %arg1, %mul3A_5 : i32
    "tpu.region"() ({
      %run_scoped3A = tpu.sem_alloc : memref<!tpu.dma_semaphore, #tpu.memory_space<semaphore_mem>>
      %dma_start3A = arith.constant 0 : i32
      %dma_start3A_17 = tpu.memref_slice %arg8[%mul3A_6, %dma_start3A] : memref<10112x128xf32, #tpu.memory_space<vmem_shared>> -> memref<632x128xf32, #tpu.memory_space<vmem_shared>>
      %dma_start3A_18 = arith.constant 0 : i32
      %dma_start3A_19 = tpu.memref_slice %arg4[%mul3A_6, %dma_start3A_18] : memref<10112x128xf32, #tpu.memory_space<hbm>> -> memref<632x128xf32, #tpu.memory_space<hbm>>
      tpu.enqueue_dma source(%dma_start3A_19 : memref<632x128xf32, #tpu.memory_space<hbm>>) target(%dma_start3A_17 : memref<632x128xf32, #tpu.memory_space<vmem_shared>>) target_semaphore(%run_scoped3A : memref<!tpu.dma_semaphore, #tpu.memory_space<semaphore_mem>>)
      %dma_wait3A = arith.constant 0 : i32
      %dma_wait3A_20 = tpu.memref_slice %arg8[%mul3A_6, %dma_wait3A] : memref<10112x128xf32, #tpu.memory_space<vmem_shared>> -> memref<632x128xf32, #tpu.memory_space<vmem_shared>>
      %dma_wait3A_21 = arith.constant 0 : i32
      %dma_wait3A_22 = tpu.memref_slice %arg4[%mul3A_6, %dma_wait3A_21] : memref<10112x128xf32, #tpu.memory_space<hbm>> -> memref<632x128xf32, #tpu.memory_space<hbm>>
      tpu.wait_dma2 semaphore(%run_scoped3A : memref<!tpu.dma_semaphore, #tpu.memory_space<semaphore_mem>>) src(%dma_wait3A_22 : memref<632x128xf32, #tpu.memory_space<hbm>>) dst(%dma_wait3A_20 : memref<632x128xf32, #tpu.memory_space<vmem_shared>>)
      tpu.yield
    }) : () -> ()
    "tpu.region"() ({
      %run_scoped3A = tpu.sem_alloc : memref<!tpu.dma_semaphore, #tpu.memory_space<semaphore_mem>>
      %dma_start3A = arith.constant 0 : i32
      %dma_start3A_17 = tpu.memref_slice %arg3[%mul3A_2, %dma_start3A] : memref<2560x128xi32, #tpu.memory_space<hbm>> -> memref<80x128xi32, #tpu.memory_space<hbm>>
      %dma_start3A_18 = arith.constant 0 : i32
      %dma_start3A_19 = tpu.memref_slice %arg3[%mul3A_2, %dma_start3A_18] : memref<2560x128xi32, #tpu.memory_space<hbm>> -> memref<80x128xi32, #tpu.memory_space<hbm>>
      tpu.enqueue_dma source(%dma_start3A_19 : memref<80x128xi32, #tpu.memory_space<hbm>>) target(%arg6 : memref<80x128xi32, #tpu.memory_space<vmem>>) target_semaphore(%run_scoped3A : memref<!tpu.dma_semaphore, #tpu.memory_space<semaphore_mem>>)
      %dma_wait3A = arith.constant 0 : i32
      %dma_wait3A_20 = tpu.memref_slice %arg3[%mul3A_2, %dma_wait3A] : memref<2560x128xi32, #tpu.memory_space<hbm>> -> memref<80x128xi32, #tpu.memory_space<hbm>>
      %dma_wait3A_21 = arith.constant 0 : i32
      %dma_wait3A_22 = tpu.memref_slice %arg3[%mul3A_2, %dma_wait3A_21] : memref<2560x128xi32, #tpu.memory_space<hbm>> -> memref<80x128xi32, #tpu.memory_space<hbm>>
      tpu.wait_dma2 semaphore(%run_scoped3A : memref<!tpu.dma_semaphore, #tpu.memory_space<semaphore_mem>>) src(%dma_wait3A_22 : memref<80x128xi32, #tpu.memory_space<hbm>>) dst(%arg6 : memref<80x128xi32, #tpu.memory_space<vmem>>)
      tpu.yield
    }) : () -> ()
    %barrier3A = arith.constant 0 : index
    tpu.barrier barrier_id(%barrier3A)
    %while3A = arith.constant 0 : i32
    %while3A_7 = arith.constant 0 : i32
    %while3A_8 = arith.subi %min3A, %while3A_7 : i32
    %while3A_9 = arith.addi %while3A_7, %while3A_8 : i32
    %while3A_10 = arith.constant 1 : i32
    %while3A_11 = arith.divsi %while3A_8, %while3A_10 : i32
    %while3A_12 = arith.muli %while3A_11, %while3A_10 : i32
    %while3A_13 = arith.addi %while3A_7, %while3A_12 : i32
    %while3A_14 = arith.constant 1 : i32
    scf.for %while3A_17 = %while3A_7 to %while3A_13 step %while3A_14  : i32 {
      %add3A_18 = arith.addi %mul3A_2, %while3A_17 : i32
      %mul3A_19 = arith.constant 128 : i32
      %mul3A_20 = arith.muli %add3A_18, %mul3A_19 : i32
      "tpu.region"() ({
        %run_scoped3A = tpu.sem_alloc : memref<!tpu.dma_semaphore, #tpu.memory_space<semaphore_mem>>
        %dma_start3A = arith.constant 0 : i32
        %dma_start3A_21 = tpu.memref_slice %arg2[%mul3A_20, %dma_start3A] : memref<320000x128xf32, #tpu.memory_space<hbm>> -> memref<128x128xf32, #tpu.memory_space<hbm>>
        %dma_start3A_22 = arith.constant 0 : i32
        %dma_start3A_23 = tpu.memref_slice %arg2[%mul3A_20, %dma_start3A_22] : memref<320000x128xf32, #tpu.memory_space<hbm>> -> memref<128x128xf32, #tpu.memory_space<hbm>>
        tpu.enqueue_dma source(%dma_start3A_23 : memref<128x128xf32, #tpu.memory_space<hbm>>) target(%arg7 : memref<128x128xf32, #tpu.memory_space<vmem>>) target_semaphore(%run_scoped3A : memref<!tpu.dma_semaphore, #tpu.memory_space<semaphore_mem>>)
        %dma_wait3A = arith.constant 0 : i32
        %dma_wait3A_24 = tpu.memref_slice %arg2[%mul3A_20, %dma_wait3A] : memref<320000x128xf32, #tpu.memory_space<hbm>> -> memref<128x128xf32, #tpu.memory_space<hbm>>
        %dma_wait3A_25 = arith.constant 0 : i32
        %dma_wait3A_26 = tpu.memref_slice %arg2[%mul3A_20, %dma_wait3A_25] : memref<320000x128xf32, #tpu.memory_space<hbm>> -> memref<128x128xf32, #tpu.memory_space<hbm>>
        tpu.wait_dma2 semaphore(%run_scoped3A : memref<!tpu.dma_semaphore, #tpu.memory_space<semaphore_mem>>) src(%dma_wait3A_26 : memref<128x128xf32, #tpu.memory_space<hbm>>) dst(%arg7 : memref<128x128xf32, #tpu.memory_space<vmem>>)
        tpu.yield
      }) : () -> ()
      "tpu.region"() ({
        %run_scoped3A = tpu.sem_alloc : memref<!tpu.dma_semaphore, #tpu.memory_space<semaphore_mem>>
        %dma_start3A = arith.constant 0 : i32
        %dma_start3A_21 = tpu.memref_slice %arg6[%while3A_17, %dma_start3A] : memref<80x128xi32, #tpu.memory_space<vmem>> -> memref<1x128xi32, #tpu.memory_space<vmem>>
        %dma_start3A_22 = tpu.memref_squeeze %dma_start3A_21 : memref<1x128xi32, #tpu.memory_space<vmem>> -> memref<128xi32, #tpu.memory_space<vmem>>
        %dma_start3A_23 = arith.constant 0 : i32
        %dma_start3A_24 = arith.constant 0 : i32
        %dma_start3A_25 = tpu.memref_slice %arg8[%dma_start3A_23, %dma_start3A_24] : memref<10112x128xf32, #tpu.memory_space<vmem_shared>> -> memref<10112x128xf32, #tpu.memory_space<vmem_shared>>
        tpu.enqueue_indirect_dma source(%arg7 : memref<128x128xf32, #tpu.memory_space<vmem>>) target(%dma_start3A_25 : memref<10112x128xf32, #tpu.memory_space<vmem_shared>>) offsets(%dma_start3A_22 : memref<128xi32, #tpu.memory_space<vmem>>) semaphore(%run_scoped3A : memref<!tpu.dma_semaphore, #tpu.memory_space<semaphore_mem>>) {add = true}
        %dma_wait3A = arith.constant 0 : i32
        %dma_wait3A_26 = tpu.memref_slice %arg6[%while3A_17, %dma_wait3A] : memref<80x128xi32, #tpu.memory_space<vmem>> -> memref<1x128xi32, #tpu.memory_space<vmem>>
        %dma_wait3A_27 = tpu.memref_squeeze %dma_wait3A_26 : memref<1x128xi32, #tpu.memory_space<vmem>> -> memref<128xi32, #tpu.memory_space<vmem>>
        %dma_wait3A_28 = arith.constant 0 : i32
        %dma_wait3A_29 = arith.constant 0 : i32
        %dma_wait3A_30 = tpu.memref_slice %arg8[%dma_wait3A_28, %dma_wait3A_29] : memref<10112x128xf32, #tpu.memory_space<vmem_shared>> -> memref<10112x128xf32, #tpu.memory_space<vmem_shared>>
        tpu.wait_indirect_dma semaphore(%run_scoped3A : memref<!tpu.dma_semaphore, #tpu.memory_space<semaphore_mem>>) src(%arg7 : memref<128x128xf32, #tpu.memory_space<vmem>>) dst(%dma_wait3A_30 : memref<10112x128xf32, #tpu.memory_space<vmem_shared>>)
        tpu.yield
      }) : () -> ()
    }
    %while3A_15 = arith.constant 1 : i32
    scf.for %while3A_17 = %while3A_13 to %while3A_9 step %while3A_15  : i32 {
      %add3A_18 = arith.addi %mul3A_2, %while3A_17 : i32
      %mul3A_19 = arith.constant 128 : i32
      %mul3A_20 = arith.muli %add3A_18, %mul3A_19 : i32
      "tpu.region"() ({
        %run_scoped3A = tpu.sem_alloc : memref<!tpu.dma_semaphore, #tpu.memory_space<semaphore_mem>>
        %dma_start3A = arith.constant 0 : i32
        %dma_start3A_21 = tpu.memref_slice %arg2[%mul3A_20, %dma_start3A] : memref<320000x128xf32, #tpu.memory_space<hbm>> -> memref<128x128xf32, #tpu.memory_space<hbm>>
        %dma_start3A_22 = arith.constant 0 : i32
        %dma_start3A_23 = tpu.memref_slice %arg2[%mul3A_20, %dma_start3A_22] : memref<320000x128xf32, #tpu.memory_space<hbm>> -> memref<128x128xf32, #tpu.memory_space<hbm>>
        tpu.enqueue_dma source(%dma_start3A_23 : memref<128x128xf32, #tpu.memory_space<hbm>>) target(%arg7 : memref<128x128xf32, #tpu.memory_space<vmem>>) target_semaphore(%run_scoped3A : memref<!tpu.dma_semaphore, #tpu.memory_space<semaphore_mem>>)
        %dma_wait3A = arith.constant 0 : i32
        %dma_wait3A_24 = tpu.memref_slice %arg2[%mul3A_20, %dma_wait3A] : memref<320000x128xf32, #tpu.memory_space<hbm>> -> memref<128x128xf32, #tpu.memory_space<hbm>>
        %dma_wait3A_25 = arith.constant 0 : i32
        %dma_wait3A_26 = tpu.memref_slice %arg2[%mul3A_20, %dma_wait3A_25] : memref<320000x128xf32, #tpu.memory_space<hbm>> -> memref<128x128xf32, #tpu.memory_space<hbm>>
        tpu.wait_dma2 semaphore(%run_scoped3A : memref<!tpu.dma_semaphore, #tpu.memory_space<semaphore_mem>>) src(%dma_wait3A_26 : memref<128x128xf32, #tpu.memory_space<hbm>>) dst(%arg7 : memref<128x128xf32, #tpu.memory_space<vmem>>)
        tpu.yield
      }) : () -> ()
      "tpu.region"() ({
        %run_scoped3A = tpu.sem_alloc : memref<!tpu.dma_semaphore, #tpu.memory_space<semaphore_mem>>
        %dma_start3A = arith.constant 0 : i32
        %dma_start3A_21 = tpu.memref_slice %arg6[%while3A_17, %dma_start3A] : memref<80x128xi32, #tpu.memory_space<vmem>> -> memref<1x128xi32, #tpu.memory_space<vmem>>
        %dma_start3A_22 = tpu.memref_squeeze %dma_start3A_21 : memref<1x128xi32, #tpu.memory_space<vmem>> -> memref<128xi32, #tpu.memory_space<vmem>>
        %dma_start3A_23 = arith.constant 0 : i32
        %dma_start3A_24 = arith.constant 0 : i32
        %dma_start3A_25 = tpu.memref_slice %arg8[%dma_start3A_23, %dma_start3A_24] : memref<10112x128xf32, #tpu.memory_space<vmem_shared>> -> memref<10112x128xf32, #tpu.memory_space<vmem_shared>>
        tpu.enqueue_indirect_dma source(%arg7 : memref<128x128xf32, #tpu.memory_space<vmem>>) target(%dma_start3A_25 : memref<10112x128xf32, #tpu.memory_space<vmem_shared>>) offsets(%dma_start3A_22 : memref<128xi32, #tpu.memory_space<vmem>>) semaphore(%run_scoped3A : memref<!tpu.dma_semaphore, #tpu.memory_space<semaphore_mem>>) {add = true}
        %dma_wait3A = arith.constant 0 : i32
        %dma_wait3A_26 = tpu.memref_slice %arg6[%while3A_17, %dma_wait3A] : memref<80x128xi32, #tpu.memory_space<vmem>> -> memref<1x128xi32, #tpu.memory_space<vmem>>
        %dma_wait3A_27 = tpu.memref_squeeze %dma_wait3A_26 : memref<1x128xi32, #tpu.memory_space<vmem>> -> memref<128xi32, #tpu.memory_space<vmem>>
        %dma_wait3A_28 = arith.constant 0 : i32
        %dma_wait3A_29 = arith.constant 0 : i32
        %dma_wait3A_30 = tpu.memref_slice %arg8[%dma_wait3A_28, %dma_wait3A_29] : memref<10112x128xf32, #tpu.memory_space<vmem_shared>> -> memref<10112x128xf32, #tpu.memory_space<vmem_shared>>
        tpu.wait_indirect_dma semaphore(%run_scoped3A : memref<!tpu.dma_semaphore, #tpu.memory_space<semaphore_mem>>) src(%arg7 : memref<128x128xf32, #tpu.memory_space<vmem>>) dst(%dma_wait3A_30 : memref<10112x128xf32, #tpu.memory_space<vmem_shared>>)
        tpu.yield
      }) : () -> ()
    }
    %barrier3A_16 = arith.constant 0 : index
    tpu.barrier barrier_id(%barrier3A_16)
    "tpu.region"() ({
      %run_scoped3A = tpu.sem_alloc : memref<!tpu.dma_semaphore, #tpu.memory_space<semaphore_mem>>
      %dma_start3A = arith.constant 0 : i32
      %dma_start3A_17 = tpu.memref_slice %arg5[%arg0, %mul3A_6, %dma_start3A] : memref<2x10112x128xf32, #tpu.memory_space<hbm>> -> memref<1x632x128xf32, #tpu.memory_space<hbm>>
      %dma_start3A_18 = tpu.memref_squeeze %dma_start3A_17 : memref<1x632x128xf32, #tpu.memory_space<hbm>> -> memref<632x128xf32, #tpu.memory_space<hbm>>
      %dma_start3A_19 = arith.constant 0 : i32
      %dma_start3A_20 = tpu.memref_slice %arg8[%mul3A_6, %dma_start3A_19] : memref<10112x128xf32, #tpu.memory_space<vmem_shared>> -> memref<632x128xf32, #tpu.memory_space<vmem_shared>>
      tpu.enqueue_dma source(%dma_start3A_20 : memref<632x128xf32, #tpu.memory_space<vmem_shared>>) target(%dma_start3A_18 : memref<632x128xf32, #tpu.memory_space<hbm>>) target_semaphore(%run_scoped3A : memref<!tpu.dma_semaphore, #tpu.memory_space<semaphore_mem>>)
      %dma_wait3A = arith.constant 0 : i32
      %dma_wait3A_21 = tpu.memref_slice %arg5[%arg0, %mul3A_6, %dma_wait3A] : memref<2x10112x128xf32, #tpu.memory_space<hbm>> -> memref<1x632x128xf32, #tpu.memory_space<hbm>>
      %dma_wait3A_22 = tpu.memref_squeeze %dma_wait3A_21 : memref<1x632x128xf32, #tpu.memory_space<hbm>> -> memref<632x128xf32, #tpu.memory_space<hbm>>
      %dma_wait3A_23 = arith.constant 0 : i32
      %dma_wait3A_24 = tpu.memref_slice %arg8[%mul3A_6, %dma_wait3A_23] : memref<10112x128xf32, #tpu.memory_space<vmem_shared>> -> memref<632x128xf32, #tpu.memory_space<vmem_shared>>
      tpu.wait_dma2 semaphore(%run_scoped3A : memref<!tpu.dma_semaphore, #tpu.memory_space<semaphore_mem>>) src(%dma_wait3A_24 : memref<632x128xf32, #tpu.memory_space<vmem_shared>>) dst(%dma_wait3A_22 : memref<632x128xf32, #tpu.memory_space<hbm>>)
      tpu.yield
    }) : () -> ()
    return
  }
}

#map = affine_map<(d0, d1) -> (0, 0)>
#map1 = affine_map<(d0, d1) -> (0, 0, 0)>
module attributes {stable_mosaic.version = 14 : i64} {
  func.func @body(%arg0: i32, %arg1: i32, %arg2: memref<320000x128xf32, #tpu.memory_space<hbm>>, %arg3: memref<2560x128xi32, #tpu.memory_space<hbm>>, %arg4: memref<10112x128xf32, #tpu.memory_space<hbm>>, %arg5: memref<2x10112x128xf32, #tpu.memory_space<hbm>>, %arg6: memref<80x128xi32, #tpu.memory_space<vmem>>, %arg7: memref<128x128xf32, #tpu.memory_space<vmem>>, %arg8: memref<10112x128xf32, #tpu.memory_space<vmem_shared>>) attributes {dimension_semantics = [#tpu.dimension_semantics<core_parallel>, #tpu.dimension_semantics<subcore_parallel>], iteration_bounds = array<i64: 2, 16>, scalar_prefetch = 0 : i64, scratch_operands = 3 : i64, tpu.core_type = #tpu.core_type<sc_vector_subcore>, window_params = [{transform_indices = #map}, {transform_indices = #map}, {transform_indices = #map}, {transform_indices = #map1}]} {
    %mul3A = arith.constant 2 : i32
    %mul3A_0 = arith.muli %arg1, %mul3A : i32
    %add3A = arith.addi %mul3A_0, %arg0 : i32
    %mul3A_1 = arith.constant 80 : i32
    %mul3A_2 = arith.muli %add3A, %mul3A_1 : i32
    %sub3A = arith.constant 2500 : i32
    %sub3A_3 = arith.subi %sub3A, %mul3A_2 : i32
    %jit3A = arith.constant 0 : i32
    %jit3A_4 = arith.constant 80 : i32
    %max3A = arith.maxsi %jit3A, %sub3A_3 : i32
    %min3A = arith.minsi %jit3A_4, %max3A : i32
    %mul3A_5 = arith.constant 632 : i32
    %mul3A_6 = arith.muli %arg1, %mul3A_5 : i32
    "tpu.region"() ({
      %run_scoped3A = tpu.sem_alloc : memref<!tpu.dma_semaphore, #tpu.memory_space<semaphore_mem>>
      %dma_start3A = arith.constant 0 : i32
      %dma_start3A_17 = tpu.memref_slice %arg8[%mul3A_6, %dma_start3A] : memref<10112x128xf32, #tpu.memory_space<vmem_shared>> -> memref<632x128xf32, #tpu.memory_space<vmem_shared>>
      %dma_start3A_18 = arith.constant 0 : i32
      %dma_start3A_19 = tpu.memref_slice %arg4[%mul3A_6, %dma_start3A_18] : memref<10112x128xf32, #tpu.memory_space<hbm>> -> memref<632x128xf32, #tpu.memory_space<hbm>>
      tpu.enqueue_dma source(%dma_start3A_19 : memref<632x128xf32, #tpu.memory_space<hbm>>) target(%dma_start3A_17 : memref<632x128xf32, #tpu.memory_space<vmem_shared>>) target_semaphore(%run_scoped3A : memref<!tpu.dma_semaphore, #tpu.memory_space<semaphore_mem>>)
      %dma_wait3A = arith.constant 0 : i32
      %dma_wait3A_20 = tpu.memref_slice %arg8[%mul3A_6, %dma_wait3A] : memref<10112x128xf32, #tpu.memory_space<vmem_shared>> -> memref<632x128xf32, #tpu.memory_space<vmem_shared>>
      %dma_wait3A_21 = arith.constant 0 : i32
      %dma_wait3A_22 = tpu.memref_slice %arg4[%mul3A_6, %dma_wait3A_21] : memref<10112x128xf32, #tpu.memory_space<hbm>> -> memref<632x128xf32, #tpu.memory_space<hbm>>
      tpu.wait_dma2 semaphore(%run_scoped3A : memref<!tpu.dma_semaphore, #tpu.memory_space<semaphore_mem>>) src(%dma_wait3A_22 : memref<632x128xf32, #tpu.memory_space<hbm>>) dst(%dma_wait3A_20 : memref<632x128xf32, #tpu.memory_space<vmem_shared>>)
      tpu.yield
    }) : () -> ()
    "tpu.region"() ({
      %run_scoped3A = tpu.sem_alloc : memref<!tpu.dma_semaphore, #tpu.memory_space<semaphore_mem>>
      %dma_start3A = arith.constant 0 : i32
      %dma_start3A_17 = tpu.memref_slice %arg3[%mul3A_2, %dma_start3A] : memref<2560x128xi32, #tpu.memory_space<hbm>> -> memref<80x128xi32, #tpu.memory_space<hbm>>
      %dma_start3A_18 = arith.constant 0 : i32
      %dma_start3A_19 = tpu.memref_slice %arg3[%mul3A_2, %dma_start3A_18] : memref<2560x128xi32, #tpu.memory_space<hbm>> -> memref<80x128xi32, #tpu.memory_space<hbm>>
      tpu.enqueue_dma source(%dma_start3A_19 : memref<80x128xi32, #tpu.memory_space<hbm>>) target(%arg6 : memref<80x128xi32, #tpu.memory_space<vmem>>) target_semaphore(%run_scoped3A : memref<!tpu.dma_semaphore, #tpu.memory_space<semaphore_mem>>)
      %dma_wait3A = arith.constant 0 : i32
      %dma_wait3A_20 = tpu.memref_slice %arg3[%mul3A_2, %dma_wait3A] : memref<2560x128xi32, #tpu.memory_space<hbm>> -> memref<80x128xi32, #tpu.memory_space<hbm>>
      %dma_wait3A_21 = arith.constant 0 : i32
      %dma_wait3A_22 = tpu.memref_slice %arg3[%mul3A_2, %dma_wait3A_21] : memref<2560x128xi32, #tpu.memory_space<hbm>> -> memref<80x128xi32, #tpu.memory_space<hbm>>
      tpu.wait_dma2 semaphore(%run_scoped3A : memref<!tpu.dma_semaphore, #tpu.memory_space<semaphore_mem>>) src(%dma_wait3A_22 : memref<80x128xi32, #tpu.memory_space<hbm>>) dst(%arg6 : memref<80x128xi32, #tpu.memory_space<vmem>>)
      tpu.yield
    }) : () -> ()
    %barrier3A = arith.constant 0 : index
    tpu.barrier barrier_id(%barrier3A)
    %while3A = arith.constant 0 : i32
    %while3A_7 = arith.constant 0 : i32
    %while3A_8 = arith.subi %min3A, %while3A_7 : i32
    %while3A_9 = arith.addi %while3A_7, %while3A_8 : i32
    %while3A_10 = arith.constant 1 : i32
    %while3A_11 = arith.divsi %while3A_8, %while3A_10 : i32
    %while3A_12 = arith.muli %while3A_11, %while3A_10 : i32
    %while3A_13 = arith.addi %while3A_7, %while3A_12 : i32
    %while3A_14 = arith.constant 1 : i32
    scf.for %while3A_17 = %while3A_7 to %while3A_13 step %while3A_14  : i32 {
      %add3A_18 = arith.addi %mul3A_2, %while3A_17 : i32
      %mul3A_19 = arith.constant 128 : i32
      %mul3A_20 = arith.muli %add3A_18, %mul3A_19 : i32
      "tpu.region"() ({
        %run_scoped3A = tpu.sem_alloc : memref<!tpu.dma_semaphore, #tpu.memory_space<semaphore_mem>>
        %dma_start3A = arith.constant 0 : i32
        %dma_start3A_21 = tpu.memref_slice %arg2[%mul3A_20, %dma_start3A] : memref<320000x128xf32, #tpu.memory_space<hbm>> -> memref<128x128xf32, #tpu.memory_space<hbm>>
        %dma_start3A_22 = arith.constant 0 : i32
        %dma_start3A_23 = tpu.memref_slice %arg2[%mul3A_20, %dma_start3A_22] : memref<320000x128xf32, #tpu.memory_space<hbm>> -> memref<128x128xf32, #tpu.memory_space<hbm>>
        tpu.enqueue_dma source(%dma_start3A_23 : memref<128x128xf32, #tpu.memory_space<hbm>>) target(%arg7 : memref<128x128xf32, #tpu.memory_space<vmem>>) target_semaphore(%run_scoped3A : memref<!tpu.dma_semaphore, #tpu.memory_space<semaphore_mem>>)
        %dma_wait3A = arith.constant 0 : i32
        %dma_wait3A_24 = tpu.memref_slice %arg2[%mul3A_20, %dma_wait3A] : memref<320000x128xf32, #tpu.memory_space<hbm>> -> memref<128x128xf32, #tpu.memory_space<hbm>>
        %dma_wait3A_25 = arith.constant 0 : i32
        %dma_wait3A_26 = tpu.memref_slice %arg2[%mul3A_20, %dma_wait3A_25] : memref<320000x128xf32, #tpu.memory_space<hbm>> -> memref<128x128xf32, #tpu.memory_space<hbm>>
        tpu.wait_dma2 semaphore(%run_scoped3A : memref<!tpu.dma_semaphore, #tpu.memory_space<semaphore_mem>>) src(%dma_wait3A_26 : memref<128x128xf32, #tpu.memory_space<hbm>>) dst(%arg7 : memref<128x128xf32, #tpu.memory_space<vmem>>)
        tpu.yield
      }) : () -> ()
      "tpu.region"() ({
        %run_scoped3A = tpu.sem_alloc : memref<!tpu.dma_semaphore, #tpu.memory_space<semaphore_mem>>
        %dma_start3A = arith.constant 0 : i32
        %dma_start3A_21 = tpu.memref_slice %arg6[%while3A_17, %dma_start3A] : memref<80x128xi32, #tpu.memory_space<vmem>> -> memref<1x128xi32, #tpu.memory_space<vmem>>
        %dma_start3A_22 = tpu.memref_squeeze %dma_start3A_21 : memref<1x128xi32, #tpu.memory_space<vmem>> -> memref<128xi32, #tpu.memory_space<vmem>>
        %dma_start3A_23 = arith.constant 0 : i32
        %dma_start3A_24 = arith.constant 0 : i32
        %dma_start3A_25 = tpu.memref_slice %arg8[%dma_start3A_23, %dma_start3A_24] : memref<10112x128xf32, #tpu.memory_space<vmem_shared>> -> memref<10112x128xf32, #tpu.memory_space<vmem_shared>>
        tpu.enqueue_indirect_dma source(%arg7 : memref<128x128xf32, #tpu.memory_space<vmem>>) target(%dma_start3A_25 : memref<10112x128xf32, #tpu.memory_space<vmem_shared>>) offsets(%dma_start3A_22 : memref<128xi32, #tpu.memory_space<vmem>>) semaphore(%run_scoped3A : memref<!tpu.dma_semaphore, #tpu.memory_space<semaphore_mem>>) {add = true}
        %dma_wait3A = arith.constant 0 : i32
        %dma_wait3A_26 = tpu.memref_slice %arg6[%while3A_17, %dma_wait3A] : memref<80x128xi32, #tpu.memory_space<vmem>> -> memref<1x128xi32, #tpu.memory_space<vmem>>
        %dma_wait3A_27 = tpu.memref_squeeze %dma_wait3A_26 : memref<1x128xi32, #tpu.memory_space<vmem>> -> memref<128xi32, #tpu.memory_space<vmem>>
        %dma_wait3A_28 = arith.constant 0 : i32
        %dma_wait3A_29 = arith.constant 0 : i32
        %dma_wait3A_30 = tpu.memref_slice %arg8[%dma_wait3A_28, %dma_wait3A_29] : memref<10112x128xf32, #tpu.memory_space<vmem_shared>> -> memref<10112x128xf32, #tpu.memory_space<vmem_shared>>
        tpu.wait_indirect_dma semaphore(%run_scoped3A : memref<!tpu.dma_semaphore, #tpu.memory_space<semaphore_mem>>) src(%arg7 : memref<128x128xf32, #tpu.memory_space<vmem>>) dst(%dma_wait3A_30 : memref<10112x128xf32, #tpu.memory_space<vmem_shared>>)
        tpu.yield
      }) : () -> ()
    }
    %while3A_15 = arith.constant 1 : i32
    scf.for %while3A_17 = %while3A_13 to %while3A_9 step %while3A_15  : i32 {
      %add3A_18 = arith.addi %mul3A_2, %while3A_17 : i32
      %mul3A_19 = arith.constant 128 : i32
      %mul3A_20 = arith.muli %add3A_18, %mul3A_19 : i32
      "tpu.region"() ({
        %run_scoped3A = tpu.sem_alloc : memref<!tpu.dma_semaphore, #tpu.memory_space<semaphore_mem>>
        %dma_start3A = arith.constant 0 : i32
        %dma_start3A_21 = tpu.memref_slice %arg2[%mul3A_20, %dma_start3A] : memref<320000x128xf32, #tpu.memory_space<hbm>> -> memref<128x128xf32, #tpu.memory_space<hbm>>
        %dma_start3A_22 = arith.constant 0 : i32
        %dma_start3A_23 = tpu.memref_slice %arg2[%mul3A_20, %dma_start3A_22] : memref<320000x128xf32, #tpu.memory_space<hbm>> -> memref<128x128xf32, #tpu.memory_space<hbm>>
        tpu.enqueue_dma source(%dma_start3A_23 : memref<128x128xf32, #tpu.memory_space<hbm>>) target(%arg7 : memref<128x128xf32, #tpu.memory_space<vmem>>) target_semaphore(%run_scoped3A : memref<!tpu.dma_semaphore, #tpu.memory_space<semaphore_mem>>)
        %dma_wait3A = arith.constant 0 : i32
        %dma_wait3A_24 = tpu.memref_slice %arg2[%mul3A_20, %dma_wait3A] : memref<320000x128xf32, #tpu.memory_space<hbm>> -> memref<128x128xf32, #tpu.memory_space<hbm>>
        %dma_wait3A_25 = arith.constant 0 : i32
        %dma_wait3A_26 = tpu.memref_slice %arg2[%mul3A_20, %dma_wait3A_25] : memref<320000x128xf32, #tpu.memory_space<hbm>> -> memref<128x128xf32, #tpu.memory_space<hbm>>
        tpu.wait_dma2 semaphore(%run_scoped3A : memref<!tpu.dma_semaphore, #tpu.memory_space<semaphore_mem>>) src(%dma_wait3A_26 : memref<128x128xf32, #tpu.memory_space<hbm>>) dst(%arg7 : memref<128x128xf32, #tpu.memory_space<vmem>>)
        tpu.yield
      }) : () -> ()
      "tpu.region"() ({
        %run_scoped3A = tpu.sem_alloc : memref<!tpu.dma_semaphore, #tpu.memory_space<semaphore_mem>>
        %dma_start3A = arith.constant 0 : i32
        %dma_start3A_21 = tpu.memref_slice %arg6[%while3A_17, %dma_start3A] : memref<80x128xi32, #tpu.memory_space<vmem>> -> memref<1x128xi32, #tpu.memory_space<vmem>>
        %dma_start3A_22 = tpu.memref_squeeze %dma_start3A_21 : memref<1x128xi32, #tpu.memory_space<vmem>> -> memref<128xi32, #tpu.memory_space<vmem>>
        %dma_start3A_23 = arith.constant 0 : i32
        %dma_start3A_24 = arith.constant 0 : i32
        %dma_start3A_25 = tpu.memref_slice %arg8[%dma_start3A_23, %dma_start3A_24] : memref<10112x128xf32, #tpu.memory_space<vmem_shared>> -> memref<10112x128xf32, #tpu.memory_space<vmem_shared>>
        tpu.enqueue_indirect_dma source(%arg7 : memref<128x128xf32, #tpu.memory_space<vmem>>) target(%dma_start3A_25 : memref<10112x128xf32, #tpu.memory_space<vmem_shared>>) offsets(%dma_start3A_22 : memref<128xi32, #tpu.memory_space<vmem>>) semaphore(%run_scoped3A : memref<!tpu.dma_semaphore, #tpu.memory_space<semaphore_mem>>) {add = true}
        %dma_wait3A = arith.constant 0 : i32
        %dma_wait3A_26 = tpu.memref_slice %arg6[%while3A_17, %dma_wait3A] : memref<80x128xi32, #tpu.memory_space<vmem>> -> memref<1x128xi32, #tpu.memory_space<vmem>>
        %dma_wait3A_27 = tpu.memref_squeeze %dma_wait3A_26 : memref<1x128xi32, #tpu.memory_space<vmem>> -> memref<128xi32, #tpu.memory_space<vmem>>
        %dma_wait3A_28 = arith.constant 0 : i32
        %dma_wait3A_29 = arith.constant 0 : i32
        %dma_wait3A_30 = tpu.memref_slice %arg8[%dma_wait3A_28, %dma_wait3A_29] : memref<10112x128xf32, #tpu.memory_space<vmem_shared>> -> memref<10112x128xf32, #tpu.memory_space<vmem_shared>>
        tpu.wait_indirect_dma semaphore(%run_scoped3A : memref<!tpu.dma_semaphore, #tpu.memory_space<semaphore_mem>>) src(%arg7 : memref<128x128xf32, #tpu.memory_space<vmem>>) dst(%dma_wait3A_30 : memref<10112x128xf32, #tpu.memory_space<vmem_shared>>)
        tpu.yield
      }) : () -> ()
    }
    %barrier3A_16 = arith.constant 0 : index
    tpu.barrier barrier_id(%barrier3A_16)
    "tpu.region"() ({
      %run_scoped3A = tpu.sem_alloc : memref<!tpu.dma_semaphore, #tpu.memory_space<semaphore_mem>>
      %dma_start3A = arith.constant 0 : i32
      %dma_start3A_17 = tpu.memref_slice %arg5[%arg0, %mul3A_6, %dma_start3A] : memref<2x10112x128xf32, #tpu.memory_space<hbm>> -> memref<1x632x128xf32, #tpu.memory_space<hbm>>
      %dma_start3A_18 = tpu.memref_squeeze %dma_start3A_17 : memref<1x632x128xf32, #tpu.memory_space<hbm>> -> memref<632x128xf32, #tpu.memory_space<hbm>>
      %dma_start3A_19 = arith.constant 0 : i32
      %dma_start3A_20 = tpu.memref_slice %arg8[%mul3A_6, %dma_start3A_19] : memref<10112x128xf32, #tpu.memory_space<vmem_shared>> -> memref<632x128xf32, #tpu.memory_space<vmem_shared>>
      tpu.enqueue_dma source(%dma_start3A_20 : memref<632x128xf32, #tpu.memory_space<vmem_shared>>) target(%dma_start3A_18 : memref<632x128xf32, #tpu.memory_space<hbm>>) target_semaphore(%run_scoped3A : memref<!tpu.dma_semaphore, #tpu.memory_space<semaphore_mem>>)
      %dma_wait3A = arith.constant 0 : i32
      %dma_wait3A_21 = tpu.memref_slice %arg5[%arg0, %mul3A_6, %dma_wait3A] : memref<2x10112x128xf32, #tpu.memory_space<hbm>> -> memref<1x632x128xf32, #tpu.memory_space<hbm>>
      %dma_wait3A_22 = tpu.memref_squeeze %dma_wait3A_21 : memref<1x632x128xf32, #tpu.memory_space<hbm>> -> memref<632x128xf32, #tpu.memory_space<hbm>>
      %dma_wait3A_23 = arith.constant 0 : i32
      %dma_wait3A_24 = tpu.memref_slice %arg8[%mul3A_6, %dma_wait3A_23] : memref<10112x128xf32, #tpu.memory_space<vmem_shared>> -> memref<632x128xf32, #tpu.memory_space<vmem_shared>>
      tpu.wait_dma2 semaphore(%run_scoped3A : memref<!tpu.dma_semaphore, #tpu.memory_space<semaphore_mem>>) src(%dma_wait3A_24 : memref<632x128xf32, #tpu.memory_space<vmem_shared>>) dst(%dma_wait3A_22 : memref<632x128xf32, #tpu.memory_space<hbm>>)
      tpu.yield
    }) : () -> ()
    return
  }
}

#map = affine_map<(d0, d1) -> (0, 0)>
module attributes {stable_mosaic.version = 14 : i64} {
  func.func @body(%arg0: i32, %arg1: i32, %arg2: memref<10000x128xf32, #tpu.memory_space<hbm>>, %arg3: memref<2560x128xi32, #tpu.memory_space<hbm>>, %arg4: memref<2560x128xi32, #tpu.memory_space<hbm>>, %arg5: memref<327680x128xf32, #tpu.memory_space<hbm>>, %arg6: memref<327680x128xf32, #tpu.memory_space<hbm>>, %arg7: memref<80x128xi32, #tpu.memory_space<vmem>>, %arg8: memref<80x128xi32, #tpu.memory_space<vmem>>, %arg9: memref<128x128xf32, #tpu.memory_space<vmem>>, %arg10: memref<128x128xf32, #tpu.memory_space<vmem>>, %arg11: memref<!tpu.dma_semaphore, #tpu.memory_space<semaphore_mem>>, %arg12: memref<!tpu.dma_semaphore, #tpu.memory_space<semaphore_mem>>) attributes {dimension_semantics = [#tpu.dimension_semantics<core_parallel>, #tpu.dimension_semantics<subcore_parallel>], iteration_bounds = array<i64: 2, 16>, scalar_prefetch = 0 : i64, scratch_operands = 6 : i64, tpu.core_type = #tpu.core_type<sc_vector_subcore>, window_params = [{transform_indices = #map}, {transform_indices = #map}, {transform_indices = #map}, {transform_indices = #map}, {transform_indices = #map}]} {
    %mul3A = arith.constant 2 : i32
    %mul3A_0 = arith.muli %arg1, %mul3A : i32
    %add3A = arith.addi %mul3A_0, %arg0 : i32
    %mul3A_1 = arith.constant 80 : i32
    %mul3A_2 = arith.muli %add3A, %mul3A_1 : i32
    %sub3A = arith.constant 2500 : i32
    %sub3A_3 = arith.subi %sub3A, %mul3A_2 : i32
    %jit3A = arith.constant 0 : i32
    %jit3A_4 = arith.constant 80 : i32
    %max3A = arith.maxsi %jit3A, %sub3A_3 : i32
    %min3A = arith.minsi %jit3A_4, %max3A : i32
    "tpu.region"() ({
      %run_scoped3A = tpu.sem_alloc : memref<!tpu.dma_semaphore, #tpu.memory_space<semaphore_mem>>
      %dma_start3A = arith.constant 0 : i32
      %dma_start3A_14 = tpu.memref_slice %arg3[%mul3A_2, %dma_start3A] : memref<2560x128xi32, #tpu.memory_space<hbm>> -> memref<80x128xi32, #tpu.memory_space<hbm>>
      %dma_start3A_15 = arith.constant 0 : i32
      %dma_start3A_16 = tpu.memref_slice %arg3[%mul3A_2, %dma_start3A_15] : memref<2560x128xi32, #tpu.memory_space<hbm>> -> memref<80x128xi32, #tpu.memory_space<hbm>>
      tpu.enqueue_dma source(%dma_start3A_16 : memref<80x128xi32, #tpu.memory_space<hbm>>) target(%arg7 : memref<80x128xi32, #tpu.memory_space<vmem>>) target_semaphore(%run_scoped3A : memref<!tpu.dma_semaphore, #tpu.memory_space<semaphore_mem>>)
      %dma_wait3A = arith.constant 0 : i32
      %dma_wait3A_17 = tpu.memref_slice %arg3[%mul3A_2, %dma_wait3A] : memref<2560x128xi32, #tpu.memory_space<hbm>> -> memref<80x128xi32, #tpu.memory_space<hbm>>
      %dma_wait3A_18 = arith.constant 0 : i32
      %dma_wait3A_19 = tpu.memref_slice %arg3[%mul3A_2, %dma_wait3A_18] : memref<2560x128xi32, #tpu.memory_space<hbm>> -> memref<80x128xi32, #tpu.memory_space<hbm>>
      tpu.wait_dma2 semaphore(%run_scoped3A : memref<!tpu.dma_semaphore, #tpu.memory_space<semaphore_mem>>) src(%dma_wait3A_19 : memref<80x128xi32, #tpu.memory_space<hbm>>) dst(%arg7 : memref<80x128xi32, #tpu.memory_space<vmem>>)
      tpu.yield
    }) : () -> ()
    "tpu.region"() ({
      %run_scoped3A = tpu.sem_alloc : memref<!tpu.dma_semaphore, #tpu.memory_space<semaphore_mem>>
      %dma_start3A = arith.constant 0 : i32
      %dma_start3A_14 = tpu.memref_slice %arg4[%mul3A_2, %dma_start3A] : memref<2560x128xi32, #tpu.memory_space<hbm>> -> memref<80x128xi32, #tpu.memory_space<hbm>>
      %dma_start3A_15 = arith.constant 0 : i32
      %dma_start3A_16 = tpu.memref_slice %arg4[%mul3A_2, %dma_start3A_15] : memref<2560x128xi32, #tpu.memory_space<hbm>> -> memref<80x128xi32, #tpu.memory_space<hbm>>
      tpu.enqueue_dma source(%dma_start3A_16 : memref<80x128xi32, #tpu.memory_space<hbm>>) target(%arg8 : memref<80x128xi32, #tpu.memory_space<vmem>>) target_semaphore(%run_scoped3A : memref<!tpu.dma_semaphore, #tpu.memory_space<semaphore_mem>>)
      %dma_wait3A = arith.constant 0 : i32
      %dma_wait3A_17 = tpu.memref_slice %arg4[%mul3A_2, %dma_wait3A] : memref<2560x128xi32, #tpu.memory_space<hbm>> -> memref<80x128xi32, #tpu.memory_space<hbm>>
      %dma_wait3A_18 = arith.constant 0 : i32
      %dma_wait3A_19 = tpu.memref_slice %arg4[%mul3A_2, %dma_wait3A_18] : memref<2560x128xi32, #tpu.memory_space<hbm>> -> memref<80x128xi32, #tpu.memory_space<hbm>>
      tpu.wait_dma2 semaphore(%run_scoped3A : memref<!tpu.dma_semaphore, #tpu.memory_space<semaphore_mem>>) src(%dma_wait3A_19 : memref<80x128xi32, #tpu.memory_space<hbm>>) dst(%arg8 : memref<80x128xi32, #tpu.memory_space<vmem>>)
      tpu.yield
    }) : () -> ()
    %while3A = arith.constant 0 : i32
    %while3A_5 = arith.constant 0 : i32
    %while3A_6 = arith.subi %min3A, %while3A_5 : i32
    %while3A_7 = arith.addi %while3A_5, %while3A_6 : i32
    %while3A_8 = arith.constant 1 : i32
    %while3A_9 = arith.divsi %while3A_6, %while3A_8 : i32
    %while3A_10 = arith.muli %while3A_9, %while3A_8 : i32
    %while3A_11 = arith.addi %while3A_5, %while3A_10 : i32
    %while3A_12 = arith.constant 1 : i32
    scf.for %while3A_14 = %while3A_5 to %while3A_11 step %while3A_12  : i32 {
      %add3A_15 = arith.addi %mul3A_2, %while3A_14 : i32
      %dma_start3A = arith.constant 0 : i32
      %dma_start3A_16 = tpu.memref_slice %arg7[%while3A_14, %dma_start3A] : memref<80x128xi32, #tpu.memory_space<vmem>> -> memref<1x128xi32, #tpu.memory_space<vmem>>
      %dma_start3A_17 = tpu.memref_squeeze %dma_start3A_16 : memref<1x128xi32, #tpu.memory_space<vmem>> -> memref<128xi32, #tpu.memory_space<vmem>>
      %dma_start3A_18 = arith.constant 0 : i32
      %dma_start3A_19 = arith.constant 0 : i32
      %dma_start3A_20 = tpu.memref_slice %arg2[%dma_start3A_18, %dma_start3A_19] : memref<10000x128xf32, #tpu.memory_space<hbm>> -> memref<10000x128xf32, #tpu.memory_space<hbm>>
      tpu.enqueue_indirect_dma source(%dma_start3A_20 : memref<10000x128xf32, #tpu.memory_space<hbm>>) target(%arg9 : memref<128x128xf32, #tpu.memory_space<vmem>>) offsets(%dma_start3A_17 : memref<128xi32, #tpu.memory_space<vmem>>) semaphore(%arg11 : memref<!tpu.dma_semaphore, #tpu.memory_space<semaphore_mem>>)
      %dma_start3A_21 = arith.constant 0 : i32
      %dma_start3A_22 = tpu.memref_slice %arg8[%while3A_14, %dma_start3A_21] : memref<80x128xi32, #tpu.memory_space<vmem>> -> memref<1x128xi32, #tpu.memory_space<vmem>>
      %dma_start3A_23 = tpu.memref_squeeze %dma_start3A_22 : memref<1x128xi32, #tpu.memory_space<vmem>> -> memref<128xi32, #tpu.memory_space<vmem>>
      %dma_start3A_24 = arith.constant 0 : i32
      %dma_start3A_25 = arith.constant 0 : i32
      %dma_start3A_26 = tpu.memref_slice %arg2[%dma_start3A_24, %dma_start3A_25] : memref<10000x128xf32, #tpu.memory_space<hbm>> -> memref<10000x128xf32, #tpu.memory_space<hbm>>
      tpu.enqueue_indirect_dma source(%dma_start3A_26 : memref<10000x128xf32, #tpu.memory_space<hbm>>) target(%arg10 : memref<128x128xf32, #tpu.memory_space<vmem>>) offsets(%dma_start3A_23 : memref<128xi32, #tpu.memory_space<vmem>>) semaphore(%arg12 : memref<!tpu.dma_semaphore, #tpu.memory_space<semaphore_mem>>)
      %dma_wait3A = arith.constant 0 : i32
      %dma_wait3A_27 = tpu.memref_slice %arg7[%while3A_14, %dma_wait3A] : memref<80x128xi32, #tpu.memory_space<vmem>> -> memref<1x128xi32, #tpu.memory_space<vmem>>
      %dma_wait3A_28 = tpu.memref_squeeze %dma_wait3A_27 : memref<1x128xi32, #tpu.memory_space<vmem>> -> memref<128xi32, #tpu.memory_space<vmem>>
      %dma_wait3A_29 = arith.constant 0 : i32
      %dma_wait3A_30 = arith.constant 0 : i32
      %dma_wait3A_31 = tpu.memref_slice %arg2[%dma_wait3A_29, %dma_wait3A_30] : memref<10000x128xf32, #tpu.memory_space<hbm>> -> memref<10000x128xf32, #tpu.memory_space<hbm>>
      tpu.wait_indirect_dma semaphore(%arg11 : memref<!tpu.dma_semaphore, #tpu.memory_space<semaphore_mem>>) src(%dma_wait3A_31 : memref<10000x128xf32, #tpu.memory_space<hbm>>) dst(%arg9 : memref<128x128xf32, #tpu.memory_space<vmem>>)
      %mul3A_32 = arith.constant 128 : i32
      %mul3A_33 = arith.muli %add3A_15, %mul3A_32 : i32
      "tpu.region"() ({
        %run_scoped3A = tpu.sem_alloc : memref<!tpu.dma_semaphore, #tpu.memory_space<semaphore_mem>>
        %dma_start3A_42 = arith.constant 0 : i32
        %dma_start3A_43 = tpu.memref_slice %arg5[%mul3A_33, %dma_start3A_42] : memref<327680x128xf32, #tpu.memory_space<hbm>> -> memref<128x128xf32, #tpu.memory_space<hbm>>
        %dma_start3A_44 = arith.constant 0 : i32
        %dma_start3A_45 = tpu.memref_slice %arg5[%mul3A_33, %dma_start3A_44] : memref<327680x128xf32, #tpu.memory_space<hbm>> -> memref<128x128xf32, #tpu.memory_space<hbm>>
        tpu.enqueue_dma source(%arg9 : memref<128x128xf32, #tpu.memory_space<vmem>>) target(%dma_start3A_45 : memref<128x128xf32, #tpu.memory_space<hbm>>) target_semaphore(%run_scoped3A : memref<!tpu.dma_semaphore, #tpu.memory_space<semaphore_mem>>)
        %dma_wait3A_46 = arith.constant 0 : i32
        %dma_wait3A_47 = tpu.memref_slice %arg5[%mul3A_33, %dma_wait3A_46] : memref<327680x128xf32, #tpu.memory_space<hbm>> -> memref<128x128xf32, #tpu.memory_space<hbm>>
        %dma_wait3A_48 = arith.constant 0 : i32
        %dma_wait3A_49 = tpu.memref_slice %arg5[%mul3A_33, %dma_wait3A_48] : memref<327680x128xf32, #tpu.memory_space<hbm>> -> memref<128x128xf32, #tpu.memory_space<hbm>>
        tpu.wait_dma2 semaphore(%run_scoped3A : memref<!tpu.dma_semaphore, #tpu.memory_space<semaphore_mem>>) src(%arg9 : memref<128x128xf32, #tpu.memory_space<vmem>>) dst(%dma_wait3A_49 : memref<128x128xf32, #tpu.memory_space<hbm>>)
        tpu.yield
      }) : () -> ()
      %dma_wait3A_34 = arith.constant 0 : i32
      %dma_wait3A_35 = tpu.memref_slice %arg8[%while3A_14, %dma_wait3A_34] : memref<80x128xi32, #tpu.memory_space<vmem>> -> memref<1x128xi32, #tpu.memory_space<vmem>>
      %dma_wait3A_36 = tpu.memref_squeeze %dma_wait3A_35 : memref<1x128xi32, #tpu.memory_space<vmem>> -> memref<128xi32, #tpu.memory_space<vmem>>
      %dma_wait3A_37 = arith.constant 0 : i32
      %dma_wait3A_38 = arith.constant 0 : i32
      %dma_wait3A_39 = tpu.memref_slice %arg2[%dma_wait3A_37, %dma_wait3A_38] : memref<10000x128xf32, #tpu.memory_space<hbm>> -> memref<10000x128xf32, #tpu.memory_space<hbm>>
      tpu.wait_indirect_dma semaphore(%arg12 : memref<!tpu.dma_semaphore, #tpu.memory_space<semaphore_mem>>) src(%dma_wait3A_39 : memref<10000x128xf32, #tpu.memory_space<hbm>>) dst(%arg10 : memref<128x128xf32, #tpu.memory_space<vmem>>)
      %mul3A_40 = arith.constant 128 : i32
      %mul3A_41 = arith.muli %add3A_15, %mul3A_40 : i32
      "tpu.region"() ({
        %run_scoped3A = tpu.sem_alloc : memref<!tpu.dma_semaphore, #tpu.memory_space<semaphore_mem>>
        %dma_start3A_42 = arith.constant 0 : i32
        %dma_start3A_43 = tpu.memref_slice %arg6[%mul3A_41, %dma_start3A_42] : memref<327680x128xf32, #tpu.memory_space<hbm>> -> memref<128x128xf32, #tpu.memory_space<hbm>>
        %dma_start3A_44 = arith.constant 0 : i32
        %dma_start3A_45 = tpu.memref_slice %arg6[%mul3A_41, %dma_start3A_44] : memref<327680x128xf32, #tpu.memory_space<hbm>> -> memref<128x128xf32, #tpu.memory_space<hbm>>
        tpu.enqueue_dma source(%arg10 : memref<128x128xf32, #tpu.memory_space<vmem>>) target(%dma_start3A_45 : memref<128x128xf32, #tpu.memory_space<hbm>>) target_semaphore(%run_scoped3A : memref<!tpu.dma_semaphore, #tpu.memory_space<semaphore_mem>>)
        %dma_wait3A_46 = arith.constant 0 : i32
        %dma_wait3A_47 = tpu.memref_slice %arg6[%mul3A_41, %dma_wait3A_46] : memref<327680x128xf32, #tpu.memory_space<hbm>> -> memref<128x128xf32, #tpu.memory_space<hbm>>
        %dma_wait3A_48 = arith.constant 0 : i32
        %dma_wait3A_49 = tpu.memref_slice %arg6[%mul3A_41, %dma_wait3A_48] : memref<327680x128xf32, #tpu.memory_space<hbm>> -> memref<128x128xf32, #tpu.memory_space<hbm>>
        tpu.wait_dma2 semaphore(%run_scoped3A : memref<!tpu.dma_semaphore, #tpu.memory_space<semaphore_mem>>) src(%arg10 : memref<128x128xf32, #tpu.memory_space<vmem>>) dst(%dma_wait3A_49 : memref<128x128xf32, #tpu.memory_space<hbm>>)
        tpu.yield
      }) : () -> ()
    }
    %while3A_13 = arith.constant 1 : i32
    scf.for %while3A_14 = %while3A_11 to %while3A_7 step %while3A_13  : i32 {
      %add3A_15 = arith.addi %mul3A_2, %while3A_14 : i32
      %dma_start3A = arith.constant 0 : i32
      %dma_start3A_16 = tpu.memref_slice %arg7[%while3A_14, %dma_start3A] : memref<80x128xi32, #tpu.memory_space<vmem>> -> memref<1x128xi32, #tpu.memory_space<vmem>>
      %dma_start3A_17 = tpu.memref_squeeze %dma_start3A_16 : memref<1x128xi32, #tpu.memory_space<vmem>> -> memref<128xi32, #tpu.memory_space<vmem>>
      %dma_start3A_18 = arith.constant 0 : i32
      %dma_start3A_19 = arith.constant 0 : i32
      %dma_start3A_20 = tpu.memref_slice %arg2[%dma_start3A_18, %dma_start3A_19] : memref<10000x128xf32, #tpu.memory_space<hbm>> -> memref<10000x128xf32, #tpu.memory_space<hbm>>
      tpu.enqueue_indirect_dma source(%dma_start3A_20 : memref<10000x128xf32, #tpu.memory_space<hbm>>) target(%arg9 : memref<128x128xf32, #tpu.memory_space<vmem>>) offsets(%dma_start3A_17 : memref<128xi32, #tpu.memory_space<vmem>>) semaphore(%arg11 : memref<!tpu.dma_semaphore, #tpu.memory_space<semaphore_mem>>)
      %dma_start3A_21 = arith.constant 0 : i32
      %dma_start3A_22 = tpu.memref_slice %arg8[%while3A_14, %dma_start3A_21] : memref<80x128xi32, #tpu.memory_space<vmem>> -> memref<1x128xi32, #tpu.memory_space<vmem>>
      %dma_start3A_23 = tpu.memref_squeeze %dma_start3A_22 : memref<1x128xi32, #tpu.memory_space<vmem>> -> memref<128xi32, #tpu.memory_space<vmem>>
      %dma_start3A_24 = arith.constant 0 : i32
      %dma_start3A_25 = arith.constant 0 : i32
      %dma_start3A_26 = tpu.memref_slice %arg2[%dma_start3A_24, %dma_start3A_25] : memref<10000x128xf32, #tpu.memory_space<hbm>> -> memref<10000x128xf32, #tpu.memory_space<hbm>>
      tpu.enqueue_indirect_dma source(%dma_start3A_26 : memref<10000x128xf32, #tpu.memory_space<hbm>>) target(%arg10 : memref<128x128xf32, #tpu.memory_space<vmem>>) offsets(%dma_start3A_23 : memref<128xi32, #tpu.memory_space<vmem>>) semaphore(%arg12 : memref<!tpu.dma_semaphore, #tpu.memory_space<semaphore_mem>>)
      %dma_wait3A = arith.constant 0 : i32
      %dma_wait3A_27 = tpu.memref_slice %arg7[%while3A_14, %dma_wait3A] : memref<80x128xi32, #tpu.memory_space<vmem>> -> memref<1x128xi32, #tpu.memory_space<vmem>>
      %dma_wait3A_28 = tpu.memref_squeeze %dma_wait3A_27 : memref<1x128xi32, #tpu.memory_space<vmem>> -> memref<128xi32, #tpu.memory_space<vmem>>
      %dma_wait3A_29 = arith.constant 0 : i32
      %dma_wait3A_30 = arith.constant 0 : i32
      %dma_wait3A_31 = tpu.memref_slice %arg2[%dma_wait3A_29, %dma_wait3A_30] : memref<10000x128xf32, #tpu.memory_space<hbm>> -> memref<10000x128xf32, #tpu.memory_space<hbm>>
      tpu.wait_indirect_dma semaphore(%arg11 : memref<!tpu.dma_semaphore, #tpu.memory_space<semaphore_mem>>) src(%dma_wait3A_31 : memref<10000x128xf32, #tpu.memory_space<hbm>>) dst(%arg9 : memref<128x128xf32, #tpu.memory_space<vmem>>)
      %mul3A_32 = arith.constant 128 : i32
      %mul3A_33 = arith.muli %add3A_15, %mul3A_32 : i32
      "tpu.region"() ({
        %run_scoped3A = tpu.sem_alloc : memref<!tpu.dma_semaphore, #tpu.memory_space<semaphore_mem>>
        %dma_start3A_42 = arith.constant 0 : i32
        %dma_start3A_43 = tpu.memref_slice %arg5[%mul3A_33, %dma_start3A_42] : memref<327680x128xf32, #tpu.memory_space<hbm>> -> memref<128x128xf32, #tpu.memory_space<hbm>>
        %dma_start3A_44 = arith.constant 0 : i32
        %dma_start3A_45 = tpu.memref_slice %arg5[%mul3A_33, %dma_start3A_44] : memref<327680x128xf32, #tpu.memory_space<hbm>> -> memref<128x128xf32, #tpu.memory_space<hbm>>
        tpu.enqueue_dma source(%arg9 : memref<128x128xf32, #tpu.memory_space<vmem>>) target(%dma_start3A_45 : memref<128x128xf32, #tpu.memory_space<hbm>>) target_semaphore(%run_scoped3A : memref<!tpu.dma_semaphore, #tpu.memory_space<semaphore_mem>>)
        %dma_wait3A_46 = arith.constant 0 : i32
        %dma_wait3A_47 = tpu.memref_slice %arg5[%mul3A_33, %dma_wait3A_46] : memref<327680x128xf32, #tpu.memory_space<hbm>> -> memref<128x128xf32, #tpu.memory_space<hbm>>
        %dma_wait3A_48 = arith.constant 0 : i32
        %dma_wait3A_49 = tpu.memref_slice %arg5[%mul3A_33, %dma_wait3A_48] : memref<327680x128xf32, #tpu.memory_space<hbm>> -> memref<128x128xf32, #tpu.memory_space<hbm>>
        tpu.wait_dma2 semaphore(%run_scoped3A : memref<!tpu.dma_semaphore, #tpu.memory_space<semaphore_mem>>) src(%arg9 : memref<128x128xf32, #tpu.memory_space<vmem>>) dst(%dma_wait3A_49 : memref<128x128xf32, #tpu.memory_space<hbm>>)
        tpu.yield
      }) : () -> ()
      %dma_wait3A_34 = arith.constant 0 : i32
      %dma_wait3A_35 = tpu.memref_slice %arg8[%while3A_14, %dma_wait3A_34] : memref<80x128xi32, #tpu.memory_space<vmem>> -> memref<1x128xi32, #tpu.memory_space<vmem>>
      %dma_wait3A_36 = tpu.memref_squeeze %dma_wait3A_35 : memref<1x128xi32, #tpu.memory_space<vmem>> -> memref<128xi32, #tpu.memory_space<vmem>>
      %dma_wait3A_37 = arith.constant 0 : i32
      %dma_wait3A_38 = arith.constant 0 : i32
      %dma_wait3A_39 = tpu.memref_slice %arg2[%dma_wait3A_37, %dma_wait3A_38] : memref<10000x128xf32, #tpu.memory_space<hbm>> -> memref<10000x128xf32, #tpu.memory_space<hbm>>
      tpu.wait_indirect_dma semaphore(%arg12 : memref<!tpu.dma_semaphore, #tpu.memory_space<semaphore_mem>>) src(%dma_wait3A_39 : memref<10000x128xf32, #tpu.memory_space<hbm>>) dst(%arg10 : memref<128x128xf32, #tpu.memory_space<vmem>>)
      %mul3A_40 = arith.constant 128 : i32
      %mul3A_41 = arith.muli %add3A_15, %mul3A_40 : i32
      "tpu.region"() ({
        %run_scoped3A = tpu.sem_alloc : memref<!tpu.dma_semaphore, #tpu.memory_space<semaphore_mem>>
        %dma_start3A_42 = arith.constant 0 : i32
        %dma_start3A_43 = tpu.memref_slice %arg6[%mul3A_41, %dma_start3A_42] : memref<327680x128xf32, #tpu.memory_space<hbm>> -> memref<128x128xf32, #tpu.memory_space<hbm>>
        %dma_start3A_44 = arith.constant 0 : i32
        %dma_start3A_45 = tpu.memref_slice %arg6[%mul3A_41, %dma_start3A_44] : memref<327680x128xf32, #tpu.memory_space<hbm>> -> memref<128x128xf32, #tpu.memory_space<hbm>>
        tpu.enqueue_dma source(%arg10 : memref<128x128xf32, #tpu.memory_space<vmem>>) target(%dma_start3A_45 : memref<128x128xf32, #tpu.memory_space<hbm>>) target_semaphore(%run_scoped3A : memref<!tpu.dma_semaphore, #tpu.memory_space<semaphore_mem>>)
        %dma_wait3A_46 = arith.constant 0 : i32
        %dma_wait3A_47 = tpu.memref_slice %arg6[%mul3A_41, %dma_wait3A_46] : memref<327680x128xf32, #tpu.memory_space<hbm>> -> memref<128x128xf32, #tpu.memory_space<hbm>>
        %dma_wait3A_48 = arith.constant 0 : i32
        %dma_wait3A_49 = tpu.memref_slice %arg6[%mul3A_41, %dma_wait3A_48] : memref<327680x128xf32, #tpu.memory_space<hbm>> -> memref<128x128xf32, #tpu.memory_space<hbm>>
        tpu.wait_dma2 semaphore(%run_scoped3A : memref<!tpu.dma_semaphore, #tpu.memory_space<semaphore_mem>>) src(%arg10 : memref<128x128xf32, #tpu.memory_space<vmem>>) dst(%dma_wait3A_49 : memref<128x128xf32, #tpu.memory_space<hbm>>)
        tpu.yield
      }) : () -> ()
    }
    return
  }
}

#map = affine_map<(d0, d1) -> (0, 0)>
#map1 = affine_map<(d0, d1) -> (0, 0, 0)>
module attributes {stable_mosaic.version = 14 : i64} {
  func.func @body(%arg0: i32, %arg1: i32, %arg2: memref<10000x128xf32, #tpu.memory_space<hbm>>, %arg3: memref<2560x128xi32, #tpu.memory_space<hbm>>, %arg4: memref<2560x128xi32, #tpu.memory_space<hbm>>, %arg5: memref<10112x128xf32, #tpu.memory_space<hbm>>, %arg6: memref<2x10112x128xf32, #tpu.memory_space<hbm>>, %arg7: memref<80x128xi32, #tpu.memory_space<vmem>>, %arg8: memref<80x128xi32, #tpu.memory_space<vmem>>, %arg9: memref<128x128xf32, #tpu.memory_space<vmem>>, %arg10: memref<10112x128xf32, #tpu.memory_space<vmem_shared>>, %arg11: memref<!tpu.dma_semaphore, #tpu.memory_space<semaphore_mem>>) attributes {dimension_semantics = [#tpu.dimension_semantics<core_parallel>, #tpu.dimension_semantics<subcore_parallel>], iteration_bounds = array<i64: 2, 16>, scalar_prefetch = 0 : i64, scratch_operands = 5 : i64, tpu.core_type = #tpu.core_type<sc_vector_subcore>, window_params = [{transform_indices = #map}, {transform_indices = #map}, {transform_indices = #map}, {transform_indices = #map}, {transform_indices = #map1}]} {
    %mul3A = arith.constant 2 : i32
    %mul3A_0 = arith.muli %arg1, %mul3A : i32
    %add3A = arith.addi %mul3A_0, %arg0 : i32
    %mul3A_1 = arith.constant 80 : i32
    %mul3A_2 = arith.muli %add3A, %mul3A_1 : i32
    %sub3A = arith.constant 2500 : i32
    %sub3A_3 = arith.subi %sub3A, %mul3A_2 : i32
    %jit3A = arith.constant 0 : i32
    %jit3A_4 = arith.constant 80 : i32
    %max3A = arith.maxsi %jit3A, %sub3A_3 : i32
    %min3A = arith.minsi %jit3A_4, %max3A : i32
    %mul3A_5 = arith.constant 632 : i32
    %mul3A_6 = arith.muli %arg1, %mul3A_5 : i32
    "tpu.region"() ({
      %run_scoped3A = tpu.sem_alloc : memref<!tpu.dma_semaphore, #tpu.memory_space<semaphore_mem>>
      %dma_start3A = arith.constant 0 : i32
      %dma_start3A_17 = tpu.memref_slice %arg10[%mul3A_6, %dma_start3A] : memref<10112x128xf32, #tpu.memory_space<vmem_shared>> -> memref<632x128xf32, #tpu.memory_space<vmem_shared>>
      %dma_start3A_18 = arith.constant 0 : i32
      %dma_start3A_19 = tpu.memref_slice %arg5[%mul3A_6, %dma_start3A_18] : memref<10112x128xf32, #tpu.memory_space<hbm>> -> memref<632x128xf32, #tpu.memory_space<hbm>>
      tpu.enqueue_dma source(%dma_start3A_19 : memref<632x128xf32, #tpu.memory_space<hbm>>) target(%dma_start3A_17 : memref<632x128xf32, #tpu.memory_space<vmem_shared>>) target_semaphore(%run_scoped3A : memref<!tpu.dma_semaphore, #tpu.memory_space<semaphore_mem>>)
      %dma_wait3A = arith.constant 0 : i32
      %dma_wait3A_20 = tpu.memref_slice %arg10[%mul3A_6, %dma_wait3A] : memref<10112x128xf32, #tpu.memory_space<vmem_shared>> -> memref<632x128xf32, #tpu.memory_space<vmem_shared>>
      %dma_wait3A_21 = arith.constant 0 : i32
      %dma_wait3A_22 = tpu.memref_slice %arg5[%mul3A_6, %dma_wait3A_21] : memref<10112x128xf32, #tpu.memory_space<hbm>> -> memref<632x128xf32, #tpu.memory_space<hbm>>
      tpu.wait_dma2 semaphore(%run_scoped3A : memref<!tpu.dma_semaphore, #tpu.memory_space<semaphore_mem>>) src(%dma_wait3A_22 : memref<632x128xf32, #tpu.memory_space<hbm>>) dst(%dma_wait3A_20 : memref<632x128xf32, #tpu.memory_space<vmem_shared>>)
      tpu.yield
    }) : () -> ()
    "tpu.region"() ({
      %run_scoped3A = tpu.sem_alloc : memref<!tpu.dma_semaphore, #tpu.memory_space<semaphore_mem>>
      %dma_start3A = arith.constant 0 : i32
      %dma_start3A_17 = tpu.memref_slice %arg3[%mul3A_2, %dma_start3A] : memref<2560x128xi32, #tpu.memory_space<hbm>> -> memref<80x128xi32, #tpu.memory_space<hbm>>
      %dma_start3A_18 = arith.constant 0 : i32
      %dma_start3A_19 = tpu.memref_slice %arg3[%mul3A_2, %dma_start3A_18] : memref<2560x128xi32, #tpu.memory_space<hbm>> -> memref<80x128xi32, #tpu.memory_space<hbm>>
      tpu.enqueue_dma source(%dma_start3A_19 : memref<80x128xi32, #tpu.memory_space<hbm>>) target(%arg7 : memref<80x128xi32, #tpu.memory_space<vmem>>) target_semaphore(%run_scoped3A : memref<!tpu.dma_semaphore, #tpu.memory_space<semaphore_mem>>)
      %dma_wait3A = arith.constant 0 : i32
      %dma_wait3A_20 = tpu.memref_slice %arg3[%mul3A_2, %dma_wait3A] : memref<2560x128xi32, #tpu.memory_space<hbm>> -> memref<80x128xi32, #tpu.memory_space<hbm>>
      %dma_wait3A_21 = arith.constant 0 : i32
      %dma_wait3A_22 = tpu.memref_slice %arg3[%mul3A_2, %dma_wait3A_21] : memref<2560x128xi32, #tpu.memory_space<hbm>> -> memref<80x128xi32, #tpu.memory_space<hbm>>
      tpu.wait_dma2 semaphore(%run_scoped3A : memref<!tpu.dma_semaphore, #tpu.memory_space<semaphore_mem>>) src(%dma_wait3A_22 : memref<80x128xi32, #tpu.memory_space<hbm>>) dst(%arg7 : memref<80x128xi32, #tpu.memory_space<vmem>>)
      tpu.yield
    }) : () -> ()
    "tpu.region"() ({
      %run_scoped3A = tpu.sem_alloc : memref<!tpu.dma_semaphore, #tpu.memory_space<semaphore_mem>>
      %dma_start3A = arith.constant 0 : i32
      %dma_start3A_17 = tpu.memref_slice %arg4[%mul3A_2, %dma_start3A] : memref<2560x128xi32, #tpu.memory_space<hbm>> -> memref<80x128xi32, #tpu.memory_space<hbm>>
      %dma_start3A_18 = arith.constant 0 : i32
      %dma_start3A_19 = tpu.memref_slice %arg4[%mul3A_2, %dma_start3A_18] : memref<2560x128xi32, #tpu.memory_space<hbm>> -> memref<80x128xi32, #tpu.memory_space<hbm>>
      tpu.enqueue_dma source(%dma_start3A_19 : memref<80x128xi32, #tpu.memory_space<hbm>>) target(%arg8 : memref<80x128xi32, #tpu.memory_space<vmem>>) target_semaphore(%run_scoped3A : memref<!tpu.dma_semaphore, #tpu.memory_space<semaphore_mem>>)
      %dma_wait3A = arith.constant 0 : i32
      %dma_wait3A_20 = tpu.memref_slice %arg4[%mul3A_2, %dma_wait3A] : memref<2560x128xi32, #tpu.memory_space<hbm>> -> memref<80x128xi32, #tpu.memory_space<hbm>>
      %dma_wait3A_21 = arith.constant 0 : i32
      %dma_wait3A_22 = tpu.memref_slice %arg4[%mul3A_2, %dma_wait3A_21] : memref<2560x128xi32, #tpu.memory_space<hbm>> -> memref<80x128xi32, #tpu.memory_space<hbm>>
      tpu.wait_dma2 semaphore(%run_scoped3A : memref<!tpu.dma_semaphore, #tpu.memory_space<semaphore_mem>>) src(%dma_wait3A_22 : memref<80x128xi32, #tpu.memory_space<hbm>>) dst(%arg8 : memref<80x128xi32, #tpu.memory_space<vmem>>)
      tpu.yield
    }) : () -> ()
    %barrier3A = arith.constant 0 : index
    tpu.barrier barrier_id(%barrier3A)
    %while3A = arith.constant 0 : i32
    %while3A_7 = arith.constant 0 : i32
    %while3A_8 = arith.subi %min3A, %while3A_7 : i32
    %while3A_9 = arith.addi %while3A_7, %while3A_8 : i32
    %while3A_10 = arith.constant 1 : i32
    %while3A_11 = arith.divsi %while3A_8, %while3A_10 : i32
    %while3A_12 = arith.muli %while3A_11, %while3A_10 : i32
    %while3A_13 = arith.addi %while3A_7, %while3A_12 : i32
    %while3A_14 = arith.constant 1 : i32
    scf.for %while3A_17 = %while3A_7 to %while3A_13 step %while3A_14  : i32 {
      %dma_start3A = arith.constant 0 : i32
      %dma_start3A_18 = tpu.memref_slice %arg7[%while3A_17, %dma_start3A] : memref<80x128xi32, #tpu.memory_space<vmem>> -> memref<1x128xi32, #tpu.memory_space<vmem>>
      %dma_start3A_19 = tpu.memref_squeeze %dma_start3A_18 : memref<1x128xi32, #tpu.memory_space<vmem>> -> memref<128xi32, #tpu.memory_space<vmem>>
      %dma_start3A_20 = arith.constant 0 : i32
      %dma_start3A_21 = arith.constant 0 : i32
      %dma_start3A_22 = tpu.memref_slice %arg2[%dma_start3A_20, %dma_start3A_21] : memref<10000x128xf32, #tpu.memory_space<hbm>> -> memref<10000x128xf32, #tpu.memory_space<hbm>>
      tpu.enqueue_indirect_dma source(%dma_start3A_22 : memref<10000x128xf32, #tpu.memory_space<hbm>>) target(%arg9 : memref<128x128xf32, #tpu.memory_space<vmem>>) offsets(%dma_start3A_19 : memref<128xi32, #tpu.memory_space<vmem>>) semaphore(%arg11 : memref<!tpu.dma_semaphore, #tpu.memory_space<semaphore_mem>>)
      %dma_wait3A = arith.constant 0 : i32
      %dma_wait3A_23 = tpu.memref_slice %arg7[%while3A_17, %dma_wait3A] : memref<80x128xi32, #tpu.memory_space<vmem>> -> memref<1x128xi32, #tpu.memory_space<vmem>>
      %dma_wait3A_24 = tpu.memref_squeeze %dma_wait3A_23 : memref<1x128xi32, #tpu.memory_space<vmem>> -> memref<128xi32, #tpu.memory_space<vmem>>
      %dma_wait3A_25 = arith.constant 0 : i32
      %dma_wait3A_26 = arith.constant 0 : i32
      %dma_wait3A_27 = tpu.memref_slice %arg2[%dma_wait3A_25, %dma_wait3A_26] : memref<10000x128xf32, #tpu.memory_space<hbm>> -> memref<10000x128xf32, #tpu.memory_space<hbm>>
      tpu.wait_indirect_dma semaphore(%arg11 : memref<!tpu.dma_semaphore, #tpu.memory_space<semaphore_mem>>) src(%dma_wait3A_27 : memref<10000x128xf32, #tpu.memory_space<hbm>>) dst(%arg9 : memref<128x128xf32, #tpu.memory_space<vmem>>)
      "tpu.region"() ({
        %run_scoped3A = tpu.sem_alloc : memref<!tpu.dma_semaphore, #tpu.memory_space<semaphore_mem>>
        %dma_start3A_28 = arith.constant 0 : i32
        %dma_start3A_29 = tpu.memref_slice %arg8[%while3A_17, %dma_start3A_28] : memref<80x128xi32, #tpu.memory_space<vmem>> -> memref<1x128xi32, #tpu.memory_space<vmem>>
        %dma_start3A_30 = tpu.memref_squeeze %dma_start3A_29 : memref<1x128xi32, #tpu.memory_space<vmem>> -> memref<128xi32, #tpu.memory_space<vmem>>
        %dma_start3A_31 = arith.constant 0 : i32
        %dma_start3A_32 = arith.constant 0 : i32
        %dma_start3A_33 = tpu.memref_slice %arg10[%dma_start3A_31, %dma_start3A_32] : memref<10112x128xf32, #tpu.memory_space<vmem_shared>> -> memref<10112x128xf32, #tpu.memory_space<vmem_shared>>
        tpu.enqueue_indirect_dma source(%arg9 : memref<128x128xf32, #tpu.memory_space<vmem>>) target(%dma_start3A_33 : memref<10112x128xf32, #tpu.memory_space<vmem_shared>>) offsets(%dma_start3A_30 : memref<128xi32, #tpu.memory_space<vmem>>) semaphore(%run_scoped3A : memref<!tpu.dma_semaphore, #tpu.memory_space<semaphore_mem>>) {add = true}
        %dma_wait3A_34 = arith.constant 0 : i32
        %dma_wait3A_35 = tpu.memref_slice %arg8[%while3A_17, %dma_wait3A_34] : memref<80x128xi32, #tpu.memory_space<vmem>> -> memref<1x128xi32, #tpu.memory_space<vmem>>
        %dma_wait3A_36 = tpu.memref_squeeze %dma_wait3A_35 : memref<1x128xi32, #tpu.memory_space<vmem>> -> memref<128xi32, #tpu.memory_space<vmem>>
        %dma_wait3A_37 = arith.constant 0 : i32
        %dma_wait3A_38 = arith.constant 0 : i32
        %dma_wait3A_39 = tpu.memref_slice %arg10[%dma_wait3A_37, %dma_wait3A_38] : memref<10112x128xf32, #tpu.memory_space<vmem_shared>> -> memref<10112x128xf32, #tpu.memory_space<vmem_shared>>
        tpu.wait_indirect_dma semaphore(%run_scoped3A : memref<!tpu.dma_semaphore, #tpu.memory_space<semaphore_mem>>) src(%arg9 : memref<128x128xf32, #tpu.memory_space<vmem>>) dst(%dma_wait3A_39 : memref<10112x128xf32, #tpu.memory_space<vmem_shared>>)
        tpu.yield
      }) : () -> ()
    }
    %while3A_15 = arith.constant 1 : i32
    scf.for %while3A_17 = %while3A_13 to %while3A_9 step %while3A_15  : i32 {
      %dma_start3A = arith.constant 0 : i32
      %dma_start3A_18 = tpu.memref_slice %arg7[%while3A_17, %dma_start3A] : memref<80x128xi32, #tpu.memory_space<vmem>> -> memref<1x128xi32, #tpu.memory_space<vmem>>
      %dma_start3A_19 = tpu.memref_squeeze %dma_start3A_18 : memref<1x128xi32, #tpu.memory_space<vmem>> -> memref<128xi32, #tpu.memory_space<vmem>>
      %dma_start3A_20 = arith.constant 0 : i32
      %dma_start3A_21 = arith.constant 0 : i32
      %dma_start3A_22 = tpu.memref_slice %arg2[%dma_start3A_20, %dma_start3A_21] : memref<10000x128xf32, #tpu.memory_space<hbm>> -> memref<10000x128xf32, #tpu.memory_space<hbm>>
      tpu.enqueue_indirect_dma source(%dma_start3A_22 : memref<10000x128xf32, #tpu.memory_space<hbm>>) target(%arg9 : memref<128x128xf32, #tpu.memory_space<vmem>>) offsets(%dma_start3A_19 : memref<128xi32, #tpu.memory_space<vmem>>) semaphore(%arg11 : memref<!tpu.dma_semaphore, #tpu.memory_space<semaphore_mem>>)
      %dma_wait3A = arith.constant 0 : i32
      %dma_wait3A_23 = tpu.memref_slice %arg7[%while3A_17, %dma_wait3A] : memref<80x128xi32, #tpu.memory_space<vmem>> -> memref<1x128xi32, #tpu.memory_space<vmem>>
      %dma_wait3A_24 = tpu.memref_squeeze %dma_wait3A_23 : memref<1x128xi32, #tpu.memory_space<vmem>> -> memref<128xi32, #tpu.memory_space<vmem>>
      %dma_wait3A_25 = arith.constant 0 : i32
      %dma_wait3A_26 = arith.constant 0 : i32
      %dma_wait3A_27 = tpu.memref_slice %arg2[%dma_wait3A_25, %dma_wait3A_26] : memref<10000x128xf32, #tpu.memory_space<hbm>> -> memref<10000x128xf32, #tpu.memory_space<hbm>>
      tpu.wait_indirect_dma semaphore(%arg11 : memref<!tpu.dma_semaphore, #tpu.memory_space<semaphore_mem>>) src(%dma_wait3A_27 : memref<10000x128xf32, #tpu.memory_space<hbm>>) dst(%arg9 : memref<128x128xf32, #tpu.memory_space<vmem>>)
      "tpu.region"() ({
        %run_scoped3A = tpu.sem_alloc : memref<!tpu.dma_semaphore, #tpu.memory_space<semaphore_mem>>
        %dma_start3A_28 = arith.constant 0 : i32
        %dma_start3A_29 = tpu.memref_slice %arg8[%while3A_17, %dma_start3A_28] : memref<80x128xi32, #tpu.memory_space<vmem>> -> memref<1x128xi32, #tpu.memory_space<vmem>>
        %dma_start3A_30 = tpu.memref_squeeze %dma_start3A_29 : memref<1x128xi32, #tpu.memory_space<vmem>> -> memref<128xi32, #tpu.memory_space<vmem>>
        %dma_start3A_31 = arith.constant 0 : i32
        %dma_start3A_32 = arith.constant 0 : i32
        %dma_start3A_33 = tpu.memref_slice %arg10[%dma_start3A_31, %dma_start3A_32] : memref<10112x128xf32, #tpu.memory_space<vmem_shared>> -> memref<10112x128xf32, #tpu.memory_space<vmem_shared>>
        tpu.enqueue_indirect_dma source(%arg9 : memref<128x128xf32, #tpu.memory_space<vmem>>) target(%dma_start3A_33 : memref<10112x128xf32, #tpu.memory_space<vmem_shared>>) offsets(%dma_start3A_30 : memref<128xi32, #tpu.memory_space<vmem>>) semaphore(%run_scoped3A : memref<!tpu.dma_semaphore, #tpu.memory_space<semaphore_mem>>) {add = true}
        %dma_wait3A_34 = arith.constant 0 : i32
        %dma_wait3A_35 = tpu.memref_slice %arg8[%while3A_17, %dma_wait3A_34] : memref<80x128xi32, #tpu.memory_space<vmem>> -> memref<1x128xi32, #tpu.memory_space<vmem>>
        %dma_wait3A_36 = tpu.memref_squeeze %dma_wait3A_35 : memref<1x128xi32, #tpu.memory_space<vmem>> -> memref<128xi32, #tpu.memory_space<vmem>>
        %dma_wait3A_37 = arith.constant 0 : i32
        %dma_wait3A_38 = arith.constant 0 : i32
        %dma_wait3A_39 = tpu.memref_slice %arg10[%dma_wait3A_37, %dma_wait3A_38] : memref<10112x128xf32, #tpu.memory_space<vmem_shared>> -> memref<10112x128xf32, #tpu.memory_space<vmem_shared>>
        tpu.wait_indirect_dma semaphore(%run_scoped3A : memref<!tpu.dma_semaphore, #tpu.memory_space<semaphore_mem>>) src(%arg9 : memref<128x128xf32, #tpu.memory_space<vmem>>) dst(%dma_wait3A_39 : memref<10112x128xf32, #tpu.memory_space<vmem_shared>>)
        tpu.yield
      }) : () -> ()
    }
    %barrier3A_16 = arith.constant 0 : index
    tpu.barrier barrier_id(%barrier3A_16)
    "tpu.region"() ({
      %run_scoped3A = tpu.sem_alloc : memref<!tpu.dma_semaphore, #tpu.memory_space<semaphore_mem>>
      %dma_start3A = arith.constant 0 : i32
      %dma_start3A_17 = tpu.memref_slice %arg6[%arg0, %mul3A_6, %dma_start3A] : memref<2x10112x128xf32, #tpu.memory_space<hbm>> -> memref<1x632x128xf32, #tpu.memory_space<hbm>>
      %dma_start3A_18 = tpu.memref_squeeze %dma_start3A_17 : memref<1x632x128xf32, #tpu.memory_space<hbm>> -> memref<632x128xf32, #tpu.memory_space<hbm>>
      %dma_start3A_19 = arith.constant 0 : i32
      %dma_start3A_20 = tpu.memref_slice %arg10[%mul3A_6, %dma_start3A_19] : memref<10112x128xf32, #tpu.memory_space<vmem_shared>> -> memref<632x128xf32, #tpu.memory_space<vmem_shared>>
      tpu.enqueue_dma source(%dma_start3A_20 : memref<632x128xf32, #tpu.memory_space<vmem_shared>>) target(%dma_start3A_18 : memref<632x128xf32, #tpu.memory_space<hbm>>) target_semaphore(%run_scoped3A : memref<!tpu.dma_semaphore, #tpu.memory_space<semaphore_mem>>)
      %dma_wait3A = arith.constant 0 : i32
      %dma_wait3A_21 = tpu.memref_slice %arg6[%arg0, %mul3A_6, %dma_wait3A] : memref<2x10112x128xf32, #tpu.memory_space<hbm>> -> memref<1x632x128xf32, #tpu.memory_space<hbm>>
      %dma_wait3A_22 = tpu.memref_squeeze %dma_wait3A_21 : memref<1x632x128xf32, #tpu.memory_space<hbm>> -> memref<632x128xf32, #tpu.memory_space<hbm>>
      %dma_wait3A_23 = arith.constant 0 : i32
      %dma_wait3A_24 = tpu.memref_slice %arg10[%mul3A_6, %dma_wait3A_23] : memref<10112x128xf32, #tpu.memory_space<vmem_shared>> -> memref<632x128xf32, #tpu.memory_space<vmem_shared>>
      tpu.wait_dma2 semaphore(%run_scoped3A : memref<!tpu.dma_semaphore, #tpu.memory_space<semaphore_mem>>) src(%dma_wait3A_24 : memref<632x128xf32, #tpu.memory_space<vmem_shared>>) dst(%dma_wait3A_22 : memref<632x128xf32, #tpu.memory_space<hbm>>)
      tpu.yield
    }) : () -> ()
    return
  }
}

#map = affine_map<(d0, d1) -> (0, 0)>
#map1 = affine_map<(d0, d1) -> (0, 0, 0)>
module attributes {stable_mosaic.version = 14 : i64} {
  func.func @body(%arg0: i32, %arg1: i32, %arg2: memref<10000x128xf32, #tpu.memory_space<hbm>>, %arg3: memref<2560x128xi32, #tpu.memory_space<hbm>>, %arg4: memref<2560x128xi32, #tpu.memory_space<hbm>>, %arg5: memref<10112x128xf32, #tpu.memory_space<hbm>>, %arg6: memref<2x10112x128xf32, #tpu.memory_space<hbm>>, %arg7: memref<80x128xi32, #tpu.memory_space<vmem>>, %arg8: memref<80x128xi32, #tpu.memory_space<vmem>>, %arg9: memref<128x128xf32, #tpu.memory_space<vmem>>, %arg10: memref<10112x128xf32, #tpu.memory_space<vmem_shared>>, %arg11: memref<!tpu.dma_semaphore, #tpu.memory_space<semaphore_mem>>) attributes {dimension_semantics = [#tpu.dimension_semantics<core_parallel>, #tpu.dimension_semantics<subcore_parallel>], iteration_bounds = array<i64: 2, 16>, scalar_prefetch = 0 : i64, scratch_operands = 5 : i64, tpu.core_type = #tpu.core_type<sc_vector_subcore>, window_params = [{transform_indices = #map}, {transform_indices = #map}, {transform_indices = #map}, {transform_indices = #map}, {transform_indices = #map1}]} {
    %mul3A = arith.constant 2 : i32
    %mul3A_0 = arith.muli %arg1, %mul3A : i32
    %add3A = arith.addi %mul3A_0, %arg0 : i32
    %mul3A_1 = arith.constant 80 : i32
    %mul3A_2 = arith.muli %add3A, %mul3A_1 : i32
    %sub3A = arith.constant 2500 : i32
    %sub3A_3 = arith.subi %sub3A, %mul3A_2 : i32
    %jit3A = arith.constant 0 : i32
    %jit3A_4 = arith.constant 80 : i32
    %max3A = arith.maxsi %jit3A, %sub3A_3 : i32
    %min3A = arith.minsi %jit3A_4, %max3A : i32
    %mul3A_5 = arith.constant 632 : i32
    %mul3A_6 = arith.muli %arg1, %mul3A_5 : i32
    "tpu.region"() ({
      %run_scoped3A = tpu.sem_alloc : memref<!tpu.dma_semaphore, #tpu.memory_space<semaphore_mem>>
      %dma_start3A = arith.constant 0 : i32
      %dma_start3A_17 = tpu.memref_slice %arg10[%mul3A_6, %dma_start3A] : memref<10112x128xf32, #tpu.memory_space<vmem_shared>> -> memref<632x128xf32, #tpu.memory_space<vmem_shared>>
      %dma_start3A_18 = arith.constant 0 : i32
      %dma_start3A_19 = tpu.memref_slice %arg5[%mul3A_6, %dma_start3A_18] : memref<10112x128xf32, #tpu.memory_space<hbm>> -> memref<632x128xf32, #tpu.memory_space<hbm>>
      tpu.enqueue_dma source(%dma_start3A_19 : memref<632x128xf32, #tpu.memory_space<hbm>>) target(%dma_start3A_17 : memref<632x128xf32, #tpu.memory_space<vmem_shared>>) target_semaphore(%run_scoped3A : memref<!tpu.dma_semaphore, #tpu.memory_space<semaphore_mem>>)
      %dma_wait3A = arith.constant 0 : i32
      %dma_wait3A_20 = tpu.memref_slice %arg10[%mul3A_6, %dma_wait3A] : memref<10112x128xf32, #tpu.memory_space<vmem_shared>> -> memref<632x128xf32, #tpu.memory_space<vmem_shared>>
      %dma_wait3A_21 = arith.constant 0 : i32
      %dma_wait3A_22 = tpu.memref_slice %arg5[%mul3A_6, %dma_wait3A_21] : memref<10112x128xf32, #tpu.memory_space<hbm>> -> memref<632x128xf32, #tpu.memory_space<hbm>>
      tpu.wait_dma2 semaphore(%run_scoped3A : memref<!tpu.dma_semaphore, #tpu.memory_space<semaphore_mem>>) src(%dma_wait3A_22 : memref<632x128xf32, #tpu.memory_space<hbm>>) dst(%dma_wait3A_20 : memref<632x128xf32, #tpu.memory_space<vmem_shared>>)
      tpu.yield
    }) : () -> ()
    "tpu.region"() ({
      %run_scoped3A = tpu.sem_alloc : memref<!tpu.dma_semaphore, #tpu.memory_space<semaphore_mem>>
      %dma_start3A = arith.constant 0 : i32
      %dma_start3A_17 = tpu.memref_slice %arg3[%mul3A_2, %dma_start3A] : memref<2560x128xi32, #tpu.memory_space<hbm>> -> memref<80x128xi32, #tpu.memory_space<hbm>>
      %dma_start3A_18 = arith.constant 0 : i32
      %dma_start3A_19 = tpu.memref_slice %arg3[%mul3A_2, %dma_start3A_18] : memref<2560x128xi32, #tpu.memory_space<hbm>> -> memref<80x128xi32, #tpu.memory_space<hbm>>
      tpu.enqueue_dma source(%dma_start3A_19 : memref<80x128xi32, #tpu.memory_space<hbm>>) target(%arg7 : memref<80x128xi32, #tpu.memory_space<vmem>>) target_semaphore(%run_scoped3A : memref<!tpu.dma_semaphore, #tpu.memory_space<semaphore_mem>>)
      %dma_wait3A = arith.constant 0 : i32
      %dma_wait3A_20 = tpu.memref_slice %arg3[%mul3A_2, %dma_wait3A] : memref<2560x128xi32, #tpu.memory_space<hbm>> -> memref<80x128xi32, #tpu.memory_space<hbm>>
      %dma_wait3A_21 = arith.constant 0 : i32
      %dma_wait3A_22 = tpu.memref_slice %arg3[%mul3A_2, %dma_wait3A_21] : memref<2560x128xi32, #tpu.memory_space<hbm>> -> memref<80x128xi32, #tpu.memory_space<hbm>>
      tpu.wait_dma2 semaphore(%run_scoped3A : memref<!tpu.dma_semaphore, #tpu.memory_space<semaphore_mem>>) src(%dma_wait3A_22 : memref<80x128xi32, #tpu.memory_space<hbm>>) dst(%arg7 : memref<80x128xi32, #tpu.memory_space<vmem>>)
      tpu.yield
    }) : () -> ()
    "tpu.region"() ({
      %run_scoped3A = tpu.sem_alloc : memref<!tpu.dma_semaphore, #tpu.memory_space<semaphore_mem>>
      %dma_start3A = arith.constant 0 : i32
      %dma_start3A_17 = tpu.memref_slice %arg4[%mul3A_2, %dma_start3A] : memref<2560x128xi32, #tpu.memory_space<hbm>> -> memref<80x128xi32, #tpu.memory_space<hbm>>
      %dma_start3A_18 = arith.constant 0 : i32
      %dma_start3A_19 = tpu.memref_slice %arg4[%mul3A_2, %dma_start3A_18] : memref<2560x128xi32, #tpu.memory_space<hbm>> -> memref<80x128xi32, #tpu.memory_space<hbm>>
      tpu.enqueue_dma source(%dma_start3A_19 : memref<80x128xi32, #tpu.memory_space<hbm>>) target(%arg8 : memref<80x128xi32, #tpu.memory_space<vmem>>) target_semaphore(%run_scoped3A : memref<!tpu.dma_semaphore, #tpu.memory_space<semaphore_mem>>)
      %dma_wait3A = arith.constant 0 : i32
      %dma_wait3A_20 = tpu.memref_slice %arg4[%mul3A_2, %dma_wait3A] : memref<2560x128xi32, #tpu.memory_space<hbm>> -> memref<80x128xi32, #tpu.memory_space<hbm>>
      %dma_wait3A_21 = arith.constant 0 : i32
      %dma_wait3A_22 = tpu.memref_slice %arg4[%mul3A_2, %dma_wait3A_21] : memref<2560x128xi32, #tpu.memory_space<hbm>> -> memref<80x128xi32, #tpu.memory_space<hbm>>
      tpu.wait_dma2 semaphore(%run_scoped3A : memref<!tpu.dma_semaphore, #tpu.memory_space<semaphore_mem>>) src(%dma_wait3A_22 : memref<80x128xi32, #tpu.memory_space<hbm>>) dst(%arg8 : memref<80x128xi32, #tpu.memory_space<vmem>>)
      tpu.yield
    }) : () -> ()
    %barrier3A = arith.constant 0 : index
    tpu.barrier barrier_id(%barrier3A)
    %while3A = arith.constant 0 : i32
    %while3A_7 = arith.constant 0 : i32
    %while3A_8 = arith.subi %min3A, %while3A_7 : i32
    %while3A_9 = arith.addi %while3A_7, %while3A_8 : i32
    %while3A_10 = arith.constant 1 : i32
    %while3A_11 = arith.divsi %while3A_8, %while3A_10 : i32
    %while3A_12 = arith.muli %while3A_11, %while3A_10 : i32
    %while3A_13 = arith.addi %while3A_7, %while3A_12 : i32
    %while3A_14 = arith.constant 1 : i32
    scf.for %while3A_17 = %while3A_7 to %while3A_13 step %while3A_14  : i32 {
      %dma_start3A = arith.constant 0 : i32
      %dma_start3A_18 = tpu.memref_slice %arg7[%while3A_17, %dma_start3A] : memref<80x128xi32, #tpu.memory_space<vmem>> -> memref<1x128xi32, #tpu.memory_space<vmem>>
      %dma_start3A_19 = tpu.memref_squeeze %dma_start3A_18 : memref<1x128xi32, #tpu.memory_space<vmem>> -> memref<128xi32, #tpu.memory_space<vmem>>
      %dma_start3A_20 = arith.constant 0 : i32
      %dma_start3A_21 = arith.constant 0 : i32
      %dma_start3A_22 = tpu.memref_slice %arg2[%dma_start3A_20, %dma_start3A_21] : memref<10000x128xf32, #tpu.memory_space<hbm>> -> memref<10000x128xf32, #tpu.memory_space<hbm>>
      tpu.enqueue_indirect_dma source(%dma_start3A_22 : memref<10000x128xf32, #tpu.memory_space<hbm>>) target(%arg9 : memref<128x128xf32, #tpu.memory_space<vmem>>) offsets(%dma_start3A_19 : memref<128xi32, #tpu.memory_space<vmem>>) semaphore(%arg11 : memref<!tpu.dma_semaphore, #tpu.memory_space<semaphore_mem>>)
      %dma_wait3A = arith.constant 0 : i32
      %dma_wait3A_23 = tpu.memref_slice %arg7[%while3A_17, %dma_wait3A] : memref<80x128xi32, #tpu.memory_space<vmem>> -> memref<1x128xi32, #tpu.memory_space<vmem>>
      %dma_wait3A_24 = tpu.memref_squeeze %dma_wait3A_23 : memref<1x128xi32, #tpu.memory_space<vmem>> -> memref<128xi32, #tpu.memory_space<vmem>>
      %dma_wait3A_25 = arith.constant 0 : i32
      %dma_wait3A_26 = arith.constant 0 : i32
      %dma_wait3A_27 = tpu.memref_slice %arg2[%dma_wait3A_25, %dma_wait3A_26] : memref<10000x128xf32, #tpu.memory_space<hbm>> -> memref<10000x128xf32, #tpu.memory_space<hbm>>
      tpu.wait_indirect_dma semaphore(%arg11 : memref<!tpu.dma_semaphore, #tpu.memory_space<semaphore_mem>>) src(%dma_wait3A_27 : memref<10000x128xf32, #tpu.memory_space<hbm>>) dst(%arg9 : memref<128x128xf32, #tpu.memory_space<vmem>>)
      "tpu.region"() ({
        %run_scoped3A = tpu.sem_alloc : memref<!tpu.dma_semaphore, #tpu.memory_space<semaphore_mem>>
        %dma_start3A_28 = arith.constant 0 : i32
        %dma_start3A_29 = tpu.memref_slice %arg8[%while3A_17, %dma_start3A_28] : memref<80x128xi32, #tpu.memory_space<vmem>> -> memref<1x128xi32, #tpu.memory_space<vmem>>
        %dma_start3A_30 = tpu.memref_squeeze %dma_start3A_29 : memref<1x128xi32, #tpu.memory_space<vmem>> -> memref<128xi32, #tpu.memory_space<vmem>>
        %dma_start3A_31 = arith.constant 0 : i32
        %dma_start3A_32 = arith.constant 0 : i32
        %dma_start3A_33 = tpu.memref_slice %arg10[%dma_start3A_31, %dma_start3A_32] : memref<10112x128xf32, #tpu.memory_space<vmem_shared>> -> memref<10112x128xf32, #tpu.memory_space<vmem_shared>>
        tpu.enqueue_indirect_dma source(%arg9 : memref<128x128xf32, #tpu.memory_space<vmem>>) target(%dma_start3A_33 : memref<10112x128xf32, #tpu.memory_space<vmem_shared>>) offsets(%dma_start3A_30 : memref<128xi32, #tpu.memory_space<vmem>>) semaphore(%run_scoped3A : memref<!tpu.dma_semaphore, #tpu.memory_space<semaphore_mem>>) {add = true}
        %dma_wait3A_34 = arith.constant 0 : i32
        %dma_wait3A_35 = tpu.memref_slice %arg8[%while3A_17, %dma_wait3A_34] : memref<80x128xi32, #tpu.memory_space<vmem>> -> memref<1x128xi32, #tpu.memory_space<vmem>>
        %dma_wait3A_36 = tpu.memref_squeeze %dma_wait3A_35 : memref<1x128xi32, #tpu.memory_space<vmem>> -> memref<128xi32, #tpu.memory_space<vmem>>
        %dma_wait3A_37 = arith.constant 0 : i32
        %dma_wait3A_38 = arith.constant 0 : i32
        %dma_wait3A_39 = tpu.memref_slice %arg10[%dma_wait3A_37, %dma_wait3A_38] : memref<10112x128xf32, #tpu.memory_space<vmem_shared>> -> memref<10112x128xf32, #tpu.memory_space<vmem_shared>>
        tpu.wait_indirect_dma semaphore(%run_scoped3A : memref<!tpu.dma_semaphore, #tpu.memory_space<semaphore_mem>>) src(%arg9 : memref<128x128xf32, #tpu.memory_space<vmem>>) dst(%dma_wait3A_39 : memref<10112x128xf32, #tpu.memory_space<vmem_shared>>)
        tpu.yield
      }) : () -> ()
    }
    %while3A_15 = arith.constant 1 : i32
    scf.for %while3A_17 = %while3A_13 to %while3A_9 step %while3A_15  : i32 {
      %dma_start3A = arith.constant 0 : i32
      %dma_start3A_18 = tpu.memref_slice %arg7[%while3A_17, %dma_start3A] : memref<80x128xi32, #tpu.memory_space<vmem>> -> memref<1x128xi32, #tpu.memory_space<vmem>>
      %dma_start3A_19 = tpu.memref_squeeze %dma_start3A_18 : memref<1x128xi32, #tpu.memory_space<vmem>> -> memref<128xi32, #tpu.memory_space<vmem>>
      %dma_start3A_20 = arith.constant 0 : i32
      %dma_start3A_21 = arith.constant 0 : i32
      %dma_start3A_22 = tpu.memref_slice %arg2[%dma_start3A_20, %dma_start3A_21] : memref<10000x128xf32, #tpu.memory_space<hbm>> -> memref<10000x128xf32, #tpu.memory_space<hbm>>
      tpu.enqueue_indirect_dma source(%dma_start3A_22 : memref<10000x128xf32, #tpu.memory_space<hbm>>) target(%arg9 : memref<128x128xf32, #tpu.memory_space<vmem>>) offsets(%dma_start3A_19 : memref<128xi32, #tpu.memory_space<vmem>>) semaphore(%arg11 : memref<!tpu.dma_semaphore, #tpu.memory_space<semaphore_mem>>)
      %dma_wait3A = arith.constant 0 : i32
      %dma_wait3A_23 = tpu.memref_slice %arg7[%while3A_17, %dma_wait3A] : memref<80x128xi32, #tpu.memory_space<vmem>> -> memref<1x128xi32, #tpu.memory_space<vmem>>
      %dma_wait3A_24 = tpu.memref_squeeze %dma_wait3A_23 : memref<1x128xi32, #tpu.memory_space<vmem>> -> memref<128xi32, #tpu.memory_space<vmem>>
      %dma_wait3A_25 = arith.constant 0 : i32
      %dma_wait3A_26 = arith.constant 0 : i32
      %dma_wait3A_27 = tpu.memref_slice %arg2[%dma_wait3A_25, %dma_wait3A_26] : memref<10000x128xf32, #tpu.memory_space<hbm>> -> memref<10000x128xf32, #tpu.memory_space<hbm>>
      tpu.wait_indirect_dma semaphore(%arg11 : memref<!tpu.dma_semaphore, #tpu.memory_space<semaphore_mem>>) src(%dma_wait3A_27 : memref<10000x128xf32, #tpu.memory_space<hbm>>) dst(%arg9 : memref<128x128xf32, #tpu.memory_space<vmem>>)
      "tpu.region"() ({
        %run_scoped3A = tpu.sem_alloc : memref<!tpu.dma_semaphore, #tpu.memory_space<semaphore_mem>>
        %dma_start3A_28 = arith.constant 0 : i32
        %dma_start3A_29 = tpu.memref_slice %arg8[%while3A_17, %dma_start3A_28] : memref<80x128xi32, #tpu.memory_space<vmem>> -> memref<1x128xi32, #tpu.memory_space<vmem>>
        %dma_start3A_30 = tpu.memref_squeeze %dma_start3A_29 : memref<1x128xi32, #tpu.memory_space<vmem>> -> memref<128xi32, #tpu.memory_space<vmem>>
        %dma_start3A_31 = arith.constant 0 : i32
        %dma_start3A_32 = arith.constant 0 : i32
        %dma_start3A_33 = tpu.memref_slice %arg10[%dma_start3A_31, %dma_start3A_32] : memref<10112x128xf32, #tpu.memory_space<vmem_shared>> -> memref<10112x128xf32, #tpu.memory_space<vmem_shared>>
        tpu.enqueue_indirect_dma source(%arg9 : memref<128x128xf32, #tpu.memory_space<vmem>>) target(%dma_start3A_33 : memref<10112x128xf32, #tpu.memory_space<vmem_shared>>) offsets(%dma_start3A_30 : memref<128xi32, #tpu.memory_space<vmem>>) semaphore(%run_scoped3A : memref<!tpu.dma_semaphore, #tpu.memory_space<semaphore_mem>>) {add = true}
        %dma_wait3A_34 = arith.constant 0 : i32
        %dma_wait3A_35 = tpu.memref_slice %arg8[%while3A_17, %dma_wait3A_34] : memref<80x128xi32, #tpu.memory_space<vmem>> -> memref<1x128xi32, #tpu.memory_space<vmem>>
        %dma_wait3A_36 = tpu.memref_squeeze %dma_wait3A_35 : memref<1x128xi32, #tpu.memory_space<vmem>> -> memref<128xi32, #tpu.memory_space<vmem>>
        %dma_wait3A_37 = arith.constant 0 : i32
        %dma_wait3A_38 = arith.constant 0 : i32
        %dma_wait3A_39 = tpu.memref_slice %arg10[%dma_wait3A_37, %dma_wait3A_38] : memref<10112x128xf32, #tpu.memory_space<vmem_shared>> -> memref<10112x128xf32, #tpu.memory_space<vmem_shared>>
        tpu.wait_indirect_dma semaphore(%run_scoped3A : memref<!tpu.dma_semaphore, #tpu.memory_space<semaphore_mem>>) src(%arg9 : memref<128x128xf32, #tpu.memory_space<vmem>>) dst(%dma_wait3A_39 : memref<10112x128xf32, #tpu.memory_space<vmem_shared>>)
        tpu.yield
      }) : () -> ()
    }
    %barrier3A_16 = arith.constant 0 : index
    tpu.barrier barrier_id(%barrier3A_16)
    "tpu.region"() ({
      %run_scoped3A = tpu.sem_alloc : memref<!tpu.dma_semaphore, #tpu.memory_space<semaphore_mem>>
      %dma_start3A = arith.constant 0 : i32
      %dma_start3A_17 = tpu.memref_slice %arg6[%arg0, %mul3A_6, %dma_start3A] : memref<2x10112x128xf32, #tpu.memory_space<hbm>> -> memref<1x632x128xf32, #tpu.memory_space<hbm>>
      %dma_start3A_18 = tpu.memref_squeeze %dma_start3A_17 : memref<1x632x128xf32, #tpu.memory_space<hbm>> -> memref<632x128xf32, #tpu.memory_space<hbm>>
      %dma_start3A_19 = arith.constant 0 : i32
      %dma_start3A_20 = tpu.memref_slice %arg10[%mul3A_6, %dma_start3A_19] : memref<10112x128xf32, #tpu.memory_space<vmem_shared>> -> memref<632x128xf32, #tpu.memory_space<vmem_shared>>
      tpu.enqueue_dma source(%dma_start3A_20 : memref<632x128xf32, #tpu.memory_space<vmem_shared>>) target(%dma_start3A_18 : memref<632x128xf32, #tpu.memory_space<hbm>>) target_semaphore(%run_scoped3A : memref<!tpu.dma_semaphore, #tpu.memory_space<semaphore_mem>>)
      %dma_wait3A = arith.constant 0 : i32
      %dma_wait3A_21 = tpu.memref_slice %arg6[%arg0, %mul3A_6, %dma_wait3A] : memref<2x10112x128xf32, #tpu.memory_space<hbm>> -> memref<1x632x128xf32, #tpu.memory_space<hbm>>
      %dma_wait3A_22 = tpu.memref_squeeze %dma_wait3A_21 : memref<1x632x128xf32, #tpu.memory_space<hbm>> -> memref<632x128xf32, #tpu.memory_space<hbm>>
      %dma_wait3A_23 = arith.constant 0 : i32
      %dma_wait3A_24 = tpu.memref_slice %arg10[%mul3A_6, %dma_wait3A_23] : memref<10112x128xf32, #tpu.memory_space<vmem_shared>> -> memref<632x128xf32, #tpu.memory_space<vmem_shared>>
      tpu.wait_dma2 semaphore(%run_scoped3A : memref<!tpu.dma_semaphore, #tpu.memory_space<semaphore_mem>>) src(%dma_wait3A_24 : memref<632x128xf32, #tpu.memory_space<vmem_shared>>) dst(%dma_wait3A_22 : memref<632x128xf32, #tpu.memory_space<hbm>>)
      tpu.yield
    }) : () -> ()
    return
  }
}

module attributes {stable_mosaic.version = 14 : i64} {
  func.func @_proj_body(%arg0: i32, %arg1: memref<2000x128xf32, #tpu.memory_space<vmem>>, %arg2: memref<2000x4xf32, #tpu.memory_space<vmem>>, %arg3: memref<128x48xf32, #tpu.memory_space<vmem>>, %arg4: memref<2000x128xf32, #tpu.memory_space<vmem>>, %arg5: memref<2000x16xf32, #tpu.memory_space<vmem>>) attributes {dimension_semantics = [#tpu.dimension_semantics<arbitrary>], iteration_bounds = array<i64: 5>, scalar_prefetch = 0 : i64, scratch_operands = 0 : i64, tpu.core_type = #tpu.core_type<tc>, window_params = [{transform_indices = @transform_0, window_bounds = array<i64: 2000, 128>}, {transform_indices = @transform_1, window_bounds = array<i64: 2000, 4>}, {pipeline_mode = #tpu.pipeline_mode<synchronous>, transform_indices = @transform_2, window_bounds = array<i64: 128, 48>}, {transform_indices = @transform_3, window_bounds = array<i64: 2000, 128>}, {transform_indices = @transform_4, window_bounds = array<i64: 2000, 16>}]} {
    %get3A = arith.constant 0 : index
    %get3A_0 = arith.constant 0 : index
    %get3A_1 = vector.load %arg1[%get3A, %get3A_0] : memref<2000x128xf32, #tpu.memory_space<vmem>>, vector<2000x128xf32>
    %get3A_2 = arith.constant 0 : index
    %get3A_3 = arith.constant 0 : index
    %get3A_4 = vector.load %arg3[%get3A_2, %get3A_3] : memref<128x48xf32, #tpu.memory_space<vmem>>, vector<128x48xf32>
    %dot_general3A = arith.constant dense<0.000000e+00> : vector<2000x48xf32>
    %dot_general3A_5 = tpu.matmul %get3A_1, %get3A_4, %dot_general3A {dimension_numbers = #tpu.dot_dimension_numbers<[1], [0], [0], [1], [0, 0, 1, 1], [], []>, transpose_lhs_hint = false} : vector<2000x128xf32>, vector<128x48xf32>, vector<2000x48xf32> -> vector<2000x48xf32>
    %get3A_6 = arith.constant 0 : index
    %get3A_7 = arith.constant 0 : index
    %get3A_8 = vector.load %arg2[%get3A_6, %get3A_7] : memref<2000x4xf32, #tpu.memory_space<vmem>>, vector<2000x4xf32>
    %broadcast_in_dim3A = arith.constant 0.000000e+00 : f32
    %broadcast_in_dim3A_9 = vector.broadcast %broadcast_in_dim3A : f32 to vector<2000x92xf32>
    %slice3A = vector.extract_strided_slice %dot_general3A_5 {offsets = [0, 0], sizes = [2000, 32], strides = [1, 1]} : vector<2000x48xf32> to vector<2000x32xf32>
    %concatenate3A = tpu.concatenate %slice3A, %get3A_8, %broadcast_in_dim3A_9 in 1 : vector<2000x32xf32>, vector<2000x4xf32>, vector<2000x92xf32> -> vector<2000x128xf32>
    %swap3A = arith.constant 0 : index
    %swap3A_10 = arith.constant 0 : index
    %swap3A_11 = vector.load %arg4[%swap3A, %swap3A_10] : memref<2000x128xf32, #tpu.memory_space<vmem>>, vector<2000x128xf32>
    tpu.vector_store %arg4[%swap3A, %swap3A_10], %concatenate3A {strides = array<i32>} : memref<2000x128xf32, #tpu.memory_space<vmem>>, vector<2000x128xf32>,
    %slice3A_12 = vector.extract_strided_slice %dot_general3A_5 {offsets = [0, 32], sizes = [2000, 16], strides = [1, 1]} : vector<2000x48xf32> to vector<2000x16xf32>
    %swap3A_13 = arith.constant 0 : index
    %swap3A_14 = arith.constant 0 : index
    %swap3A_15 = vector.load %arg5[%swap3A_13, %swap3A_14] : memref<2000x16xf32, #tpu.memory_space<vmem>>, vector<2000x16xf32>
    tpu.vector_store %arg5[%swap3A_13, %swap3A_14], %slice3A_12 {strides = array<i32>} : memref<2000x16xf32, #tpu.memory_space<vmem>>, vector<2000x16xf32>,
    return
  }
  func.func @transform_0(%arg0: i32) -> (i32, i32) {
    %c0_i32 = arith.constant 0 : i32
    %c0_i32_0 = arith.constant 0 : i32
    return %arg0, %c0_i32 : i32, i32
  }
  func.func @transform_1(%arg0: i32) -> (i32, i32) {
    %c0_i32 = arith.constant 0 : i32
    %c0_i32_0 = arith.constant 0 : i32
    return %arg0, %c0_i32 : i32, i32
  }
  func.func @transform_2(%arg0: i32) -> (i32, i32) {
    %c0_i32 = arith.constant 0 : i32
    %c0_i32_0 = arith.constant 0 : i32
    %c0_i32_1 = arith.constant 0 : i32
    return %c0_i32, %c0_i32_0 : i32, i32
  }
  func.func @transform_3(%arg0: i32) -> (i32, i32) {
    %c0_i32 = arith.constant 0 : i32
    %c0_i32_0 = arith.constant 0 : i32
    return %arg0, %c0_i32 : i32, i32
  }
  func.func @transform_4(%arg0: i32) -> (i32, i32) {
    %c0_i32 = arith.constant 0 : i32
    %c0_i32_0 = arith.constant 0 : i32
    return %arg0, %c0_i32 : i32, i32
  }
}

module attributes {stable_mosaic.version = 14 : i64} {
  func.func @_edge_chain_body(%arg0: i32, %arg1: memref<2000x128xf32, #tpu.memory_space<vmem>>, %arg2: memref<2000x128xf32, #tpu.memory_space<vmem>>, %arg3: memref<16x16xf32, #tpu.memory_space<vmem>>, %arg4: memref<16x16xf32, #tpu.memory_space<vmem>>, %arg5: memref<8x16xf32, #tpu.memory_space<vmem>>, %arg6: memref<2000x128xf32, #tpu.memory_space<vmem>>) attributes {dimension_semantics = [#tpu.dimension_semantics<arbitrary>], iteration_bounds = array<i64: 160>, scalar_prefetch = 0 : i64, scratch_operands = 0 : i64, tpu.core_type = #tpu.core_type<tc>, window_params = [{transform_indices = @transform_0, window_bounds = array<i64: 2000, 128>}, {transform_indices = @transform_1, window_bounds = array<i64: 2000, 128>}, {pipeline_mode = #tpu.pipeline_mode<synchronous>, transform_indices = @transform_2, window_bounds = array<i64: 16, 16>}, {pipeline_mode = #tpu.pipeline_mode<synchronous>, transform_indices = @transform_3, window_bounds = array<i64: 16, 16>}, {pipeline_mode = #tpu.pipeline_mode<synchronous>, transform_indices = @transform_4, window_bounds = array<i64: 8, 16>}, {transform_indices = @transform_5, window_bounds = array<i64: 2000, 128>}]} {
    %get3A = arith.constant 0 : index
    %get3A_0 = arith.constant 0 : index
    %get3A_1 = vector.load %arg1[%get3A, %get3A_0] : memref<2000x128xf32, #tpu.memory_space<vmem>>, vector<2000x128xf32>
    %get3A_2 = arith.constant 0 : index
    %get3A_3 = arith.constant 0 : index
    %get3A_4 = vector.load %arg2[%get3A_2, %get3A_3] : memref<2000x128xf32, #tpu.memory_space<vmem>>, vector<2000x128xf32>
    %get3A_5 = arith.constant 0 : index
    %get3A_6 = arith.constant 0 : index
    %get3A_7 = vector.load %arg5[%get3A_5, %get3A_6] : memref<8x16xf32, #tpu.memory_space<vmem>>, vector<8x16xf32>
    %slice3A = vector.extract_strided_slice %get3A_7 {offsets = [0, 0], sizes = [1, 16], strides = [1, 1]} : vector<8x16xf32> to vector<1x16xf32>
    %slice3A_8 = vector.extract_strided_slice %get3A_7 {offsets = [1, 0], sizes = [1, 16], strides = [1, 1]} : vector<8x16xf32> to vector<1x16xf32>
    %slice3A_9 = vector.extract_strided_slice %get3A_7 {offsets = [2, 0], sizes = [1, 16], strides = [1, 1]} : vector<8x16xf32> to vector<1x16xf32>
    %slice3A_10 = vector.extract_strided_slice %get3A_7 {offsets = [3, 0], sizes = [1, 16], strides = [1, 1]} : vector<8x16xf32> to vector<1x16xf32>
    %slice3A_11 = vector.extract_strided_slice %get3A_7 {offsets = [4, 0], sizes = [1, 16], strides = [1, 1]} : vector<8x16xf32> to vector<1x16xf32>
    %slice3A_12 = vector.extract_strided_slice %get3A_1 {offsets = [0, 32], sizes = [2000, 3], strides = [1, 1]} : vector<2000x128xf32> to vector<2000x3xf32>
    %slice3A_13 = vector.extract_strided_slice %get3A_4 {offsets = [0, 32], sizes = [2000, 3], strides = [1, 1]} : vector<2000x128xf32> to vector<2000x3xf32>
    %sub3A = arith.subf %slice3A_12, %slice3A_13 : vector<2000x3xf32>
    %mul3A = arith.mulf %sub3A, %sub3A : vector<2000x3xf32>
    %reduce_sum3A = arith.constant dense<0.000000e+00> : vector<2000xf32>
    %reduce_sum3A_14 = vector.multi_reduction <add>, %mul3A, %reduce_sum3A [1] : vector<2000x3xf32> to vector<2000xf32>
    %broadcast_in_dim3A = vector.shape_cast %reduce_sum3A_14 : vector<2000xf32> to vector<2000x1xf32>
    %slice3A_15 = vector.extract_strided_slice %get3A_1 {offsets = [0, 0], sizes = [2000, 16], strides = [1, 1]} : vector<2000x128xf32> to vector<2000x16xf32>
    %slice3A_16 = vector.extract_strided_slice %get3A_4 {offsets = [0, 16], sizes = [2000, 16], strides = [1, 1]} : vector<2000x128xf32> to vector<2000x16xf32>
    %add3A = arith.addf %slice3A_15, %slice3A_16 : vector<2000x16xf32>
    %mul3A_17 = vector.broadcast %broadcast_in_dim3A : vector<2000x1xf32> to vector<2000x16xf32>
    %mul3A_18 = vector.broadcast %slice3A : vector<1x16xf32> to vector<2000x16xf32>
    %mul3A_19 = arith.mulf %mul3A_17, %mul3A_18 : vector<2000x16xf32>
    %add3A_20 = arith.addf %add3A, %mul3A_19 : vector<2000x16xf32>
    %add3A_21 = vector.broadcast %slice3A_8 : vector<1x16xf32> to vector<2000x16xf32>
    %add3A_22 = arith.addf %add3A_20, %add3A_21 : vector<2000x16xf32>
    %logistic3A = arith.negf %add3A_22 : vector<2000x16xf32>
    %logistic3A_23 = math.exp %logistic3A : vector<2000x16xf32>
    %logistic3A_24 = arith.constant 1.000000e+00 : f32
    %logistic3A_25 = vector.broadcast %logistic3A_24 : f32 to vector<2000x16xf32>
    %logistic3A_26 = arith.addf %logistic3A_25, %logistic3A_23 : vector<2000x16xf32>
    %logistic3A_27 = arith.divf %logistic3A_25, %logistic3A_26 : vector<2000x16xf32>
    %mul3A_28 = arith.mulf %add3A_22, %logistic3A_27 : vector<2000x16xf32>
    %get3A_29 = arith.constant 0 : index
    %get3A_30 = arith.constant 0 : index
    %get3A_31 = vector.load %arg3[%get3A_29, %get3A_30] : memref<16x16xf32, #tpu.memory_space<vmem>>, vector<16x16xf32>
    %dot_general3A = arith.constant dense<0.000000e+00> : vector<2000x16xf32>
    %dot_general3A_32 = tpu.matmul %mul3A_28, %get3A_31, %dot_general3A {dimension_numbers = #tpu.dot_dimension_numbers<[1], [0], [0], [1], [0, 0, 1, 1], [], []>, transpose_lhs_hint = false} : vector<2000x16xf32>, vector<16x16xf32>, vector<2000x16xf32> -> vector<2000x16xf32>
    %add3A_33 = vector.broadcast %slice3A_9 : vector<1x16xf32> to vector<2000x16xf32>
    %add3A_34 = arith.addf %dot_general3A_32, %add3A_33 : vector<2000x16xf32>
    %logistic3A_35 = arith.negf %add3A_34 : vector<2000x16xf32>
    %logistic3A_36 = math.exp %logistic3A_35 : vector<2000x16xf32>
    %logistic3A_37 = arith.constant 1.000000e+00 : f32
    %logistic3A_38 = vector.broadcast %logistic3A_37 : f32 to vector<2000x16xf32>
    %logistic3A_39 = arith.addf %logistic3A_38, %logistic3A_36 : vector<2000x16xf32>
    %logistic3A_40 = arith.divf %logistic3A_38, %logistic3A_39 : vector<2000x16xf32>
    %mul3A_41 = arith.mulf %add3A_34, %logistic3A_40 : vector<2000x16xf32>
    %get3A_42 = arith.constant 0 : index
    %get3A_43 = arith.constant 0 : index
    %get3A_44 = vector.load %arg4[%get3A_42, %get3A_43] : memref<16x16xf32, #tpu.memory_space<vmem>>, vector<16x16xf32>
    %dot_general3A_45 = arith.constant dense<0.000000e+00> : vector<2000x16xf32>
    %dot_general3A_46 = tpu.matmul %mul3A_41, %get3A_44, %dot_general3A_45 {dimension_numbers = #tpu.dot_dimension_numbers<[1], [0], [0], [1], [0, 0, 1, 1], [], []>, transpose_lhs_hint = false} : vector<2000x16xf32>, vector<16x16xf32>, vector<2000x16xf32> -> vector<2000x16xf32>
    %add3A_47 = vector.broadcast %slice3A_10 : vector<1x16xf32> to vector<2000x16xf32>
    %add3A_48 = arith.addf %dot_general3A_46, %add3A_47 : vector<2000x16xf32>
    %logistic3A_49 = arith.negf %add3A_48 : vector<2000x16xf32>
    %logistic3A_50 = math.exp %logistic3A_49 : vector<2000x16xf32>
    %logistic3A_51 = arith.constant 1.000000e+00 : f32
    %logistic3A_52 = vector.broadcast %logistic3A_51 : f32 to vector<2000x16xf32>
    %logistic3A_53 = arith.addf %logistic3A_52, %logistic3A_50 : vector<2000x16xf32>
    %logistic3A_54 = arith.divf %logistic3A_52, %logistic3A_53 : vector<2000x16xf32>
    %mul3A_55 = arith.mulf %add3A_48, %logistic3A_54 : vector<2000x16xf32>
    %mul3A_56 = vector.broadcast %slice3A_11 : vector<1x16xf32> to vector<2000x16xf32>
    %mul3A_57 = arith.mulf %mul3A_55, %mul3A_56 : vector<2000x16xf32>
    %reduce_sum3A_58 = arith.constant dense<0.000000e+00> : vector<2000xf32>
    %reduce_sum3A_59 = vector.multi_reduction <add>, %mul3A_57, %reduce_sum3A_58 [1] : vector<2000x16xf32> to vector<2000xf32>
    %broadcast_in_dim3A_60 = vector.shape_cast %reduce_sum3A_59 : vector<2000xf32> to vector<2000x1xf32>
    %broadcast_in_dim3A_61 = arith.constant 1.000000e+00 : f32
    %broadcast_in_dim3A_62 = vector.broadcast %broadcast_in_dim3A_61 : f32 to vector<2000x1xf32>
    %broadcast_in_dim3A_63 = arith.constant 0.000000e+00 : f32
    %broadcast_in_dim3A_64 = vector.broadcast %broadcast_in_dim3A_63 : f32 to vector<2000x108xf32>
    %mul3A_65 = vector.broadcast %broadcast_in_dim3A_60 : vector<2000x1xf32> to vector<2000x3xf32>
    %mul3A_66 = arith.mulf %sub3A, %mul3A_65 : vector<2000x3xf32>
    %concatenate3A = tpu.concatenate %mul3A_41, %mul3A_66, %broadcast_in_dim3A_62, %broadcast_in_dim3A_64 in 1 : vector<2000x16xf32>, vector<2000x3xf32>, vector<2000x1xf32>, vector<2000x108xf32> -> vector<2000x128xf32>
    %swap3A = arith.constant 0 : index
    %swap3A_67 = arith.constant 0 : index
    %swap3A_68 = vector.load %arg6[%swap3A, %swap3A_67] : memref<2000x128xf32, #tpu.memory_space<vmem>>, vector<2000x128xf32>
    tpu.vector_store %arg6[%swap3A, %swap3A_67], %concatenate3A {strides = array<i32>} : memref<2000x128xf32, #tpu.memory_space<vmem>>, vector<2000x128xf32>,
    return
  }
  func.func @transform_0(%arg0: i32) -> (i32, i32) {
    %c0_i32 = arith.constant 0 : i32
    %c0_i32_0 = arith.constant 0 : i32
    return %arg0, %c0_i32 : i32, i32
  }
  func.func @transform_1(%arg0: i32) -> (i32, i32) {
    %c0_i32 = arith.constant 0 : i32
    %c0_i32_0 = arith.constant 0 : i32
    return %arg0, %c0_i32 : i32, i32
  }
  func.func @transform_2(%arg0: i32) -> (i32, i32) {
    %c0_i32 = arith.constant 0 : i32
    %c0_i32_0 = arith.constant 0 : i32
    %c0_i32_1 = arith.constant 0 : i32
    return %c0_i32, %c0_i32_0 : i32, i32
  }
  func.func @transform_3(%arg0: i32) -> (i32, i32) {
    %c0_i32 = arith.constant 0 : i32
    %c0_i32_0 = arith.constant 0 : i32
    %c0_i32_1 = arith.constant 0 : i32
    return %c0_i32, %c0_i32_0 : i32, i32
  }
  func.func @transform_4(%arg0: i32) -> (i32, i32) {
    %c0_i32 = arith.constant 0 : i32
    %c0_i32_0 = arith.constant 0 : i32
    %c0_i32_1 = arith.constant 0 : i32
    return %c0_i32, %c0_i32_0 : i32, i32
  }
  func.func @transform_5(%arg0: i32) -> (i32, i32) {
    %c0_i32 = arith.constant 0 : i32
    %c0_i32_0 = arith.constant 0 : i32
    return %arg0, %c0_i32 : i32, i32
  }
}

module attributes {stable_mosaic.version = 14 : i64} {
  func.func @_combine_node_body(%arg0: i32, %arg1: memref<2x2000x128xf32, #tpu.memory_space<vmem>>, %arg2: memref<2000x4xf32, #tpu.memory_space<vmem>>, %arg3: memref<2000x16xf32, #tpu.memory_space<vmem>>, %arg4: memref<2000x16xf32, #tpu.memory_space<vmem>>, %arg5: memref<16x16xf32, #tpu.memory_space<vmem>>, %arg6: memref<16x16xf32, #tpu.memory_space<vmem>>, %arg7: memref<8x16xf32, #tpu.memory_space<vmem>>, %arg8: memref<2000x16xf32, #tpu.memory_space<vmem>>, %arg9: memref<2000x4xf32, #tpu.memory_space<vmem>>) attributes {dimension_semantics = [#tpu.dimension_semantics<arbitrary>], iteration_bounds = array<i64: 5>, scalar_prefetch = 0 : i64, scratch_operands = 0 : i64, tpu.core_type = #tpu.core_type<tc>, window_params = [{transform_indices = @transform_0, window_bounds = array<i64: 2, 2000, 128>}, {transform_indices = @transform_1, window_bounds = array<i64: 2000, 4>}, {transform_indices = @transform_2, window_bounds = array<i64: 2000, 16>}, {transform_indices = @transform_3, window_bounds = array<i64: 2000, 16>}, {pipeline_mode = #tpu.pipeline_mode<synchronous>, transform_indices = @transform_4, window_bounds = array<i64: 16, 16>}, {pipeline_mode = #tpu.pipeline_mode<synchronous>, transform_indices = @transform_5, window_bounds = array<i64: 16, 16>}, {pipeline_mode = #tpu.pipeline_mode<synchronous>, transform_indices = @transform_6, window_bounds = array<i64: 8, 16>}, {transform_indices = @transform_7, window_bounds = array<i64: 2000, 16>}, {transform_indices = @transform_8, window_bounds = array<i64: 2000, 4>}]} {
    %get3A = arith.constant 0 : index
    %get3A_0 = arith.constant 0 : index
    %get3A_1 = vector.load %arg7[%get3A, %get3A_0] : memref<8x16xf32, #tpu.memory_space<vmem>>, vector<8x16xf32>
    %slice3A = vector.extract_strided_slice %get3A_1 {offsets = [0, 0], sizes = [1, 16], strides = [1, 1]} : vector<8x16xf32> to vector<1x16xf32>
    %slice3A_2 = vector.extract_strided_slice %get3A_1 {offsets = [1, 0], sizes = [1, 16], strides = [1, 1]} : vector<8x16xf32> to vector<1x16xf32>
    %get3A_3 = arith.constant 0 : index
    %get3A_4 = arith.constant 0 : index
    %get3A_5 = arith.constant 0 : index
    %get3A_6 = vector.load %arg1[%get3A_3, %get3A_4, %get3A_5] : memref<2x2000x128xf32, #tpu.memory_space<vmem>>, vector<1x2000x128xf32>
    %get3A_7 = vector.shape_cast %get3A_6 : vector<1x2000x128xf32> to vector<2000x128xf32>
    %get3A_8 = arith.constant 1 : index
    %get3A_9 = arith.constant 0 : index
    %get3A_10 = arith.constant 0 : index
    %get3A_11 = vector.load %arg1[%get3A_8, %get3A_9, %get3A_10] : memref<2x2000x128xf32, #tpu.memory_space<vmem>>, vector<1x2000x128xf32>
    %get3A_12 = vector.shape_cast %get3A_11 : vector<1x2000x128xf32> to vector<2000x128xf32>
    %add3A = arith.addf %get3A_7, %get3A_12 : vector<2000x128xf32>
    %slice3A_13 = vector.extract_strided_slice %add3A {offsets = [0, 0], sizes = [2000, 16], strides = [1, 1]} : vector<2000x128xf32> to vector<2000x16xf32>
    %slice3A_14 = vector.extract_strided_slice %add3A {offsets = [0, 16], sizes = [2000, 4], strides = [1, 1]} : vector<2000x128xf32> to vector<2000x4xf32>
    %slice3A_15 = vector.extract_strided_slice %slice3A_14 {offsets = [0, 3], sizes = [2000, 1], strides = [1, 1]} : vector<2000x4xf32> to vector<2000x1xf32>
    %max3A = arith.constant 1.000000e+00 : f32
    %max3A_16 = vector.broadcast %max3A : f32 to vector<2000x1xf32>
    %max3A_17 = arith.maximumf %slice3A_15, %max3A_16 : vector<2000x1xf32>
    %div3A = arith.constant 1.000000e+00 : f32
    %div3A_18 = vector.broadcast %div3A : f32 to vector<2000x1xf32>
    %div3A_19 = arith.divf %div3A_18, %max3A_17 : vector<2000x1xf32>
    %get3A_20 = arith.constant 0 : index
    %get3A_21 = arith.constant 0 : index
    %get3A_22 = vector.load %arg2[%get3A_20, %get3A_21] : memref<2000x4xf32, #tpu.memory_space<vmem>>, vector<2000x4xf32>
    %mul3A = vector.broadcast %div3A_19 : vector<2000x1xf32> to vector<2000x4xf32>
    %mul3A_23 = arith.mulf %slice3A_14, %mul3A : vector<2000x4xf32>
    %add3A_24 = arith.addf %get3A_22, %mul3A_23 : vector<2000x4xf32>
    %iota3A = tpu.iota {dimensions = array<i32: 1>} : vector<2000x4xi32>
    %eq3A = arith.constant 3 : i32
    %eq3A_25 = vector.broadcast %eq3A : i32 to vector<2000x4xi32>
    %eq3A_26 = arith.cmpi eq, %iota3A, %eq3A_25 : vector<2000x4xi32>
    %jit3A = arith.constant 0.000000e+00 : f32
    %broadcast_in_dim3A = vector.broadcast %jit3A : f32 to vector<2000x4xf32>
    %select_n3A = arith.select %eq3A_26, %broadcast_in_dim3A, %add3A_24 : vector<2000x4xi1>, vector<2000x4xf32>
    %swap3A = arith.constant 0 : index
    %swap3A_27 = arith.constant 0 : index
    %swap3A_28 = vector.load %arg9[%swap3A, %swap3A_27] : memref<2000x4xf32, #tpu.memory_space<vmem>>, vector<2000x4xf32>
    tpu.vector_store %arg9[%swap3A, %swap3A_27], %select_n3A {strides = array<i32>} : memref<2000x4xf32, #tpu.memory_space<vmem>>, vector<2000x4xf32>,
    %get3A_29 = arith.constant 0 : index
    %get3A_30 = arith.constant 0 : index
    %get3A_31 = vector.load %arg3[%get3A_29, %get3A_30] : memref<2000x16xf32, #tpu.memory_space<vmem>>, vector<2000x16xf32>
    %get3A_32 = arith.constant 0 : index
    %get3A_33 = arith.constant 0 : index
    %get3A_34 = vector.load %arg5[%get3A_32, %get3A_33] : memref<16x16xf32, #tpu.memory_space<vmem>>, vector<16x16xf32>
    %dot_general3A = arith.constant dense<0.000000e+00> : vector<2000x16xf32>
    %dot_general3A_35 = tpu.matmul %slice3A_13, %get3A_34, %dot_general3A {dimension_numbers = #tpu.dot_dimension_numbers<[1], [0], [0], [1], [0, 0, 1, 1], [], []>, transpose_lhs_hint = false} : vector<2000x16xf32>, vector<16x16xf32>, vector<2000x16xf32> -> vector<2000x16xf32>
    %add3A_36 = arith.addf %get3A_31, %dot_general3A_35 : vector<2000x16xf32>
    %add3A_37 = vector.broadcast %slice3A : vector<1x16xf32> to vector<2000x16xf32>
    %add3A_38 = arith.addf %add3A_36, %add3A_37 : vector<2000x16xf32>
    %logistic3A = arith.negf %add3A_38 : vector<2000x16xf32>
    %logistic3A_39 = math.exp %logistic3A : vector<2000x16xf32>
    %logistic3A_40 = arith.constant 1.000000e+00 : f32
    %logistic3A_41 = vector.broadcast %logistic3A_40 : f32 to vector<2000x16xf32>
    %logistic3A_42 = arith.addf %logistic3A_41, %logistic3A_39 : vector<2000x16xf32>
    %logistic3A_43 = arith.divf %logistic3A_41, %logistic3A_42 : vector<2000x16xf32>
    %mul3A_44 = arith.mulf %add3A_38, %logistic3A_43 : vector<2000x16xf32>
    %get3A_45 = arith.constant 0 : index
    %get3A_46 = arith.constant 0 : index
    %get3A_47 = vector.load %arg6[%get3A_45, %get3A_46] : memref<16x16xf32, #tpu.memory_space<vmem>>, vector<16x16xf32>
    %dot_general3A_48 = arith.constant dense<0.000000e+00> : vector<2000x16xf32>
    %dot_general3A_49 = tpu.matmul %mul3A_44, %get3A_47, %dot_general3A_48 {dimension_numbers = #tpu.dot_dimension_numbers<[1], [0], [0], [1], [0, 0, 1, 1], [], []>, transpose_lhs_hint = false} : vector<2000x16xf32>, vector<16x16xf32>, vector<2000x16xf32> -> vector<2000x16xf32>
    %add3A_50 = vector.broadcast %slice3A_2 : vector<1x16xf32> to vector<2000x16xf32>
    %add3A_51 = arith.addf %dot_general3A_49, %add3A_50 : vector<2000x16xf32>
    %swap3A_52 = arith.constant 0 : index
    %swap3A_53 = arith.constant 0 : index
    %swap3A_54 = vector.load %arg8[%swap3A_52, %swap3A_53] : memref<2000x16xf32, #tpu.memory_space<vmem>>, vector<2000x16xf32>
    tpu.vector_store %arg8[%swap3A_52, %swap3A_53], %add3A_51 {strides = array<i32>} : memref<2000x16xf32, #tpu.memory_space<vmem>>, vector<2000x16xf32>,
    return
  }
  func.func @transform_0(%arg0: i32) -> (i32, i32, i32) {
    %c0_i32 = arith.constant 0 : i32
    %c0_i32_0 = arith.constant 0 : i32
    %c0_i32_1 = arith.constant 0 : i32
    return %c0_i32, %arg0, %c0_i32_0 : i32, i32, i32
  }
  func.func @transform_1(%arg0: i32) -> (i32, i32) {
    %c0_i32 = arith.constant 0 : i32
    %c0_i32_0 = arith.constant 0 : i32
    return %arg0, %c0_i32 : i32, i32
  }
  func.func @transform_2(%arg0: i32) -> (i32, i32) {
    %c0_i32 = arith.constant 0 : i32
    %c0_i32_0 = arith.constant 0 : i32
    return %arg0, %c0_i32 : i32, i32
  }
  func.func @transform_3(%arg0: i32) -> (i32, i32) {
    %c0_i32 = arith.constant 0 : i32
    %c0_i32_0 = arith.constant 0 : i32
    return %arg0, %c0_i32 : i32, i32
  }
  func.func @transform_4(%arg0: i32) -> (i32, i32) {
    %c0_i32 = arith.constant 0 : i32
    %c0_i32_0 = arith.constant 0 : i32
    %c0_i32_1 = arith.constant 0 : i32
    return %c0_i32, %c0_i32_0 : i32, i32
  }
  func.func @transform_5(%arg0: i32) -> (i32, i32) {
    %c0_i32 = arith.constant 0 : i32
    %c0_i32_0 = arith.constant 0 : i32
    %c0_i32_1 = arith.constant 0 : i32
    return %c0_i32, %c0_i32_0 : i32, i32
  }
  func.func @transform_6(%arg0: i32) -> (i32, i32) {
    %c0_i32 = arith.constant 0 : i32
    %c0_i32_0 = arith.constant 0 : i32
    %c0_i32_1 = arith.constant 0 : i32
    return %c0_i32, %c0_i32_0 : i32, i32
  }
  func.func @transform_7(%arg0: i32) -> (i32, i32) {
    %c0_i32 = arith.constant 0 : i32
    %c0_i32_0 = arith.constant 0 : i32
    return %arg0, %c0_i32 : i32, i32
  }
  func.func @transform_8(%arg0: i32) -> (i32, i32) {
    %c0_i32 = arith.constant 0 : i32
    %c0_i32_0 = arith.constant 0 : i32
    return %arg0, %c0_i32 : i32, i32
  }
}

module attributes {stable_mosaic.version = 14 : i64} {
  func.func @_proj_body(%arg0: i32, %arg1: memref<2000x16xf32, #tpu.memory_space<vmem>>, %arg2: memref<2000x4xf32, #tpu.memory_space<vmem>>, %arg3: memref<16x48xf32, #tpu.memory_space<vmem>>, %arg4: memref<2000x128xf32, #tpu.memory_space<vmem>>, %arg5: memref<2000x16xf32, #tpu.memory_space<vmem>>) attributes {dimension_semantics = [#tpu.dimension_semantics<arbitrary>], iteration_bounds = array<i64: 5>, scalar_prefetch = 0 : i64, scratch_operands = 0 : i64, tpu.core_type = #tpu.core_type<tc>, window_params = [{transform_indices = @transform_0, window_bounds = array<i64: 2000, 16>}, {transform_indices = @transform_1, window_bounds = array<i64: 2000, 4>}, {pipeline_mode = #tpu.pipeline_mode<synchronous>, transform_indices = @transform_2, window_bounds = array<i64: 16, 48>}, {transform_indices = @transform_3, window_bounds = array<i64: 2000, 128>}, {transform_indices = @transform_4, window_bounds = array<i64: 2000, 16>}]} {
    %get3A = arith.constant 0 : index
    %get3A_0 = arith.constant 0 : index
    %get3A_1 = vector.load %arg1[%get3A, %get3A_0] : memref<2000x16xf32, #tpu.memory_space<vmem>>, vector<2000x16xf32>
    %get3A_2 = arith.constant 0 : index
    %get3A_3 = arith.constant 0 : index
    %get3A_4 = vector.load %arg3[%get3A_2, %get3A_3] : memref<16x48xf32, #tpu.memory_space<vmem>>, vector<16x48xf32>
    %dot_general3A = arith.constant dense<0.000000e+00> : vector<2000x48xf32>
    %dot_general3A_5 = tpu.matmul %get3A_1, %get3A_4, %dot_general3A {dimension_numbers = #tpu.dot_dimension_numbers<[1], [0], [0], [1], [0, 0, 1, 1], [], []>, transpose_lhs_hint = false} : vector<2000x16xf32>, vector<16x48xf32>, vector<2000x48xf32> -> vector<2000x48xf32>
    %get3A_6 = arith.constant 0 : index
    %get3A_7 = arith.constant 0 : index
    %get3A_8 = vector.load %arg2[%get3A_6, %get3A_7] : memref<2000x4xf32, #tpu.memory_space<vmem>>, vector<2000x4xf32>
    %broadcast_in_dim3A = arith.constant 0.000000e+00 : f32
    %broadcast_in_dim3A_9 = vector.broadcast %broadcast_in_dim3A : f32 to vector<2000x92xf32>
    %slice3A = vector.extract_strided_slice %dot_general3A_5 {offsets = [0, 0], sizes = [2000, 32], strides = [1, 1]} : vector<2000x48xf32> to vector<2000x32xf32>
    %concatenate3A = tpu.concatenate %slice3A, %get3A_8, %broadcast_in_dim3A_9 in 1 : vector<2000x32xf32>, vector<2000x4xf32>, vector<2000x92xf32> -> vector<2000x128xf32>
    %swap3A = arith.constant 0 : index
    %swap3A_10 = arith.constant 0 : index
    %swap3A_11 = vector.load %arg4[%swap3A, %swap3A_10] : memref<2000x128xf32, #tpu.memory_space<vmem>>, vector<2000x128xf32>
    tpu.vector_store %arg4[%swap3A, %swap3A_10], %concatenate3A {strides = array<i32>} : memref<2000x128xf32, #tpu.memory_space<vmem>>, vector<2000x128xf32>,
    %slice3A_12 = vector.extract_strided_slice %dot_general3A_5 {offsets = [0, 32], sizes = [2000, 16], strides = [1, 1]} : vector<2000x48xf32> to vector<2000x16xf32>
    %swap3A_13 = arith.constant 0 : index
    %swap3A_14 = arith.constant 0 : index
    %swap3A_15 = vector.load %arg5[%swap3A_13, %swap3A_14] : memref<2000x16xf32, #tpu.memory_space<vmem>>, vector<2000x16xf32>
    tpu.vector_store %arg5[%swap3A_13, %swap3A_14], %slice3A_12 {strides = array<i32>} : memref<2000x16xf32, #tpu.memory_space<vmem>>, vector<2000x16xf32>,
    return
  }
  func.func @transform_0(%arg0: i32) -> (i32, i32) {
    %c0_i32 = arith.constant 0 : i32
    %c0_i32_0 = arith.constant 0 : i32
    return %arg0, %c0_i32 : i32, i32
  }
  func.func @transform_1(%arg0: i32) -> (i32, i32) {
    %c0_i32 = arith.constant 0 : i32
    %c0_i32_0 = arith.constant 0 : i32
    return %arg0, %c0_i32 : i32, i32
  }
  func.func @transform_2(%arg0: i32) -> (i32, i32) {
    %c0_i32 = arith.constant 0 : i32
    %c0_i32_0 = arith.constant 0 : i32
    %c0_i32_1 = arith.constant 0 : i32
    return %c0_i32, %c0_i32_0 : i32, i32
  }
  func.func @transform_3(%arg0: i32) -> (i32, i32) {
    %c0_i32 = arith.constant 0 : i32
    %c0_i32_0 = arith.constant 0 : i32
    return %arg0, %c0_i32 : i32, i32
  }
  func.func @transform_4(%arg0: i32) -> (i32, i32) {
    %c0_i32 = arith.constant 0 : i32
    %c0_i32_0 = arith.constant 0 : i32
    return %arg0, %c0_i32 : i32, i32
  }
}

module attributes {stable_mosaic.version = 14 : i64} {
  func.func @_combine_node_body(%arg0: i32, %arg1: memref<2x2000x128xf32, #tpu.memory_space<vmem>>, %arg2: memref<2000x4xf32, #tpu.memory_space<vmem>>, %arg3: memref<2000x16xf32, #tpu.memory_space<vmem>>, %arg4: memref<2000x16xf32, #tpu.memory_space<vmem>>, %arg5: memref<16x16xf32, #tpu.memory_space<vmem>>, %arg6: memref<16x16xf32, #tpu.memory_space<vmem>>, %arg7: memref<8x16xf32, #tpu.memory_space<vmem>>, %arg8: memref<2000x16xf32, #tpu.memory_space<vmem>>, %arg9: memref<2000x4xf32, #tpu.memory_space<vmem>>) attributes {dimension_semantics = [#tpu.dimension_semantics<arbitrary>], iteration_bounds = array<i64: 5>, scalar_prefetch = 0 : i64, scratch_operands = 0 : i64, tpu.core_type = #tpu.core_type<tc>, window_params = [{transform_indices = @transform_0, window_bounds = array<i64: 2, 2000, 128>}, {transform_indices = @transform_1, window_bounds = array<i64: 2000, 4>}, {transform_indices = @transform_2, window_bounds = array<i64: 2000, 16>}, {transform_indices = @transform_3, window_bounds = array<i64: 2000, 16>}, {pipeline_mode = #tpu.pipeline_mode<synchronous>, transform_indices = @transform_4, window_bounds = array<i64: 16, 16>}, {pipeline_mode = #tpu.pipeline_mode<synchronous>, transform_indices = @transform_5, window_bounds = array<i64: 16, 16>}, {pipeline_mode = #tpu.pipeline_mode<synchronous>, transform_indices = @transform_6, window_bounds = array<i64: 8, 16>}, {transform_indices = @transform_7, window_bounds = array<i64: 2000, 16>}, {transform_indices = @transform_8, window_bounds = array<i64: 2000, 4>}]} {
    %get3A = arith.constant 0 : index
    %get3A_0 = arith.constant 0 : index
    %get3A_1 = vector.load %arg7[%get3A, %get3A_0] : memref<8x16xf32, #tpu.memory_space<vmem>>, vector<8x16xf32>
    %slice3A = vector.extract_strided_slice %get3A_1 {offsets = [0, 0], sizes = [1, 16], strides = [1, 1]} : vector<8x16xf32> to vector<1x16xf32>
    %slice3A_2 = vector.extract_strided_slice %get3A_1 {offsets = [1, 0], sizes = [1, 16], strides = [1, 1]} : vector<8x16xf32> to vector<1x16xf32>
    %get3A_3 = arith.constant 0 : index
    %get3A_4 = arith.constant 0 : index
    %get3A_5 = arith.constant 0 : index
    %get3A_6 = vector.load %arg1[%get3A_3, %get3A_4, %get3A_5] : memref<2x2000x128xf32, #tpu.memory_space<vmem>>, vector<1x2000x128xf32>
    %get3A_7 = vector.shape_cast %get3A_6 : vector<1x2000x128xf32> to vector<2000x128xf32>
    %get3A_8 = arith.constant 1 : index
    %get3A_9 = arith.constant 0 : index
    %get3A_10 = arith.constant 0 : index
    %get3A_11 = vector.load %arg1[%get3A_8, %get3A_9, %get3A_10] : memref<2x2000x128xf32, #tpu.memory_space<vmem>>, vector<1x2000x128xf32>
    %get3A_12 = vector.shape_cast %get3A_11 : vector<1x2000x128xf32> to vector<2000x128xf32>
    %add3A = arith.addf %get3A_7, %get3A_12 : vector<2000x128xf32>
    %slice3A_13 = vector.extract_strided_slice %add3A {offsets = [0, 0], sizes = [2000, 16], strides = [1, 1]} : vector<2000x128xf32> to vector<2000x16xf32>
    %slice3A_14 = vector.extract_strided_slice %add3A {offsets = [0, 16], sizes = [2000, 4], strides = [1, 1]} : vector<2000x128xf32> to vector<2000x4xf32>
    %slice3A_15 = vector.extract_strided_slice %slice3A_14 {offsets = [0, 3], sizes = [2000, 1], strides = [1, 1]} : vector<2000x4xf32> to vector<2000x1xf32>
    %max3A = arith.constant 1.000000e+00 : f32
    %max3A_16 = vector.broadcast %max3A : f32 to vector<2000x1xf32>
    %max3A_17 = arith.maximumf %slice3A_15, %max3A_16 : vector<2000x1xf32>
    %div3A = arith.constant 1.000000e+00 : f32
    %div3A_18 = vector.broadcast %div3A : f32 to vector<2000x1xf32>
    %div3A_19 = arith.divf %div3A_18, %max3A_17 : vector<2000x1xf32>
    %get3A_20 = arith.constant 0 : index
    %get3A_21 = arith.constant 0 : index
    %get3A_22 = vector.load %arg2[%get3A_20, %get3A_21] : memref<2000x4xf32, #tpu.memory_space<vmem>>, vector<2000x4xf32>
    %mul3A = vector.broadcast %div3A_19 : vector<2000x1xf32> to vector<2000x4xf32>
    %mul3A_23 = arith.mulf %slice3A_14, %mul3A : vector<2000x4xf32>
    %add3A_24 = arith.addf %get3A_22, %mul3A_23 : vector<2000x4xf32>
    %iota3A = tpu.iota {dimensions = array<i32: 1>} : vector<2000x4xi32>
    %eq3A = arith.constant 3 : i32
    %eq3A_25 = vector.broadcast %eq3A : i32 to vector<2000x4xi32>
    %eq3A_26 = arith.cmpi eq, %iota3A, %eq3A_25 : vector<2000x4xi32>
    %jit3A = arith.constant 0.000000e+00 : f32
    %broadcast_in_dim3A = vector.broadcast %jit3A : f32 to vector<2000x4xf32>
    %select_n3A = arith.select %eq3A_26, %broadcast_in_dim3A, %add3A_24 : vector<2000x4xi1>, vector<2000x4xf32>
    %swap3A = arith.constant 0 : index
    %swap3A_27 = arith.constant 0 : index
    %swap3A_28 = vector.load %arg9[%swap3A, %swap3A_27] : memref<2000x4xf32, #tpu.memory_space<vmem>>, vector<2000x4xf32>
    tpu.vector_store %arg9[%swap3A, %swap3A_27], %select_n3A {strides = array<i32>} : memref<2000x4xf32, #tpu.memory_space<vmem>>, vector<2000x4xf32>,
    %get3A_29 = arith.constant 0 : index
    %get3A_30 = arith.constant 0 : index
    %get3A_31 = vector.load %arg3[%get3A_29, %get3A_30] : memref<2000x16xf32, #tpu.memory_space<vmem>>, vector<2000x16xf32>
    %get3A_32 = arith.constant 0 : index
    %get3A_33 = arith.constant 0 : index
    %get3A_34 = vector.load %arg5[%get3A_32, %get3A_33] : memref<16x16xf32, #tpu.memory_space<vmem>>, vector<16x16xf32>
    %dot_general3A = arith.constant dense<0.000000e+00> : vector<2000x16xf32>
    %dot_general3A_35 = tpu.matmul %slice3A_13, %get3A_34, %dot_general3A {dimension_numbers = #tpu.dot_dimension_numbers<[1], [0], [0], [1], [0, 0, 1, 1], [], []>, transpose_lhs_hint = false} : vector<2000x16xf32>, vector<16x16xf32>, vector<2000x16xf32> -> vector<2000x16xf32>
    %add3A_36 = arith.addf %get3A_31, %dot_general3A_35 : vector<2000x16xf32>
    %add3A_37 = vector.broadcast %slice3A : vector<1x16xf32> to vector<2000x16xf32>
    %add3A_38 = arith.addf %add3A_36, %add3A_37 : vector<2000x16xf32>
    %logistic3A = arith.negf %add3A_38 : vector<2000x16xf32>
    %logistic3A_39 = math.exp %logistic3A : vector<2000x16xf32>
    %logistic3A_40 = arith.constant 1.000000e+00 : f32
    %logistic3A_41 = vector.broadcast %logistic3A_40 : f32 to vector<2000x16xf32>
    %logistic3A_42 = arith.addf %logistic3A_41, %logistic3A_39 : vector<2000x16xf32>
    %logistic3A_43 = arith.divf %logistic3A_41, %logistic3A_42 : vector<2000x16xf32>
    %mul3A_44 = arith.mulf %add3A_38, %logistic3A_43 : vector<2000x16xf32>
    %get3A_45 = arith.constant 0 : index
    %get3A_46 = arith.constant 0 : index
    %get3A_47 = vector.load %arg6[%get3A_45, %get3A_46] : memref<16x16xf32, #tpu.memory_space<vmem>>, vector<16x16xf32>
    %dot_general3A_48 = arith.constant dense<0.000000e+00> : vector<2000x16xf32>
    %dot_general3A_49 = tpu.matmul %mul3A_44, %get3A_47, %dot_general3A_48 {dimension_numbers = #tpu.dot_dimension_numbers<[1], [0], [0], [1], [0, 0, 1, 1], [], []>, transpose_lhs_hint = false} : vector<2000x16xf32>, vector<16x16xf32>, vector<2000x16xf32> -> vector<2000x16xf32>
    %add3A_50 = vector.broadcast %slice3A_2 : vector<1x16xf32> to vector<2000x16xf32>
    %add3A_51 = arith.addf %dot_general3A_49, %add3A_50 : vector<2000x16xf32>
    %get3A_52 = arith.constant 0 : index
    %get3A_53 = arith.constant 0 : index
    %get3A_54 = vector.load %arg4[%get3A_52, %get3A_53] : memref<2000x16xf32, #tpu.memory_space<vmem>>, vector<2000x16xf32>
    %add3A_55 = arith.addf %add3A_51, %get3A_54 : vector<2000x16xf32>
    %swap3A_56 = arith.constant 0 : index
    %swap3A_57 = arith.constant 0 : index
    %swap3A_58 = vector.load %arg8[%swap3A_56, %swap3A_57] : memref<2000x16xf32, #tpu.memory_space<vmem>>, vector<2000x16xf32>
    tpu.vector_store %arg8[%swap3A_56, %swap3A_57], %add3A_55 {strides = array<i32>} : memref<2000x16xf32, #tpu.memory_space<vmem>>, vector<2000x16xf32>,
    return
  }
  func.func @transform_0(%arg0: i32) -> (i32, i32, i32) {
    %c0_i32 = arith.constant 0 : i32
    %c0_i32_0 = arith.constant 0 : i32
    %c0_i32_1 = arith.constant 0 : i32
    return %c0_i32, %arg0, %c0_i32_0 : i32, i32, i32
  }
  func.func @transform_1(%arg0: i32) -> (i32, i32) {
    %c0_i32 = arith.constant 0 : i32
    %c0_i32_0 = arith.constant 0 : i32
    return %arg0, %c0_i32 : i32, i32
  }
  func.func @transform_2(%arg0: i32) -> (i32, i32) {
    %c0_i32 = arith.constant 0 : i32
    %c0_i32_0 = arith.constant 0 : i32
    return %arg0, %c0_i32 : i32, i32
  }
  func.func @transform_3(%arg0: i32) -> (i32, i32) {
    %c0_i32 = arith.constant 0 : i32
    %c0_i32_0 = arith.constant 0 : i32
    return %arg0, %c0_i32 : i32, i32
  }
  func.func @transform_4(%arg0: i32) -> (i32, i32) {
    %c0_i32 = arith.constant 0 : i32
    %c0_i32_0 = arith.constant 0 : i32
    %c0_i32_1 = arith.constant 0 : i32
    return %c0_i32, %c0_i32_0 : i32, i32
  }
  func.func @transform_5(%arg0: i32) -> (i32, i32) {
    %c0_i32 = arith.constant 0 : i32
    %c0_i32_0 = arith.constant 0 : i32
    %c0_i32_1 = arith.constant 0 : i32
    return %c0_i32, %c0_i32_0 : i32, i32
  }
  func.func @transform_6(%arg0: i32) -> (i32, i32) {
    %c0_i32 = arith.constant 0 : i32
    %c0_i32_0 = arith.constant 0 : i32
    %c0_i32_1 = arith.constant 0 : i32
    return %c0_i32, %c0_i32_0 : i32, i32
  }
  func.func @transform_7(%arg0: i32) -> (i32, i32) {
    %c0_i32 = arith.constant 0 : i32
    %c0_i32_0 = arith.constant 0 : i32
    return %arg0, %c0_i32 : i32, i32
  }
  func.func @transform_8(%arg0: i32) -> (i32, i32) {
    %c0_i32 = arith.constant 0 : i32
    %c0_i32_0 = arith.constant 0 : i32
    return %arg0, %c0_i32 : i32, i32
  }
}

module attributes {stable_mosaic.version = 14 : i64} {
  func.func @_gin_z_body(%arg0: i32, %arg1: memref<2000x16xf32, #tpu.memory_space<vmem>>, %arg2: memref<2x2000x128xf32, #tpu.memory_space<vmem>>, %arg3: memref<16x16xf32, #tpu.memory_space<vmem>>, %arg4: memref<8x16xf32, #tpu.memory_space<vmem>>, %arg5: memref<2000x16xf32, #tpu.memory_space<vmem>>) attributes {dimension_semantics = [#tpu.dimension_semantics<arbitrary>], iteration_bounds = array<i64: 5>, scalar_prefetch = 0 : i64, scratch_operands = 0 : i64, tpu.core_type = #tpu.core_type<tc>, window_params = [{transform_indices = @transform_0, window_bounds = array<i64: 2000, 16>}, {transform_indices = @transform_1, window_bounds = array<i64: 2, 2000, 128>}, {pipeline_mode = #tpu.pipeline_mode<synchronous>, transform_indices = @transform_2, window_bounds = array<i64: 16, 16>}, {pipeline_mode = #tpu.pipeline_mode<synchronous>, transform_indices = @transform_3, window_bounds = array<i64: 8, 16>}, {transform_indices = @transform_4, window_bounds = array<i64: 2000, 16>}]} {
    %get3A = arith.constant 0 : index
    %get3A_0 = arith.constant 0 : index
    %get3A_1 = arith.constant 0 : index
    %get3A_2 = vector.load %arg2[%get3A, %get3A_0, %get3A_1] : memref<2x2000x128xf32, #tpu.memory_space<vmem>>, vector<1x2000x128xf32>
    %get3A_3 = vector.shape_cast %get3A_2 : vector<1x2000x128xf32> to vector<2000x128xf32>
    %get3A_4 = arith.constant 1 : index
    %get3A_5 = arith.constant 0 : index
    %get3A_6 = arith.constant 0 : index
    %get3A_7 = vector.load %arg2[%get3A_4, %get3A_5, %get3A_6] : memref<2x2000x128xf32, #tpu.memory_space<vmem>>, vector<1x2000x128xf32>
    %get3A_8 = vector.shape_cast %get3A_7 : vector<1x2000x128xf32> to vector<2000x128xf32>
    %add3A = arith.addf %get3A_3, %get3A_8 : vector<2000x128xf32>
    %slice3A = vector.extract_strided_slice %add3A {offsets = [0, 0], sizes = [2000, 16], strides = [1, 1]} : vector<2000x128xf32> to vector<2000x16xf32>
    %get3A_9 = arith.constant 0 : index
    %get3A_10 = arith.constant 0 : index
    %get3A_11 = vector.load %arg1[%get3A_9, %get3A_10] : memref<2000x16xf32, #tpu.memory_space<vmem>>, vector<2000x16xf32>
    %add3A_12 = arith.addf %get3A_11, %slice3A : vector<2000x16xf32>
    %get3A_13 = arith.constant 0 : index
    %get3A_14 = arith.constant 0 : index
    %get3A_15 = vector.load %arg3[%get3A_13, %get3A_14] : memref<16x16xf32, #tpu.memory_space<vmem>>, vector<16x16xf32>
    %dot_general3A = arith.constant dense<0.000000e+00> : vector<2000x16xf32>
    %dot_general3A_16 = tpu.matmul %add3A_12, %get3A_15, %dot_general3A {dimension_numbers = #tpu.dot_dimension_numbers<[1], [0], [0], [1], [0, 0, 1, 1], [], []>, transpose_lhs_hint = false} : vector<2000x16xf32>, vector<16x16xf32>, vector<2000x16xf32> -> vector<2000x16xf32>
    %get3A_17 = arith.constant 0 : index
    %get3A_18 = arith.constant 0 : index
    %get3A_19 = vector.load %arg4[%get3A_17, %get3A_18] : memref<8x16xf32, #tpu.memory_space<vmem>>, vector<1x16xf32>
    %add3A_20 = vector.broadcast %get3A_19 : vector<1x16xf32> to vector<2000x16xf32>
    %add3A_21 = arith.addf %dot_general3A_16, %add3A_20 : vector<2000x16xf32>
    %swap3A = arith.constant 0 : index
    %swap3A_22 = arith.constant 0 : index
    %swap3A_23 = vector.load %arg5[%swap3A, %swap3A_22] : memref<2000x16xf32, #tpu.memory_space<vmem>>, vector<2000x16xf32>
    tpu.vector_store %arg5[%swap3A, %swap3A_22], %add3A_21 {strides = array<i32>} : memref<2000x16xf32, #tpu.memory_space<vmem>>, vector<2000x16xf32>,
    return
  }
  func.func @transform_0(%arg0: i32) -> (i32, i32) {
    %c0_i32 = arith.constant 0 : i32
    %c0_i32_0 = arith.constant 0 : i32
    return %arg0, %c0_i32 : i32, i32
  }
  func.func @transform_1(%arg0: i32) -> (i32, i32, i32) {
    %c0_i32 = arith.constant 0 : i32
    %c0_i32_0 = arith.constant 0 : i32
    %c0_i32_1 = arith.constant 0 : i32
    return %c0_i32, %arg0, %c0_i32_0 : i32, i32, i32
  }
  func.func @transform_2(%arg0: i32) -> (i32, i32) {
    %c0_i32 = arith.constant 0 : i32
    %c0_i32_0 = arith.constant 0 : i32
    %c0_i32_1 = arith.constant 0 : i32
    return %c0_i32, %c0_i32_0 : i32, i32
  }
  func.func @transform_3(%arg0: i32) -> (i32, i32) {
    %c0_i32 = arith.constant 0 : i32
    %c0_i32_0 = arith.constant 0 : i32
    %c0_i32_1 = arith.constant 0 : i32
    return %c0_i32, %c0_i32_0 : i32, i32
  }
  func.func @transform_4(%arg0: i32) -> (i32, i32) {
    %c0_i32 = arith.constant 0 : i32
    %c0_i32_0 = arith.constant 0 : i32
    return %arg0, %c0_i32 : i32, i32
  }
}

module attributes {stable_mosaic.version = 14 : i64} {
  func.func @_gin_out_body(%arg0: i32, %arg1: memref<2000x16xf32, #tpu.memory_space<vmem>>, %arg2: memref<16x16xf32, #tpu.memory_space<vmem>>, %arg3: memref<8x16xf32, #tpu.memory_space<vmem>>, %arg4: memref<2000x16xf32, #tpu.memory_space<vmem>>) attributes {dimension_semantics = [#tpu.dimension_semantics<arbitrary>], iteration_bounds = array<i64: 5>, scalar_prefetch = 0 : i64, scratch_operands = 0 : i64, tpu.core_type = #tpu.core_type<tc>, window_params = [{transform_indices = @transform_0, window_bounds = array<i64: 2000, 16>}, {pipeline_mode = #tpu.pipeline_mode<synchronous>, transform_indices = @transform_1, window_bounds = array<i64: 16, 16>}, {pipeline_mode = #tpu.pipeline_mode<synchronous>, transform_indices = @transform_2, window_bounds = array<i64: 8, 16>}, {transform_indices = @transform_3, window_bounds = array<i64: 2000, 16>}]} {
    %get3A = arith.constant 0 : index
    %get3A_0 = arith.constant 0 : index
    %get3A_1 = vector.load %arg3[%get3A, %get3A_0] : memref<8x16xf32, #tpu.memory_space<vmem>>, vector<8x16xf32>
    %slice3A = vector.extract_strided_slice %get3A_1 {offsets = [0, 0], sizes = [1, 16], strides = [1, 1]} : vector<8x16xf32> to vector<1x16xf32>
    %slice3A_2 = vector.extract_strided_slice %get3A_1 {offsets = [1, 0], sizes = [1, 16], strides = [1, 1]} : vector<8x16xf32> to vector<1x16xf32>
    %slice3A_3 = vector.extract_strided_slice %get3A_1 {offsets = [2, 0], sizes = [1, 16], strides = [1, 1]} : vector<8x16xf32> to vector<1x16xf32>
    %get3A_4 = arith.constant 0 : index
    %get3A_5 = arith.constant 0 : index
    %get3A_6 = vector.load %arg1[%get3A_4, %get3A_5] : memref<2000x16xf32, #tpu.memory_space<vmem>>, vector<2000x16xf32>
    %mul3A = vector.broadcast %slice3A : vector<1x16xf32> to vector<2000x16xf32>
    %mul3A_7 = arith.mulf %get3A_6, %mul3A : vector<2000x16xf32>
    %add3A = vector.broadcast %slice3A_2 : vector<1x16xf32> to vector<2000x16xf32>
    %add3A_8 = arith.addf %mul3A_7, %add3A : vector<2000x16xf32>
    %max3A = arith.constant 0.000000e+00 : f32
    %max3A_9 = vector.broadcast %max3A : f32 to vector<2000x16xf32>
    %max3A_10 = arith.maximumf %add3A_8, %max3A_9 : vector<2000x16xf32>
    %get3A_11 = arith.constant 0 : index
    %get3A_12 = arith.constant 0 : index
    %get3A_13 = vector.load %arg2[%get3A_11, %get3A_12] : memref<16x16xf32, #tpu.memory_space<vmem>>, vector<16x16xf32>
    %dot_general3A = arith.constant dense<0.000000e+00> : vector<2000x16xf32>
    %dot_general3A_14 = tpu.matmul %max3A_10, %get3A_13, %dot_general3A {dimension_numbers = #tpu.dot_dimension_numbers<[1], [0], [0], [1], [0, 0, 1, 1], [], []>, transpose_lhs_hint = false} : vector<2000x16xf32>, vector<16x16xf32>, vector<2000x16xf32> -> vector<2000x16xf32>
    %add3A_15 = vector.broadcast %slice3A_3 : vector<1x16xf32> to vector<2000x16xf32>
    %add3A_16 = arith.addf %dot_general3A_14, %add3A_15 : vector<2000x16xf32>
    %gt3A = arith.constant 0.000000e+00 : f32
    %gt3A_17 = vector.broadcast %gt3A : f32 to vector<2000x16xf32>
    %gt3A_18 = arith.cmpf ogt, %add3A_16, %gt3A_17 : vector<2000x16xf32>
    %exp3A = math.exp %add3A_16 : vector<2000x16xf32>
    %sub3A = arith.constant 1.000000e+00 : f32
    %sub3A_19 = vector.broadcast %sub3A : f32 to vector<2000x16xf32>
    %sub3A_20 = arith.subf %exp3A, %sub3A_19 : vector<2000x16xf32>
    %mul3A_21 = arith.constant 1.000000e-01 : f32
    %mul3A_22 = vector.broadcast %mul3A_21 : f32 to vector<2000x16xf32>
    %mul3A_23 = arith.mulf %mul3A_22, %sub3A_20 : vector<2000x16xf32>
    %select_n3A = arith.select %gt3A_18, %add3A_16, %mul3A_23 : vector<2000x16xi1>, vector<2000x16xf32>
    %swap3A = arith.constant 0 : index
    %swap3A_24 = arith.constant 0 : index
    %swap3A_25 = vector.load %arg4[%swap3A, %swap3A_24] : memref<2000x16xf32, #tpu.memory_space<vmem>>, vector<2000x16xf32>
    tpu.vector_store %arg4[%swap3A, %swap3A_24], %select_n3A {strides = array<i32>} : memref<2000x16xf32, #tpu.memory_space<vmem>>, vector<2000x16xf32>,
    return
  }
  func.func @transform_0(%arg0: i32) -> (i32, i32) {
    %c0_i32 = arith.constant 0 : i32
    %c0_i32_0 = arith.constant 0 : i32
    return %arg0, %c0_i32 : i32, i32
  }
  func.func @transform_1(%arg0: i32) -> (i32, i32) {
    %c0_i32 = arith.constant 0 : i32
    %c0_i32_0 = arith.constant 0 : i32
    %c0_i32_1 = arith.constant 0 : i32
    return %c0_i32, %c0_i32_0 : i32, i32
  }
  func.func @transform_2(%arg0: i32) -> (i32, i32) {
    %c0_i32 = arith.constant 0 : i32
    %c0_i32_0 = arith.constant 0 : i32
    %c0_i32_1 = arith.constant 0 : i32
    return %c0_i32, %c0_i32_0 : i32, i32
  }
  func.func @transform_3(%arg0: i32) -> (i32, i32) {
    %c0_i32 = arith.constant 0 : i32
    %c0_i32_0 = arith.constant 0 : i32
    return %arg0, %c0_i32 : i32, i32
  }
}

module attributes {stable_mosaic.version = 14 : i64} {
  func.func @_pool_body(%arg0: i32, %arg1: memref<1x2048xi32, #tpu.memory_space<vmem>>, %arg2: memref<2048x16xf32, #tpu.memory_space<vmem>>, %arg3: memref<16x2048xf32, #tpu.memory_space<vmem>>, %arg4: memref<64x32xf32, #tpu.memory_space<vmem>>, %arg5: memref<64x16xf32, #tpu.memory_space<vmem>>) attributes {dimension_semantics = [#tpu.dimension_semantics<arbitrary>], iteration_bounds = array<i64: 5>, scalar_prefetch = 0 : i64, scratch_operands = 0 : i64, tpu.core_type = #tpu.core_type<tc>, window_params = [{transform_indices = @transform_0, window_bounds = array<i64: 1, 2048>}, {transform_indices = @transform_1, window_bounds = array<i64: 2048, 16>}, {transform_indices = @transform_2, window_bounds = array<i64: 16, 2048>}, {pipeline_mode = #tpu.pipeline_mode<synchronous>, transform_indices = @transform_3, window_bounds = array<i64: 64, 32>}, {pipeline_mode = #tpu.pipeline_mode<synchronous>, transform_indices = @transform_4, window_bounds = array<i64: 64, 16>}]} {
    %eq3A = arith.constant 0 : i32
    %eq3A_0 = arith.cmpi eq, %arg0, %eq3A : i32
    %convert_element_type3A = arith.extui %eq3A_0 : i1 to i32
    %cond3A = arith.constant 0 : i32
    %cond3A_1 = arith.cmpi ne, %convert_element_type3A, %cond3A : i32
    scf.if %cond3A_1 {
      %broadcast_in_dim3A_274 = arith.constant 0.000000e+00 : f32
      %broadcast_in_dim3A_275 = vector.broadcast %broadcast_in_dim3A_274 : f32 to vector<64x32xf32>
      %swap3A_276 = arith.constant 0 : index
      %swap3A_277 = arith.constant 0 : index
      %swap3A_278 = vector.load %arg4[%swap3A_276, %swap3A_277] : memref<64x32xf32, #tpu.memory_space<vmem>>, vector<64x32xf32>
      tpu.vector_store %arg4[%swap3A_276, %swap3A_277], %broadcast_in_dim3A_275 {strides = array<i32>} : memref<64x32xf32, #tpu.memory_space<vmem>>, vector<64x32xf32>,
      %broadcast_in_dim3A_279 = arith.constant -3.400000e+38 : f32
      %broadcast_in_dim3A_280 = vector.broadcast %broadcast_in_dim3A_279 : f32 to vector<64x16xf32>
      %swap3A_281 = arith.constant 0 : index
      %swap3A_282 = arith.constant 0 : index
      %swap3A_283 = vector.load %arg5[%swap3A_281, %swap3A_282] : memref<64x16xf32, #tpu.memory_space<vmem>>, vector<64x16xf32>
      tpu.vector_store %arg5[%swap3A_281, %swap3A_282], %broadcast_in_dim3A_280 {strides = array<i32>} : memref<64x16xf32, #tpu.memory_space<vmem>>, vector<64x16xf32>,
    } else {
    }
    %get3A = arith.constant 0 : index
    %get3A_2 = arith.constant 0 : index
    %get3A_3 = vector.load %arg1[%get3A, %get3A_2] : memref<1x2048xi32, #tpu.memory_space<vmem>>, vector<1x2048xi32>
    %get3A_4 = arith.constant 0 : index
    %get3A_5 = arith.constant 0 : index
    %get3A_6 = vector.load %arg2[%get3A_4, %get3A_5] : memref<2048x16xf32, #tpu.memory_space<vmem>>, vector<2048x16xf32>
    %get3A_7 = arith.constant 0 : index
    %get3A_8 = arith.constant 0 : index
    %get3A_9 = vector.load %arg3[%get3A_7, %get3A_8] : memref<16x2048xf32, #tpu.memory_space<vmem>>, vector<16x2048xf32>
    %iota3A = tpu.iota {dimensions = array<i32: 0>} : vector<64x2048xi32>
    %eq3A_10 = vector.broadcast %get3A_3 : vector<1x2048xi32> to vector<64x2048xi32>
    %eq3A_11 = arith.cmpi eq, %eq3A_10, %iota3A : vector<64x2048xi32>
    %broadcast_in_dim3A = arith.constant 1.000000e+00 : f32
    %broadcast_in_dim3A_12 = vector.broadcast %broadcast_in_dim3A : f32 to vector<2048x1xf32>
    %broadcast_in_dim3A_13 = arith.constant 0.000000e+00 : f32
    %broadcast_in_dim3A_14 = vector.broadcast %broadcast_in_dim3A_13 : f32 to vector<2048x15xf32>
    %concatenate3A = tpu.concatenate %get3A_6, %broadcast_in_dim3A_12, %broadcast_in_dim3A_14 in 1 : vector<2048x16xf32>, vector<2048x1xf32>, vector<2048x15xf32> -> vector<2048x32xf32>
    %get3A_15 = arith.constant 0 : index
    %get3A_16 = arith.constant 0 : index
    %get3A_17 = vector.load %arg4[%get3A_15, %get3A_16] : memref<64x32xf32, #tpu.memory_space<vmem>>, vector<64x32xf32>
    %convert_element_type3A_18 = arith.extui %eq3A_11 : vector<64x2048xi1> to vector<64x2048xi32>
    %convert_element_type3A_19 = arith.sitofp %convert_element_type3A_18 : vector<64x2048xi32> to vector<64x2048xf32>
    %dot_general3A = arith.constant dense<0.000000e+00> : vector<64x32xf32>
    %dot_general3A_20 = tpu.matmul %convert_element_type3A_19, %concatenate3A, %dot_general3A {dimension_numbers = #tpu.dot_dimension_numbers<[1], [0], [0], [1], [0, 0, 1, 1], [], []>, transpose_lhs_hint = false} : vector<64x2048xf32>, vector<2048x32xf32>, vector<64x32xf32> -> vector<64x32xf32>
    %add3A = arith.addf %get3A_17, %dot_general3A_20 : vector<64x32xf32>
    %swap3A = arith.constant 0 : index
    %swap3A_21 = arith.constant 0 : index
    %swap3A_22 = vector.load %arg4[%swap3A, %swap3A_21] : memref<64x32xf32, #tpu.memory_space<vmem>>, vector<64x32xf32>
    tpu.vector_store %arg4[%swap3A, %swap3A_21], %add3A {strides = array<i32>} : memref<64x32xf32, #tpu.memory_space<vmem>>, vector<64x32xf32>,
    %slice3A = vector.extract_strided_slice %get3A_9 {offsets = [0, 0], sizes = [1, 2048], strides = [1, 1]} : vector<16x2048xf32> to vector<1x2048xf32>
    %broadcast_in_dim3A_23 = vector.shape_cast %slice3A : vector<1x2048xf32> to vector<1x2048xf32>
    %broadcast_in_dim3A_24 = vector.broadcast %broadcast_in_dim3A_23 : vector<1x2048xf32> to vector<64x2048xf32>
    %jit3A = arith.constant -3.400000e+38 : f32
    %broadcast_in_dim3A_25 = vector.broadcast %jit3A : f32 to vector<64x2048xf32>
    %select_n3A = arith.select %eq3A_11, %broadcast_in_dim3A_24, %broadcast_in_dim3A_25 : vector<64x2048xi1>, vector<64x2048xf32>
    %reduce_max3A = arith.constant dense<0xFF800000> : vector<64xf32>
    %reduce_max3A_26 = vector.multi_reduction <maximumf>, %select_n3A, %reduce_max3A [1] : vector<64x2048xf32> to vector<64xf32>
    %broadcast_in_dim3A_27 = vector.shape_cast %reduce_max3A_26 : vector<64xf32> to vector<64x1xf32>
    %get3A_28 = arith.constant 0 : index
    %get3A_29 = arith.constant 0 : index
    %get3A_30 = vector.load %arg5[%get3A_28, %get3A_29] : memref<64x16xf32, #tpu.memory_space<vmem>>, vector<64x1xf32>
    %max3A = arith.maximumf %get3A_30, %broadcast_in_dim3A_27 : vector<64x1xf32>
    %swap3A_31 = arith.constant 0 : index
    %swap3A_32 = arith.constant 0 : index
    %swap3A_33 = vector.load %arg5[%swap3A_31, %swap3A_32] : memref<64x16xf32, #tpu.memory_space<vmem>>, vector<64x1xf32>
    tpu.vector_store %arg5[%swap3A_31, %swap3A_32], %max3A {strides = array<i32>} : memref<64x16xf32, #tpu.memory_space<vmem>>, vector<64x1xf32>,
    %slice3A_34 = vector.extract_strided_slice %get3A_9 {offsets = [1, 0], sizes = [1, 2048], strides = [1, 1]} : vector<16x2048xf32> to vector<1x2048xf32>
    %broadcast_in_dim3A_35 = vector.shape_cast %slice3A_34 : vector<1x2048xf32> to vector<1x2048xf32>
    %broadcast_in_dim3A_36 = vector.broadcast %broadcast_in_dim3A_35 : vector<1x2048xf32> to vector<64x2048xf32>
    %jit3A_37 = arith.constant -3.400000e+38 : f32
    %broadcast_in_dim3A_38 = vector.broadcast %jit3A_37 : f32 to vector<64x2048xf32>
    %select_n3A_39 = arith.select %eq3A_11, %broadcast_in_dim3A_36, %broadcast_in_dim3A_38 : vector<64x2048xi1>, vector<64x2048xf32>
    %reduce_max3A_40 = arith.constant dense<0xFF800000> : vector<64xf32>
    %reduce_max3A_41 = vector.multi_reduction <maximumf>, %select_n3A_39, %reduce_max3A_40 [1] : vector<64x2048xf32> to vector<64xf32>
    %broadcast_in_dim3A_42 = vector.shape_cast %reduce_max3A_41 : vector<64xf32> to vector<64x1xf32>
    %get3A_43 = arith.constant 0 : index
    %get3A_44 = arith.constant 1 : index
    %get3A_45 = vector.load %arg5[%get3A_43, %get3A_44] : memref<64x16xf32, #tpu.memory_space<vmem>>, vector<64x1xf32>
    %max3A_46 = arith.maximumf %get3A_45, %broadcast_in_dim3A_42 : vector<64x1xf32>
    %swap3A_47 = arith.constant 0 : index
    %swap3A_48 = arith.constant 1 : index
    %swap3A_49 = vector.load %arg5[%swap3A_47, %swap3A_48] : memref<64x16xf32, #tpu.memory_space<vmem>>, vector<64x1xf32>
    tpu.vector_store %arg5[%swap3A_47, %swap3A_48], %max3A_46 {strides = array<i32>} : memref<64x16xf32, #tpu.memory_space<vmem>>, vector<64x1xf32>,
    %slice3A_50 = vector.extract_strided_slice %get3A_9 {offsets = [2, 0], sizes = [1, 2048], strides = [1, 1]} : vector<16x2048xf32> to vector<1x2048xf32>
    %broadcast_in_dim3A_51 = vector.shape_cast %slice3A_50 : vector<1x2048xf32> to vector<1x2048xf32>
    %broadcast_in_dim3A_52 = vector.broadcast %broadcast_in_dim3A_51 : vector<1x2048xf32> to vector<64x2048xf32>
    %jit3A_53 = arith.constant -3.400000e+38 : f32
    %broadcast_in_dim3A_54 = vector.broadcast %jit3A_53 : f32 to vector<64x2048xf32>
    %select_n3A_55 = arith.select %eq3A_11, %broadcast_in_dim3A_52, %broadcast_in_dim3A_54 : vector<64x2048xi1>, vector<64x2048xf32>
    %reduce_max3A_56 = arith.constant dense<0xFF800000> : vector<64xf32>
    %reduce_max3A_57 = vector.multi_reduction <maximumf>, %select_n3A_55, %reduce_max3A_56 [1] : vector<64x2048xf32> to vector<64xf32>
    %broadcast_in_dim3A_58 = vector.shape_cast %reduce_max3A_57 : vector<64xf32> to vector<64x1xf32>
    %get3A_59 = arith.constant 0 : index
    %get3A_60 = arith.constant 2 : index
    %get3A_61 = vector.load %arg5[%get3A_59, %get3A_60] : memref<64x16xf32, #tpu.memory_space<vmem>>, vector<64x1xf32>
    %max3A_62 = arith.maximumf %get3A_61, %broadcast_in_dim3A_58 : vector<64x1xf32>
    %swap3A_63 = arith.constant 0 : index
    %swap3A_64 = arith.constant 2 : index
    %swap3A_65 = vector.load %arg5[%swap3A_63, %swap3A_64] : memref<64x16xf32, #tpu.memory_space<vmem>>, vector<64x1xf32>
    tpu.vector_store %arg5[%swap3A_63, %swap3A_64], %max3A_62 {strides = array<i32>} : memref<64x16xf32, #tpu.memory_space<vmem>>, vector<64x1xf32>,
    %slice3A_66 = vector.extract_strided_slice %get3A_9 {offsets = [3, 0], sizes = [1, 2048], strides = [1, 1]} : vector<16x2048xf32> to vector<1x2048xf32>
    %broadcast_in_dim3A_67 = vector.shape_cast %slice3A_66 : vector<1x2048xf32> to vector<1x2048xf32>
    %broadcast_in_dim3A_68 = vector.broadcast %broadcast_in_dim3A_67 : vector<1x2048xf32> to vector<64x2048xf32>
    %jit3A_69 = arith.constant -3.400000e+38 : f32
    %broadcast_in_dim3A_70 = vector.broadcast %jit3A_69 : f32 to vector<64x2048xf32>
    %select_n3A_71 = arith.select %eq3A_11, %broadcast_in_dim3A_68, %broadcast_in_dim3A_70 : vector<64x2048xi1>, vector<64x2048xf32>
    %reduce_max3A_72 = arith.constant dense<0xFF800000> : vector<64xf32>
    %reduce_max3A_73 = vector.multi_reduction <maximumf>, %select_n3A_71, %reduce_max3A_72 [1] : vector<64x2048xf32> to vector<64xf32>
    %broadcast_in_dim3A_74 = vector.shape_cast %reduce_max3A_73 : vector<64xf32> to vector<64x1xf32>
    %get3A_75 = arith.constant 0 : index
    %get3A_76 = arith.constant 3 : index
    %get3A_77 = vector.load %arg5[%get3A_75, %get3A_76] : memref<64x16xf32, #tpu.memory_space<vmem>>, vector<64x1xf32>
    %max3A_78 = arith.maximumf %get3A_77, %broadcast_in_dim3A_74 : vector<64x1xf32>
    %swap3A_79 = arith.constant 0 : index
    %swap3A_80 = arith.constant 3 : index
    %swap3A_81 = vector.load %arg5[%swap3A_79, %swap3A_80] : memref<64x16xf32, #tpu.memory_space<vmem>>, vector<64x1xf32>
    tpu.vector_store %arg5[%swap3A_79, %swap3A_80], %max3A_78 {strides = array<i32>} : memref<64x16xf32, #tpu.memory_space<vmem>>, vector<64x1xf32>,
    %slice3A_82 = vector.extract_strided_slice %get3A_9 {offsets = [4, 0], sizes = [1, 2048], strides = [1, 1]} : vector<16x2048xf32> to vector<1x2048xf32>
    %broadcast_in_dim3A_83 = vector.shape_cast %slice3A_82 : vector<1x2048xf32> to vector<1x2048xf32>
    %broadcast_in_dim3A_84 = vector.broadcast %broadcast_in_dim3A_83 : vector<1x2048xf32> to vector<64x2048xf32>
    %jit3A_85 = arith.constant -3.400000e+38 : f32
    %broadcast_in_dim3A_86 = vector.broadcast %jit3A_85 : f32 to vector<64x2048xf32>
    %select_n3A_87 = arith.select %eq3A_11, %broadcast_in_dim3A_84, %broadcast_in_dim3A_86 : vector<64x2048xi1>, vector<64x2048xf32>
    %reduce_max3A_88 = arith.constant dense<0xFF800000> : vector<64xf32>
    %reduce_max3A_89 = vector.multi_reduction <maximumf>, %select_n3A_87, %reduce_max3A_88 [1] : vector<64x2048xf32> to vector<64xf32>
    %broadcast_in_dim3A_90 = vector.shape_cast %reduce_max3A_89 : vector<64xf32> to vector<64x1xf32>
    %get3A_91 = arith.constant 0 : index
    %get3A_92 = arith.constant 4 : index
    %get3A_93 = vector.load %arg5[%get3A_91, %get3A_92] : memref<64x16xf32, #tpu.memory_space<vmem>>, vector<64x1xf32>
    %max3A_94 = arith.maximumf %get3A_93, %broadcast_in_dim3A_90 : vector<64x1xf32>
    %swap3A_95 = arith.constant 0 : index
    %swap3A_96 = arith.constant 4 : index
    %swap3A_97 = vector.load %arg5[%swap3A_95, %swap3A_96] : memref<64x16xf32, #tpu.memory_space<vmem>>, vector<64x1xf32>
    tpu.vector_store %arg5[%swap3A_95, %swap3A_96], %max3A_94 {strides = array<i32>} : memref<64x16xf32, #tpu.memory_space<vmem>>, vector<64x1xf32>,
    %slice3A_98 = vector.extract_strided_slice %get3A_9 {offsets = [5, 0], sizes = [1, 2048], strides = [1, 1]} : vector<16x2048xf32> to vector<1x2048xf32>
    %broadcast_in_dim3A_99 = vector.shape_cast %slice3A_98 : vector<1x2048xf32> to vector<1x2048xf32>
    %broadcast_in_dim3A_100 = vector.broadcast %broadcast_in_dim3A_99 : vector<1x2048xf32> to vector<64x2048xf32>
    %jit3A_101 = arith.constant -3.400000e+38 : f32
    %broadcast_in_dim3A_102 = vector.broadcast %jit3A_101 : f32 to vector<64x2048xf32>
    %select_n3A_103 = arith.select %eq3A_11, %broadcast_in_dim3A_100, %broadcast_in_dim3A_102 : vector<64x2048xi1>, vector<64x2048xf32>
    %reduce_max3A_104 = arith.constant dense<0xFF800000> : vector<64xf32>
    %reduce_max3A_105 = vector.multi_reduction <maximumf>, %select_n3A_103, %reduce_max3A_104 [1] : vector<64x2048xf32> to vector<64xf32>
    %broadcast_in_dim3A_106 = vector.shape_cast %reduce_max3A_105 : vector<64xf32> to vector<64x1xf32>
    %get3A_107 = arith.constant 0 : index
    %get3A_108 = arith.constant 5 : index
    %get3A_109 = vector.load %arg5[%get3A_107, %get3A_108] : memref<64x16xf32, #tpu.memory_space<vmem>>, vector<64x1xf32>
    %max3A_110 = arith.maximumf %get3A_109, %broadcast_in_dim3A_106 : vector<64x1xf32>
    %swap3A_111 = arith.constant 0 : index
    %swap3A_112 = arith.constant 5 : index
    %swap3A_113 = vector.load %arg5[%swap3A_111, %swap3A_112] : memref<64x16xf32, #tpu.memory_space<vmem>>, vector<64x1xf32>
    tpu.vector_store %arg5[%swap3A_111, %swap3A_112], %max3A_110 {strides = array<i32>} : memref<64x16xf32, #tpu.memory_space<vmem>>, vector<64x1xf32>,
    %slice3A_114 = vector.extract_strided_slice %get3A_9 {offsets = [6, 0], sizes = [1, 2048], strides = [1, 1]} : vector<16x2048xf32> to vector<1x2048xf32>
    %broadcast_in_dim3A_115 = vector.shape_cast %slice3A_114 : vector<1x2048xf32> to vector<1x2048xf32>
    %broadcast_in_dim3A_116 = vector.broadcast %broadcast_in_dim3A_115 : vector<1x2048xf32> to vector<64x2048xf32>
    %jit3A_117 = arith.constant -3.400000e+38 : f32
    %broadcast_in_dim3A_118 = vector.broadcast %jit3A_117 : f32 to vector<64x2048xf32>
    %select_n3A_119 = arith.select %eq3A_11, %broadcast_in_dim3A_116, %broadcast_in_dim3A_118 : vector<64x2048xi1>, vector<64x2048xf32>
    %reduce_max3A_120 = arith.constant dense<0xFF800000> : vector<64xf32>
    %reduce_max3A_121 = vector.multi_reduction <maximumf>, %select_n3A_119, %reduce_max3A_120 [1] : vector<64x2048xf32> to vector<64xf32>
    %broadcast_in_dim3A_122 = vector.shape_cast %reduce_max3A_121 : vector<64xf32> to vector<64x1xf32>
    %get3A_123 = arith.constant 0 : index
    %get3A_124 = arith.constant 6 : index
    %get3A_125 = vector.load %arg5[%get3A_123, %get3A_124] : memref<64x16xf32, #tpu.memory_space<vmem>>, vector<64x1xf32>
    %max3A_126 = arith.maximumf %get3A_125, %broadcast_in_dim3A_122 : vector<64x1xf32>
    %swap3A_127 = arith.constant 0 : index
    %swap3A_128 = arith.constant 6 : index
    %swap3A_129 = vector.load %arg5[%swap3A_127, %swap3A_128] : memref<64x16xf32, #tpu.memory_space<vmem>>, vector<64x1xf32>
    tpu.vector_store %arg5[%swap3A_127, %swap3A_128], %max3A_126 {strides = array<i32>} : memref<64x16xf32, #tpu.memory_space<vmem>>, vector<64x1xf32>,
    %slice3A_130 = vector.extract_strided_slice %get3A_9 {offsets = [7, 0], sizes = [1, 2048], strides = [1, 1]} : vector<16x2048xf32> to vector<1x2048xf32>
    %broadcast_in_dim3A_131 = vector.shape_cast %slice3A_130 : vector<1x2048xf32> to vector<1x2048xf32>
    %broadcast_in_dim3A_132 = vector.broadcast %broadcast_in_dim3A_131 : vector<1x2048xf32> to vector<64x2048xf32>
    %jit3A_133 = arith.constant -3.400000e+38 : f32
    %broadcast_in_dim3A_134 = vector.broadcast %jit3A_133 : f32 to vector<64x2048xf32>
    %select_n3A_135 = arith.select %eq3A_11, %broadcast_in_dim3A_132, %broadcast_in_dim3A_134 : vector<64x2048xi1>, vector<64x2048xf32>
    %reduce_max3A_136 = arith.constant dense<0xFF800000> : vector<64xf32>
    %reduce_max3A_137 = vector.multi_reduction <maximumf>, %select_n3A_135, %reduce_max3A_136 [1] : vector<64x2048xf32> to vector<64xf32>
    %broadcast_in_dim3A_138 = vector.shape_cast %reduce_max3A_137 : vector<64xf32> to vector<64x1xf32>
    %get3A_139 = arith.constant 0 : index
    %get3A_140 = arith.constant 7 : index
    %get3A_141 = vector.load %arg5[%get3A_139, %get3A_140] : memref<64x16xf32, #tpu.memory_space<vmem>>, vector<64x1xf32>
    %max3A_142 = arith.maximumf %get3A_141, %broadcast_in_dim3A_138 : vector<64x1xf32>
    %swap3A_143 = arith.constant 0 : index
    %swap3A_144 = arith.constant 7 : index
    %swap3A_145 = vector.load %arg5[%swap3A_143, %swap3A_144] : memref<64x16xf32, #tpu.memory_space<vmem>>, vector<64x1xf32>
    tpu.vector_store %arg5[%swap3A_143, %swap3A_144], %max3A_142 {strides = array<i32>} : memref<64x16xf32, #tpu.memory_space<vmem>>, vector<64x1xf32>,
    %slice3A_146 = vector.extract_strided_slice %get3A_9 {offsets = [8, 0], sizes = [1, 2048], strides = [1, 1]} : vector<16x2048xf32> to vector<1x2048xf32>
    %broadcast_in_dim3A_147 = vector.shape_cast %slice3A_146 : vector<1x2048xf32> to vector<1x2048xf32>
    %broadcast_in_dim3A_148 = vector.broadcast %broadcast_in_dim3A_147 : vector<1x2048xf32> to vector<64x2048xf32>
    %jit3A_149 = arith.constant -3.400000e+38 : f32
    %broadcast_in_dim3A_150 = vector.broadcast %jit3A_149 : f32 to vector<64x2048xf32>
    %select_n3A_151 = arith.select %eq3A_11, %broadcast_in_dim3A_148, %broadcast_in_dim3A_150 : vector<64x2048xi1>, vector<64x2048xf32>
    %reduce_max3A_152 = arith.constant dense<0xFF800000> : vector<64xf32>
    %reduce_max3A_153 = vector.multi_reduction <maximumf>, %select_n3A_151, %reduce_max3A_152 [1] : vector<64x2048xf32> to vector<64xf32>
    %broadcast_in_dim3A_154 = vector.shape_cast %reduce_max3A_153 : vector<64xf32> to vector<64x1xf32>
    %get3A_155 = arith.constant 0 : index
    %get3A_156 = arith.constant 8 : index
    %get3A_157 = vector.load %arg5[%get3A_155, %get3A_156] : memref<64x16xf32, #tpu.memory_space<vmem>>, vector<64x1xf32>
    %max3A_158 = arith.maximumf %get3A_157, %broadcast_in_dim3A_154 : vector<64x1xf32>
    %swap3A_159 = arith.constant 0 : index
    %swap3A_160 = arith.constant 8 : index
    %swap3A_161 = vector.load %arg5[%swap3A_159, %swap3A_160] : memref<64x16xf32, #tpu.memory_space<vmem>>, vector<64x1xf32>
    tpu.vector_store %arg5[%swap3A_159, %swap3A_160], %max3A_158 {strides = array<i32>} : memref<64x16xf32, #tpu.memory_space<vmem>>, vector<64x1xf32>,
    %slice3A_162 = vector.extract_strided_slice %get3A_9 {offsets = [9, 0], sizes = [1, 2048], strides = [1, 1]} : vector<16x2048xf32> to vector<1x2048xf32>
    %broadcast_in_dim3A_163 = vector.shape_cast %slice3A_162 : vector<1x2048xf32> to vector<1x2048xf32>
    %broadcast_in_dim3A_164 = vector.broadcast %broadcast_in_dim3A_163 : vector<1x2048xf32> to vector<64x2048xf32>
    %jit3A_165 = arith.constant -3.400000e+38 : f32
    %broadcast_in_dim3A_166 = vector.broadcast %jit3A_165 : f32 to vector<64x2048xf32>
    %select_n3A_167 = arith.select %eq3A_11, %broadcast_in_dim3A_164, %broadcast_in_dim3A_166 : vector<64x2048xi1>, vector<64x2048xf32>
    %reduce_max3A_168 = arith.constant dense<0xFF800000> : vector<64xf32>
    %reduce_max3A_169 = vector.multi_reduction <maximumf>, %select_n3A_167, %reduce_max3A_168 [1] : vector<64x2048xf32> to vector<64xf32>
    %broadcast_in_dim3A_170 = vector.shape_cast %reduce_max3A_169 : vector<64xf32> to vector<64x1xf32>
    %get3A_171 = arith.constant 0 : index
    %get3A_172 = arith.constant 9 : index
    %get3A_173 = vector.load %arg5[%get3A_171, %get3A_172] : memref<64x16xf32, #tpu.memory_space<vmem>>, vector<64x1xf32>
    %max3A_174 = arith.maximumf %get3A_173, %broadcast_in_dim3A_170 : vector<64x1xf32>
    %swap3A_175 = arith.constant 0 : index
    %swap3A_176 = arith.constant 9 : index
    %swap3A_177 = vector.load %arg5[%swap3A_175, %swap3A_176] : memref<64x16xf32, #tpu.memory_space<vmem>>, vector<64x1xf32>
    tpu.vector_store %arg5[%swap3A_175, %swap3A_176], %max3A_174 {strides = array<i32>} : memref<64x16xf32, #tpu.memory_space<vmem>>, vector<64x1xf32>,
    %slice3A_178 = vector.extract_strided_slice %get3A_9 {offsets = [10, 0], sizes = [1, 2048], strides = [1, 1]} : vector<16x2048xf32> to vector<1x2048xf32>
    %broadcast_in_dim3A_179 = vector.shape_cast %slice3A_178 : vector<1x2048xf32> to vector<1x2048xf32>
    %broadcast_in_dim3A_180 = vector.broadcast %broadcast_in_dim3A_179 : vector<1x2048xf32> to vector<64x2048xf32>
    %jit3A_181 = arith.constant -3.400000e+38 : f32
    %broadcast_in_dim3A_182 = vector.broadcast %jit3A_181 : f32 to vector<64x2048xf32>
    %select_n3A_183 = arith.select %eq3A_11, %broadcast_in_dim3A_180, %broadcast_in_dim3A_182 : vector<64x2048xi1>, vector<64x2048xf32>
    %reduce_max3A_184 = arith.constant dense<0xFF800000> : vector<64xf32>
    %reduce_max3A_185 = vector.multi_reduction <maximumf>, %select_n3A_183, %reduce_max3A_184 [1] : vector<64x2048xf32> to vector<64xf32>
    %broadcast_in_dim3A_186 = vector.shape_cast %reduce_max3A_185 : vector<64xf32> to vector<64x1xf32>
    %get3A_187 = arith.constant 0 : index
    %get3A_188 = arith.constant 10 : index
    %get3A_189 = vector.load %arg5[%get3A_187, %get3A_188] : memref<64x16xf32, #tpu.memory_space<vmem>>, vector<64x1xf32>
    %max3A_190 = arith.maximumf %get3A_189, %broadcast_in_dim3A_186 : vector<64x1xf32>
    %swap3A_191 = arith.constant 0 : index
    %swap3A_192 = arith.constant 10 : index
    %swap3A_193 = vector.load %arg5[%swap3A_191, %swap3A_192] : memref<64x16xf32, #tpu.memory_space<vmem>>, vector<64x1xf32>
    tpu.vector_store %arg5[%swap3A_191, %swap3A_192], %max3A_190 {strides = array<i32>} : memref<64x16xf32, #tpu.memory_space<vmem>>, vector<64x1xf32>,
    %slice3A_194 = vector.extract_strided_slice %get3A_9 {offsets = [11, 0], sizes = [1, 2048], strides = [1, 1]} : vector<16x2048xf32> to vector<1x2048xf32>
    %broadcast_in_dim3A_195 = vector.shape_cast %slice3A_194 : vector<1x2048xf32> to vector<1x2048xf32>
    %broadcast_in_dim3A_196 = vector.broadcast %broadcast_in_dim3A_195 : vector<1x2048xf32> to vector<64x2048xf32>
    %jit3A_197 = arith.constant -3.400000e+38 : f32
    %broadcast_in_dim3A_198 = vector.broadcast %jit3A_197 : f32 to vector<64x2048xf32>
    %select_n3A_199 = arith.select %eq3A_11, %broadcast_in_dim3A_196, %broadcast_in_dim3A_198 : vector<64x2048xi1>, vector<64x2048xf32>
    %reduce_max3A_200 = arith.constant dense<0xFF800000> : vector<64xf32>
    %reduce_max3A_201 = vector.multi_reduction <maximumf>, %select_n3A_199, %reduce_max3A_200 [1] : vector<64x2048xf32> to vector<64xf32>
    %broadcast_in_dim3A_202 = vector.shape_cast %reduce_max3A_201 : vector<64xf32> to vector<64x1xf32>
    %get3A_203 = arith.constant 0 : index
    %get3A_204 = arith.constant 11 : index
    %get3A_205 = vector.load %arg5[%get3A_203, %get3A_204] : memref<64x16xf32, #tpu.memory_space<vmem>>, vector<64x1xf32>
    %max3A_206 = arith.maximumf %get3A_205, %broadcast_in_dim3A_202 : vector<64x1xf32>
    %swap3A_207 = arith.constant 0 : index
    %swap3A_208 = arith.constant 11 : index
    %swap3A_209 = vector.load %arg5[%swap3A_207, %swap3A_208] : memref<64x16xf32, #tpu.memory_space<vmem>>, vector<64x1xf32>
    tpu.vector_store %arg5[%swap3A_207, %swap3A_208], %max3A_206 {strides = array<i32>} : memref<64x16xf32, #tpu.memory_space<vmem>>, vector<64x1xf32>,
    %slice3A_210 = vector.extract_strided_slice %get3A_9 {offsets = [12, 0], sizes = [1, 2048], strides = [1, 1]} : vector<16x2048xf32> to vector<1x2048xf32>
    %broadcast_in_dim3A_211 = vector.shape_cast %slice3A_210 : vector<1x2048xf32> to vector<1x2048xf32>
    %broadcast_in_dim3A_212 = vector.broadcast %broadcast_in_dim3A_211 : vector<1x2048xf32> to vector<64x2048xf32>
    %jit3A_213 = arith.constant -3.400000e+38 : f32
    %broadcast_in_dim3A_214 = vector.broadcast %jit3A_213 : f32 to vector<64x2048xf32>
    %select_n3A_215 = arith.select %eq3A_11, %broadcast_in_dim3A_212, %broadcast_in_dim3A_214 : vector<64x2048xi1>, vector<64x2048xf32>
    %reduce_max3A_216 = arith.constant dense<0xFF800000> : vector<64xf32>
    %reduce_max3A_217 = vector.multi_reduction <maximumf>, %select_n3A_215, %reduce_max3A_216 [1] : vector<64x2048xf32> to vector<64xf32>
    %broadcast_in_dim3A_218 = vector.shape_cast %reduce_max3A_217 : vector<64xf32> to vector<64x1xf32>
    %get3A_219 = arith.constant 0 : index
    %get3A_220 = arith.constant 12 : index
    %get3A_221 = vector.load %arg5[%get3A_219, %get3A_220] : memref<64x16xf32, #tpu.memory_space<vmem>>, vector<64x1xf32>
    %max3A_222 = arith.maximumf %get3A_221, %broadcast_in_dim3A_218 : vector<64x1xf32>
    %swap3A_223 = arith.constant 0 : index
    %swap3A_224 = arith.constant 12 : index
    %swap3A_225 = vector.load %arg5[%swap3A_223, %swap3A_224] : memref<64x16xf32, #tpu.memory_space<vmem>>, vector<64x1xf32>
    tpu.vector_store %arg5[%swap3A_223, %swap3A_224], %max3A_222 {strides = array<i32>} : memref<64x16xf32, #tpu.memory_space<vmem>>, vector<64x1xf32>,
    %slice3A_226 = vector.extract_strided_slice %get3A_9 {offsets = [13, 0], sizes = [1, 2048], strides = [1, 1]} : vector<16x2048xf32> to vector<1x2048xf32>
    %broadcast_in_dim3A_227 = vector.shape_cast %slice3A_226 : vector<1x2048xf32> to vector<1x2048xf32>
    %broadcast_in_dim3A_228 = vector.broadcast %broadcast_in_dim3A_227 : vector<1x2048xf32> to vector<64x2048xf32>
    %jit3A_229 = arith.constant -3.400000e+38 : f32
    %broadcast_in_dim3A_230 = vector.broadcast %jit3A_229 : f32 to vector<64x2048xf32>
    %select_n3A_231 = arith.select %eq3A_11, %broadcast_in_dim3A_228, %broadcast_in_dim3A_230 : vector<64x2048xi1>, vector<64x2048xf32>
    %reduce_max3A_232 = arith.constant dense<0xFF800000> : vector<64xf32>
    %reduce_max3A_233 = vector.multi_reduction <maximumf>, %select_n3A_231, %reduce_max3A_232 [1] : vector<64x2048xf32> to vector<64xf32>
    %broadcast_in_dim3A_234 = vector.shape_cast %reduce_max3A_233 : vector<64xf32> to vector<64x1xf32>
    %get3A_235 = arith.constant 0 : index
    %get3A_236 = arith.constant 13 : index
    %get3A_237 = vector.load %arg5[%get3A_235, %get3A_236] : memref<64x16xf32, #tpu.memory_space<vmem>>, vector<64x1xf32>
    %max3A_238 = arith.maximumf %get3A_237, %broadcast_in_dim3A_234 : vector<64x1xf32>
    %swap3A_239 = arith.constant 0 : index
    %swap3A_240 = arith.constant 13 : index
    %swap3A_241 = vector.load %arg5[%swap3A_239, %swap3A_240] : memref<64x16xf32, #tpu.memory_space<vmem>>, vector<64x1xf32>
    tpu.vector_store %arg5[%swap3A_239, %swap3A_240], %max3A_238 {strides = array<i32>} : memref<64x16xf32, #tpu.memory_space<vmem>>, vector<64x1xf32>,
    %slice3A_242 = vector.extract_strided_slice %get3A_9 {offsets = [14, 0], sizes = [1, 2048], strides = [1, 1]} : vector<16x2048xf32> to vector<1x2048xf32>
    %broadcast_in_dim3A_243 = vector.shape_cast %slice3A_242 : vector<1x2048xf32> to vector<1x2048xf32>
    %broadcast_in_dim3A_244 = vector.broadcast %broadcast_in_dim3A_243 : vector<1x2048xf32> to vector<64x2048xf32>
    %jit3A_245 = arith.constant -3.400000e+38 : f32
    %broadcast_in_dim3A_246 = vector.broadcast %jit3A_245 : f32 to vector<64x2048xf32>
    %select_n3A_247 = arith.select %eq3A_11, %broadcast_in_dim3A_244, %broadcast_in_dim3A_246 : vector<64x2048xi1>, vector<64x2048xf32>
    %reduce_max3A_248 = arith.constant dense<0xFF800000> : vector<64xf32>
    %reduce_max3A_249 = vector.multi_reduction <maximumf>, %select_n3A_247, %reduce_max3A_248 [1] : vector<64x2048xf32> to vector<64xf32>
    %broadcast_in_dim3A_250 = vector.shape_cast %reduce_max3A_249 : vector<64xf32> to vector<64x1xf32>
    %get3A_251 = arith.constant 0 : index
    %get3A_252 = arith.constant 14 : index
    %get3A_253 = vector.load %arg5[%get3A_251, %get3A_252] : memref<64x16xf32, #tpu.memory_space<vmem>>, vector<64x1xf32>
    %max3A_254 = arith.maximumf %get3A_253, %broadcast_in_dim3A_250 : vector<64x1xf32>
    %swap3A_255 = arith.constant 0 : index
    %swap3A_256 = arith.constant 14 : index
    %swap3A_257 = vector.load %arg5[%swap3A_255, %swap3A_256] : memref<64x16xf32, #tpu.memory_space<vmem>>, vector<64x1xf32>
    tpu.vector_store %arg5[%swap3A_255, %swap3A_256], %max3A_254 {strides = array<i32>} : memref<64x16xf32, #tpu.memory_space<vmem>>, vector<64x1xf32>,
    %slice3A_258 = vector.extract_strided_slice %get3A_9 {offsets = [15, 0], sizes = [1, 2048], strides = [1, 1]} : vector<16x2048xf32> to vector<1x2048xf32>
    %broadcast_in_dim3A_259 = vector.shape_cast %slice3A_258 : vector<1x2048xf32> to vector<1x2048xf32>
    %broadcast_in_dim3A_260 = vector.broadcast %broadcast_in_dim3A_259 : vector<1x2048xf32> to vector<64x2048xf32>
    %jit3A_261 = arith.constant -3.400000e+38 : f32
    %broadcast_in_dim3A_262 = vector.broadcast %jit3A_261 : f32 to vector<64x2048xf32>
    %select_n3A_263 = arith.select %eq3A_11, %broadcast_in_dim3A_260, %broadcast_in_dim3A_262 : vector<64x2048xi1>, vector<64x2048xf32>
    %reduce_max3A_264 = arith.constant dense<0xFF800000> : vector<64xf32>
    %reduce_max3A_265 = vector.multi_reduction <maximumf>, %select_n3A_263, %reduce_max3A_264 [1] : vector<64x2048xf32> to vector<64xf32>
    %broadcast_in_dim3A_266 = vector.shape_cast %reduce_max3A_265 : vector<64xf32> to vector<64x1xf32>
    %get3A_267 = arith.constant 0 : index
    %get3A_268 = arith.constant 15 : index
    %get3A_269 = vector.load %arg5[%get3A_267, %get3A_268] : memref<64x16xf32, #tpu.memory_space<vmem>>, vector<64x1xf32>
    %max3A_270 = arith.maximumf %get3A_269, %broadcast_in_dim3A_266 : vector<64x1xf32>
    %swap3A_271 = arith.constant 0 : index
    %swap3A_272 = arith.constant 15 : index
    %swap3A_273 = vector.load %arg5[%swap3A_271, %swap3A_272] : memref<64x16xf32, #tpu.memory_space<vmem>>, vector<64x1xf32>
    tpu.vector_store %arg5[%swap3A_271, %swap3A_272], %max3A_270 {strides = array<i32>} : memref<64x16xf32, #tpu.memory_space<vmem>>, vector<64x1xf32>,
    return
  }
  func.func @transform_0(%arg0: i32) -> (i32, i32) {
    %c0_i32 = arith.constant 0 : i32
    %c0_i32_0 = arith.constant 0 : i32
    return %c0_i32, %arg0 : i32, i32
  }
  func.func @transform_1(%arg0: i32) -> (i32, i32) {
    %c0_i32 = arith.constant 0 : i32
    %c0_i32_0 = arith.constant 0 : i32
    return %arg0, %c0_i32 : i32, i32
  }
  func.func @transform_2(%arg0: i32) -> (i32, i32) {
    %c0_i32 = arith.constant 0 : i32
    %c0_i32_0 = arith.constant 0 : i32
    return %c0_i32, %arg0 : i32, i32
  }
  func.func @transform_3(%arg0: i32) -> (i32, i32) {
    %c0_i32 = arith.constant 0 : i32
    %c0_i32_0 = arith.constant 0 : i32
    %c0_i32_1 = arith.constant 0 : i32
    return %c0_i32, %c0_i32_0 : i32, i32
  }
  func.func @transform_4(%arg0: i32) -> (i32, i32) {
    %c0_i32 = arith.constant 0 : i32
    %c0_i32_0 = arith.constant 0 : i32
    %c0_i32_1 = arith.constant 0 : i32
    return %c0_i32, %c0_i32_0 : i32, i32
  }
}

module attributes {stable_mosaic.version = 14 : i64} {
  func.func @_classifier_body(%arg0: i32, %arg1: memref<64x32xf32, #tpu.memory_space<vmem>>, %arg2: memref<64x16xf32, #tpu.memory_space<vmem>>, %arg3: memref<64x1xf32, #tpu.memory_space<vmem>>, %arg4: memref<16x16xf32, #tpu.memory_space<vmem>>, %arg5: memref<16x16xf32, #tpu.memory_space<vmem>>, %arg6: memref<16x10xf32, #tpu.memory_space<vmem>>, %arg7: memref<8x16xf32, #tpu.memory_space<vmem>>, %arg8: memref<64x10xf32, #tpu.memory_space<vmem>>) attributes {dimension_semantics = [#tpu.dimension_semantics<arbitrary>], iteration_bounds = array<i64: 1>, scalar_prefetch = 0 : i64, scratch_operands = 0 : i64, tpu.core_type = #tpu.core_type<tc>, window_params = [{pipeline_mode = #tpu.pipeline_mode<synchronous>, transform_indices = @transform_0, window_bounds = array<i64: 64, 32>}, {pipeline_mode = #tpu.pipeline_mode<synchronous>, transform_indices = @transform_1, window_bounds = array<i64: 64, 16>}, {pipeline_mode = #tpu.pipeline_mode<synchronous>, transform_indices = @transform_2, window_bounds = array<i64: 64, 1>}, {pipeline_mode = #tpu.pipeline_mode<synchronous>, transform_indices = @transform_3, window_bounds = array<i64: 16, 16>}, {pipeline_mode = #tpu.pipeline_mode<synchronous>, transform_indices = @transform_4, window_bounds = array<i64: 16, 16>}, {pipeline_mode = #tpu.pipeline_mode<synchronous>, transform_indices = @transform_5, window_bounds = array<i64: 16, 10>}, {pipeline_mode = #tpu.pipeline_mode<synchronous>, transform_indices = @transform_6, window_bounds = array<i64: 8, 16>}, {pipeline_mode = #tpu.pipeline_mode<synchronous>, transform_indices = @transform_7, window_bounds = array<i64: 64, 10>}]} {
    %get3A = arith.constant 0 : index
    %get3A_0 = arith.constant 0 : index
    %get3A_1 = vector.load %arg7[%get3A, %get3A_0] : memref<8x16xf32, #tpu.memory_space<vmem>>, vector<8x16xf32>
    %slice3A = vector.extract_strided_slice %get3A_1 {offsets = [0, 0], sizes = [1, 16], strides = [1, 1]} : vector<8x16xf32> to vector<1x16xf32>
    %slice3A_2 = vector.extract_strided_slice %get3A_1 {offsets = [1, 0], sizes = [1, 16], strides = [1, 1]} : vector<8x16xf32> to vector<1x16xf32>
    %slice3A_3 = vector.extract_strided_slice %get3A_1 {offsets = [2, 0], sizes = [1, 10], strides = [1, 1]} : vector<8x16xf32> to vector<1x10xf32>
    %get3A_4 = arith.constant 0 : index
    %get3A_5 = arith.constant 0 : index
    %get3A_6 = vector.load %arg1[%get3A_4, %get3A_5] : memref<64x32xf32, #tpu.memory_space<vmem>>, vector<64x32xf32>
    %slice3A_7 = vector.extract_strided_slice %get3A_6 {offsets = [0, 0], sizes = [64, 16], strides = [1, 1]} : vector<64x32xf32> to vector<64x16xf32>
    %slice3A_8 = vector.extract_strided_slice %get3A_6 {offsets = [0, 16], sizes = [64, 1], strides = [1, 1]} : vector<64x32xf32> to vector<64x1xf32>
    %max3A = arith.constant 1.000000e+00 : f32
    %max3A_9 = vector.broadcast %max3A : f32 to vector<64x1xf32>
    %max3A_10 = arith.maximumf %slice3A_8, %max3A_9 : vector<64x1xf32>
    %div3A = vector.broadcast %max3A_10 : vector<64x1xf32> to vector<64x16xf32>
    %div3A_11 = arith.divf %slice3A_7, %div3A : vector<64x16xf32>
    %get3A_12 = arith.constant 0 : index
    %get3A_13 = arith.constant 0 : index
    %get3A_14 = vector.load %arg4[%get3A_12, %get3A_13] : memref<16x16xf32, #tpu.memory_space<vmem>>, vector<16x16xf32>
    %dot_general3A = arith.constant dense<0.000000e+00> : vector<64x16xf32>
    %dot_general3A_15 = tpu.matmul %div3A_11, %get3A_14, %dot_general3A {dimension_numbers = #tpu.dot_dimension_numbers<[1], [0], [0], [1], [0, 0, 1, 1], [], []>, transpose_lhs_hint = false} : vector<64x16xf32>, vector<16x16xf32>, vector<64x16xf32> -> vector<64x16xf32>
    %get3A_16 = arith.constant 0 : index
    %get3A_17 = arith.constant 0 : index
    %get3A_18 = vector.load %arg2[%get3A_16, %get3A_17] : memref<64x16xf32, #tpu.memory_space<vmem>>, vector<64x16xf32>
    %get3A_19 = arith.constant 0 : index
    %get3A_20 = arith.constant 0 : index
    %get3A_21 = vector.load %arg5[%get3A_19, %get3A_20] : memref<16x16xf32, #tpu.memory_space<vmem>>, vector<16x16xf32>
    %dot_general3A_22 = arith.constant dense<0.000000e+00> : vector<64x16xf32>
    %dot_general3A_23 = tpu.matmul %get3A_18, %get3A_21, %dot_general3A_22 {dimension_numbers = #tpu.dot_dimension_numbers<[1], [0], [0], [1], [0, 0, 1, 1], [], []>, transpose_lhs_hint = false} : vector<64x16xf32>, vector<16x16xf32>, vector<64x16xf32> -> vector<64x16xf32>
    %add3A = arith.addf %dot_general3A_15, %dot_general3A_23 : vector<64x16xf32>
    %get3A_24 = arith.constant 0 : index
    %get3A_25 = arith.constant 0 : index
    %get3A_26 = vector.load %arg3[%get3A_24, %get3A_25] : memref<64x1xf32, #tpu.memory_space<vmem>>, vector<64x1xf32>
    %mul3A = vector.broadcast %get3A_26 : vector<64x1xf32> to vector<64x16xf32>
    %mul3A_27 = vector.broadcast %slice3A : vector<1x16xf32> to vector<64x16xf32>
    %mul3A_28 = arith.mulf %mul3A, %mul3A_27 : vector<64x16xf32>
    %add3A_29 = arith.addf %add3A, %mul3A_28 : vector<64x16xf32>
    %add3A_30 = vector.broadcast %slice3A_2 : vector<1x16xf32> to vector<64x16xf32>
    %add3A_31 = arith.addf %add3A_29, %add3A_30 : vector<64x16xf32>
    %gt3A = arith.constant 0.000000e+00 : f32
    %gt3A_32 = vector.broadcast %gt3A : f32 to vector<64x16xf32>
    %gt3A_33 = arith.cmpf ogt, %add3A_31, %gt3A_32 : vector<64x16xf32>
    %exp3A = math.exp %add3A_31 : vector<64x16xf32>
    %sub3A = arith.constant 1.000000e+00 : f32
    %sub3A_34 = vector.broadcast %sub3A : f32 to vector<64x16xf32>
    %sub3A_35 = arith.subf %exp3A, %sub3A_34 : vector<64x16xf32>
    %mul3A_36 = arith.constant 1.000000e-01 : f32
    %mul3A_37 = vector.broadcast %mul3A_36 : f32 to vector<64x16xf32>
    %mul3A_38 = arith.mulf %mul3A_37, %sub3A_35 : vector<64x16xf32>
    %select_n3A = arith.select %gt3A_33, %add3A_31, %mul3A_38 : vector<64x16xi1>, vector<64x16xf32>
    %get3A_39 = arith.constant 0 : index
    %get3A_40 = arith.constant 0 : index
    %get3A_41 = vector.load %arg6[%get3A_39, %get3A_40] : memref<16x10xf32, #tpu.memory_space<vmem>>, vector<16x10xf32>
    %dot_general3A_42 = arith.constant dense<0.000000e+00> : vector<64x10xf32>
    %dot_general3A_43 = tpu.matmul %select_n3A, %get3A_41, %dot_general3A_42 {dimension_numbers = #tpu.dot_dimension_numbers<[1], [0], [0], [1], [0, 0, 1, 1], [], []>, transpose_lhs_hint = false} : vector<64x16xf32>, vector<16x10xf32>, vector<64x10xf32> -> vector<64x10xf32>
    %add3A_44 = vector.broadcast %slice3A_3 : vector<1x10xf32> to vector<64x10xf32>
    %add3A_45 = arith.addf %dot_general3A_43, %add3A_44 : vector<64x10xf32>
    %reduce_max3A = arith.constant dense<0xFF800000> : vector<64xf32>
    %reduce_max3A_46 = vector.multi_reduction <maximumf>, %add3A_45, %reduce_max3A [1] : vector<64x10xf32> to vector<64xf32>
    %broadcast_in_dim3A = vector.shape_cast %reduce_max3A_46 : vector<64xf32> to vector<64x1xf32>
    %sub3A_47 = vector.broadcast %broadcast_in_dim3A : vector<64x1xf32> to vector<64x10xf32>
    %sub3A_48 = arith.subf %add3A_45, %sub3A_47 : vector<64x10xf32>
    %exp3A_49 = math.exp %sub3A_48 : vector<64x10xf32>
    %reduce_sum3A = arith.constant dense<0.000000e+00> : vector<64xf32>
    %reduce_sum3A_50 = vector.multi_reduction <add>, %exp3A_49, %reduce_sum3A [1] : vector<64x10xf32> to vector<64xf32>
    %broadcast_in_dim3A_51 = vector.shape_cast %reduce_sum3A_50 : vector<64xf32> to vector<64x1xf32>
    %div3A_52 = vector.broadcast %broadcast_in_dim3A_51 : vector<64x1xf32> to vector<64x10xf32>
    %div3A_53 = arith.divf %exp3A_49, %div3A_52 : vector<64x10xf32>
    %swap3A = arith.constant 0 : index
    %swap3A_54 = arith.constant 0 : index
    %swap3A_55 = vector.load %arg8[%swap3A, %swap3A_54] : memref<64x10xf32, #tpu.memory_space<vmem>>, vector<64x10xf32>
    tpu.vector_store %arg8[%swap3A, %swap3A_54], %div3A_53 {strides = array<i32>} : memref<64x10xf32, #tpu.memory_space<vmem>>, vector<64x10xf32>,
    return
  }
  func.func @transform_0(%arg0: i32) -> (i32, i32) {
    %c0_i32 = arith.constant 0 : i32
    %c0_i32_0 = arith.constant 0 : i32
    %c0_i32_1 = arith.constant 0 : i32
    return %c0_i32, %c0_i32_0 : i32, i32
  }
  func.func @transform_1(%arg0: i32) -> (i32, i32) {
    %c0_i32 = arith.constant 0 : i32
    %c0_i32_0 = arith.constant 0 : i32
    %c0_i32_1 = arith.constant 0 : i32
    return %c0_i32, %c0_i32_0 : i32, i32
  }
  func.func @transform_2(%arg0: i32) -> (i32, i32) {
    %c0_i32 = arith.constant 0 : i32
    %c0_i32_0 = arith.constant 0 : i32
    %c0_i32_1 = arith.constant 0 : i32
    return %c0_i32, %c0_i32_0 : i32, i32
  }
  func.func @transform_3(%arg0: i32) -> (i32, i32) {
    %c0_i32 = arith.constant 0 : i32
    %c0_i32_0 = arith.constant 0 : i32
    %c0_i32_1 = arith.constant 0 : i32
    return %c0_i32, %c0_i32_0 : i32, i32
  }
  func.func @transform_4(%arg0: i32) -> (i32, i32) {
    %c0_i32 = arith.constant 0 : i32
    %c0_i32_0 = arith.constant 0 : i32
    %c0_i32_1 = arith.constant 0 : i32
    return %c0_i32, %c0_i32_0 : i32, i32
  }
  func.func @transform_5(%arg0: i32) -> (i32, i32) {
    %c0_i32 = arith.constant 0 : i32
    %c0_i32_0 = arith.constant 0 : i32
    %c0_i32_1 = arith.constant 0 : i32
    return %c0_i32, %c0_i32_0 : i32, i32
  }
  func.func @transform_6(%arg0: i32) -> (i32, i32) {
    %c0_i32 = arith.constant 0 : i32
    %c0_i32_0 = arith.constant 0 : i32
    %c0_i32_1 = arith.constant 0 : i32
    return %c0_i32, %c0_i32_0 : i32, i32
  }
  func.func @transform_7(%arg0: i32) -> (i32, i32) {
    %c0_i32 = arith.constant 0 : i32
    %c0_i32_0 = arith.constant 0 : i32
    %c0_i32_1 = arith.constant 0 : i32
    return %c0_i32, %c0_i32_0 : i32, i32
  }
}

</mosaic_0001>

<sc_bundles>
// kernel: kernel.20.cloned.1.call-start
scs
__scs_entry_jumppad:
0x0: {  	(pc) =	sbr.rel $0x88, $3  }
0x1: {  	(tag) =	ssettag $0x0;
	lr =	simm.s32 $0x1  }
0x2: {  	[smem:$0x3F76] =	sst lr;
	_ =	strace $0xD0000000  }
0x3: {  	_ = 	snop  }
0x4: {  	_ = 	snop  }
0x5: {  	_ = 	snop  }
0x6: {  	_ = 	snop  }
0x7: {  	_ = 	snop  }
__scs_overlays_trampoline_lowered:
0x8: {  	[smem:$0x3F85] =	sst s0  }
0x9: {  	[smem:$0x3F86] =	sst s1  }
0xa: {  	[smem:$0x3F87] =	sst s2  }
0xb: {  	[smem:$0x3F88] =	sst s3  }
0xc: {  	[smem:$0x3F89] =	sst s4  }
0xd: {  	[smem:$0x3F8A] =	sst s5  }
0xe: {  	[smem:$0x3F8B] =	sst s6  }
0xf: {  	[smem:$0x3F8C] =	sst s7  }
0x10: {  	[smem:$0x3F8D] =	sst s8  }
0x11: {  	[smem:$0x3F8E] =	sst s9;
	s0 =	simm.s32 @!p0 $0x0  }
0x12: {  	s1 =	sld [smem:$0x3F74];
	s0 =	simm.s32 @p0 $0x1  }
0x13: {  	[smem:$0x3F8F] =	sst s0;
	s0 =	simm.s32 @!p1 $0x0  }
0x14: {  	s2 =	sld [smem:$0x3F73];
	s0 =	simm.s32 @p1 $0x1  }
0x15: {  	[smem:$0x3F90] =	sst s0;
	s0 =	simm.s32 @!p2 $0x0  }
0x16: {  	s3 =	sld [smem:$0x3FDB];
	s0 =	simm.s32 @p2 $0x1  }
0x17: {  	s4 =	simm.s32 $0x1BF5;
	[smem:$0x3F92] =	sst s0  }
0x18: {  	s0 =	sld [smem:$0x3F75];
	_ =	swait.ge [sflag:s4], $0x0  }
0x19: {  	s7 =	sld [smem:$0x3F76]  }
0x1a: {  	s8 =	sadd.s32 $0xFFFFE003, lr  }
0x1b: {  	s9 =	sadd.s32 $0xFFFFFEF7, lr;
	s5 =	simm.s32 $0xFFFFFFFF;
	p2 =	slt.u32 s8, $0xFFFFF086  }
0x1c: {  	p1 =	slt.u32 s9, $0xF7A;
	s5 =	simm.s32 @!p2 $0x0  }
0x1d: {  	s5 =	simm.s32 @p1 $0x1;
	p0 =	seq.s32 s7, s2  }
0x1e: {  	s7 =	smul.u32 @!p0 $0xF7A, s2;
	p2 =	seq.s32 @!p0 s5, $0x0  }
0x1f: {  	s9 =	smul.u32 $0xF7A, s1;
	s8 =	simm.s32 @!p0 $0x1BF5;
	p2 =	por !p2, p0  }
0x20: {  	[sflag:s8] =	ssyncset.s32 @!p0 $0xFFFFF086;
	s6 =	sadd.s32 @!p0 s3, s7;
	s7 =	simm.s32 @!p0 $0x108  }
0x21: {  	s3 =	sadd.s32 s3, s9;
	s6 =	sadd.s32 @!p0 $0x88, s6;
	s7 =	simm.s32 @p2 $0x1082  }
0x22: {  	[simem:s7], [sflag:s8] =	dma.local @!p0 [hbm:s6], $0xF7A  }
0x23: {  	s9 =	sor.u32 $0xD0000000, s2;
	s6 =	simm.s32 $0x108;
	_ =	swait.ge @!p0 [sflag:s8], $0x0  }
0x24: {  	s3 =	sadd.s32 $0x88, s3;
	s6 =	simm.s32 @!p1 $0x1082;
	[sflag:s4] =	ssyncset.s32 $0xFFFFF086  }
0x25: {  	[simem:s6], [sflag:s4] =	dma.local [hbm:s3], $0xF7A  }
0x26: {  	[smem:$0x3F76] =	sst s1;
	(tag) =	ssettag s2;
	_ =	strace s9  }
0x27: {  	s1 =	sld [smem:$0x3F86]  }
0x28: {  	s2 =	sld [smem:$0x3F87]  }
0x29: {  	s4 =	sld [smem:$0x3F89]  }
0x2a: {  	p0 =	seq.s32 s5, $0x0;
	s5 =	sld [smem:$0x3F8A]  }
0x2b: {  	s6 =	sld [smem:$0x3F8B]  }
0x2c: {  	s7 =	sld [smem:$0x3F8C]  }
0x2d: {  	s3 =	simm.s32 $0x108;
	s8 =	sld [smem:$0x3F8D]  }
0x2e: {  	s3 =	simm.s32 @!p0 $0x1082;
	s9 =	sld [smem:$0x3F8E]  }
0x2f: {  	lr =	sadd.s32 s0, s3;
	s0 =	sld [smem:$0x3F85]  }
0x30: {  	s3 =	sld [smem:$0x3F88]  }
0x31: {  	[smem:$0x3F91] =	sst s10  }
0x32: {  	s10 =	sld [smem:$0x3F8F];
	_ =	sdelay $0x3  }
0x33: {  	p0 =	seq.s32 s10, $0x1;
	s10 =	sld [smem:$0x3F91];
	_ =	sdelay $0x3  }
0x34: {  	[smem:$0x3F91] =	sst s10  }
0x35: {  	s10 =	sld [smem:$0x3F90];
	_ =	sdelay $0x3  }
0x36: {  	p1 =	seq.s32 s10, $0x1;
	s10 =	sld [smem:$0x3F91];
	_ =	sdelay $0x3  }
0x37: {  	[smem:$0x3F91] =	sst s10  }
0x38: {  	s10 =	sld [smem:$0x3F92]  }
0x39: {  	_ = 	snop;
	(pc) =	sbr.ind lr, $3  }
0x3a: {  	_ = 	snop  }
0x3b: {  	_ = 	snop  }
0x3c: {  	p2 =	seq.s32 s10, $0x1;
	s10 =	sld [smem:$0x3F91]  }
0x3d: {  	_ =	shalt  }
0x3e: {  	_ =	shalt  }
0x3f: {  	_ =	shalt  }
0x40: {  	_ =	shalt  }
0x41: {  	_ =	shalt  }
0x42: {  	_ =	shalt  }
0x43: {  	_ =	shalt  }
0x44: {  	_ =	shalt  }
0x45: {  	_ =	shalt  }
0x46: {  	_ =	shalt  }
0x47: {  	_ =	shalt  }
0x48: {  	_ =	shalt  }
0x49: {  	_ =	shalt  }
0x4a: {  	_ =	shalt  }
0x4b: {  	_ =	shalt  }
0x4c: {  	_ =	shalt  }
0x4d: {  	_ =	shalt  }
0x4e: {  	_ =	shalt  }
0x4f: {  	_ =	shalt  }
0x50: {  	_ =	shalt  }
0x51: {  	_ =	shalt  }
0x52: {  	_ =	shalt  }
0x53: {  	_ =	shalt  }
0x54: {  	_ =	shalt  }
0x55: {  	_ =	shalt  }
0x56: {  	_ =	shalt  }
0x57: {  	_ =	shalt  }
0x58: {  	_ =	shalt  }
0x59: {  	_ =	shalt  }
0x5a: {  	_ =	shalt  }
0x5b: {  	_ =	shalt  }
0x5c: {  	_ =	shalt  }
0x5d: {  	_ =	shalt  }
0x5e: {  	_ =	shalt  }
0x5f: {  	_ =	shalt  }
0x60: {  	_ =	shalt  }
0x61: {  	_ =	shalt  }
0x62: {  	_ =	shalt  }
0x63: {  	_ =	shalt  }
0x64: {  	_ =	shalt  }
0x65: {  	_ =	shalt  }
0x66: {  	_ =	shalt  }
0x67: {  	_ =	shalt  }
0x68: {  	_ =	shalt  }
0x69: {  	_ =	shalt  }
0x6a: {  	_ =	shalt  }
0x6b: {  	_ =	shalt  }
0x6c: {  	_ =	shalt  }
0x6d: {  	_ =	shalt  }
0x6e: {  	_ =	shalt  }
0x6f: {  	_ =	shalt  }
0x70: {  	_ =	shalt  }
0x71: {  	_ =	shalt  }
0x72: {  	_ =	shalt  }
0x73: {  	_ =	shalt  }
0x74: {  	_ =	shalt  }
0x75: {  	_ =	shalt  }
0x76: {  	_ =	shalt  }
0x77: {  	_ =	shalt  }
0x78: {  	_ =	shalt  }
0x79: {  	_ =	shalt  }
0x7a: {  	_ =	shalt  }
0x7b: {  	_ =	shalt  }
0x7c: {  	_ =	shalt  }
0x7d: {  	_ =	shalt  }
0x7e: {  	_ =	shalt  }
0x7f: {  	_ =	shalt  }
0x80: {  	_ =	shalt  }
0x81: {  	_ =	shalt  }
0x82: {  	_ =	shalt  }
0x83: {  	_ =	shalt  }
0x84: {  	_ =	shalt  }
0x85: {  	_ =	shalt  }
0x86: {  	_ =	shalt  }
0x87: {  	_ =	shalt  }
.Lfunc_end0:
.L_simem_size_0:
called_computation_lowered:
.L_overlay_start_0:
0x88: {  	s2 =	sld [smem:$0x3FD9]  }
0x89: {  	s3 =	sld [smem:$0x3FFE];
	_ =	sdelay $0x1  }
0x8a: {  	s1 =	srdreg.scid  }
0x8b: {  	s0 =	sand.u32 $0x1, s1  }
0x8c: {  	s16 =	sshll.u32 s0, $0xA;
	s2 =	sadd.s32 s3, s2  }
0x8d: {  	s2 =	sadd.s32 s2, s16  }
0x8e: {  	[smem:$0x3F9D] =	sst s2  }
0x8f: {  	_ = 	snop  }
0x90: {  	(tm) =	ssettm $0x1  }
0x91: {  	s17 =	sld [smem:$0x3FFB];
	_ =	sdelay $0x3  }
0x92: {  	_ =	strace s17  }
0x93: {  	s2 =	sld [smem:$0x3FFC];
	_ =	sdelay $0x3  }
0x94: {  	_ =	strace s2  }
0x95: {  	s2 =	sld [smem:$0x3FFD];
	_ =	sdelay $0x3  }
0x96: {  	_ =	strace s2  }
0x97: {  	_ =	strace $0x8FFFFFFF  }
0x98: {  	s18 =	sld [smem:$0x3FDB];
	_ =	sdelay $0x1  }
0x99: {  	s19 =	simm.s32 $_scs_section_size  }
0x9a: {  	s4 =	simm.s32 $_size__tile_overlayer_lowered;
	s5 =	simm.s32 $_tile_overlayer_lowered  }
0x9b: {  	s22 =	simm.s32 $0x1BFF;
	s21 =	sshll.u32 s5, $0x1;
	s2 =	sadd.s32 s19, s18  }
0x9c: {  	s6 =	simm.s32 $0x0;
	s20 =	sshll.u32 s4, $0x1;
	s4 =	sadd.s32 s21, s2  }
0x9d: {  	[timem:s6], [sflag:s22] =	dma.local [hbm:s4], s20  }
0x9e: {  	_ =	swait.ge [sflag:s22], s20  }
0x9f: {  	s3 =	ssub.s32 $0x0, s20;
	[sflag:s22] =	ssyncset.done $0x0  }
0xa0: {  	[sflag:s22] =	ssyncadd.s32 s3;
	_ =	sdelay $0x1  }
0xa1: {  	s23 =	simm.s32 $0x1B8B  }
0xa2: {  	_ =	swait.ge [sflag:s23], $0x1  }
0xa3: {  	[sflag:s23] =	ssyncset.done $0x0  }
0xa4: {  	s25 =	simm.s32 $0x1B8E;
	s24 =	sld [smem:$0x3FFE];
	[sflag:s23] =	ssyncadd.s32 $0xFFFFFFFF  }
0xa5: {  	s26 =	simm.s32 $execute0_lowered;
	[smem:$0x3FD2] =	sst s25  }
0xa6: {  	s4 =	sshll.u32 s26, $0x1;
	_ =	strace $0x80000046;
	[dreg:$0x1] =	wrdreg $0xFFFFFFFF  }
0xa7: {  	s28 =	simm.s32 $_size_execute0_lowered;
	s2 =	sadd.s32 s2, s4;
	[dreg:$0x0] =	wrdreg $0x0  }
0xa8: {  	s4 =	sshll.u32 s28, $0x1;
	[dreg:$0x2] =	wrdreg s2  }
0xa9: {  	[dreg:$0x3] =	wrdreg s4  }
0xaa: {  	[dreg:$0x4] =	wrdreg $0xC0  }
0xab: {  	_ =	task [dreg:s6], $0x5FFFF  }
0xac: {  	[dreg:$0x1] =	wrdreg $0xFFFFFFFF  }
0xad: {  	[dreg:$0x0] =	wrdreg $0x60  }
0xae: {  	[dreg:$0x2] =	wrdreg s24  }
0xaf: {  	[dreg:$0x3] =	wrdreg $0x9  }
0xb0: {  	_ =	task.clear_ibuf [dreg:s6], $0x4FFFF;
	_ =	strace $0x90000046  }
0xb1: {  	s29 =	simm.s32 $0x9;
	_ =	strace $0x80000048  }
0xb2: {  	_ =	swait.ge [sflag:s29], $0x1  }
0xb3: {  	[sflag:s29] =	ssyncadd.s32 $0xFFFFFFFF  }
0xb4: {  	_ =	strace $0x90000048  }
0xb5: {  	_ =	sfence  }
0xb6: {  	s30 =	sld [smem:$0x0];
	_ =	sdelay $0x2  }
0xb7: {  	s31 =	sshll.u32 s1, $0xD;
	s1 =	sshrl.u32 s1, $0x2  }
0xb8: {  	s3 =	sand.u32 $0x4000, s31;
	s1 =	sadd.s32 s1, s30  }
0xb9: {  	s0 =	sor.u32 s3, s0;
	s1 =	sshll.u32 s1, $0x11  }
0xba: {  	s0 =	sor.u32 s1, s0  }
0xbb: {  	s0 =	sadd.s32 $0x8F2B, s0  }
0xbc: {  	[sflag:s0] =	ssyncadd.remote.s32 $0x1  }
0xbd: {  	_ =	sfence.sel $0xFFFF  }
0xbe: {  	[dreg:$0x0] =	wrdreg $0xFFFFFFFF;
	(pc) =	sbr.abs _section_cstart, $3  }
0xbf: {  	[dreg:$0x1] =	wrdreg $0xFFFFFFFF  }
0xc0: {  	_ =	task.clear_ibuf [dreg:s6], $0x2FFFF;
	_ =	strace $0x9FFFFFFF  }
0xc1: {  	(tm) =	ssettm $0x7FFFFFFF  }
tec
execute0_lowered:
.L_overlay_start_1:
0x0: {  	(tag) =	ssettag $0x1  }
0x1: {  	s1 =	srdreg.scid  }
0x2: {  	s0 =	stileid.u32;
	s5 =	rddreg [dreg:$0x0];
	s2 =	simm.s32 $0x0  }
0x3: {  	s12 =	simm.s32 $0x5000;
	s13 =	simm.s32 $0x9000;
	s14 =	simm.s32 $0x1  }
0x4: {  	s15 =	simm.s32 $0x2;
	s16 =	simm.s32 $0x0;
	s7 =	smul.u32 $0x50000, s0  }
0x5: {  	s4 =	sand.u32 $0x1, s1;
	s1 =	rddreg [dreg:$0x1];
	s10 =	smul.u32 $0xFFFFFF60, s0  }
0x6: {  	s26 =	sshll.u32 s0, $0x1;
	[smem:$0x7FF] =	sst s2;
	s8 =	smul.u32 $0xFFFFFFB0, s4  }
0x7: {  	s3 =	sor.u32 s4, s26;
	s9 =	ssub.s32 $0x2, s4;
	s30 =	smul.u32 $0x28000, s4  }
0x8: {  	_ =	strace $0x80000047;
	s6 =	smul.u32 $0x500, s3;
	s28 =	sshrl.u32 s9, $0x1  }
0x9: {  	s3 =	sadd.s32 $0x44800, s5;
	s11 =	sadd.s32 s7, s5;
	s29 =	ssub.s32 s9, s28  }
0xa: {  	s8 =	sadd.s32 s10, s8;
	s9 =	sadd.s32 s30, s11;
	s10 =	simm.s32 $0x3  }
0xb: {  	s11 =	simm.s32 $0x80;
	s6 =	sadd.s32 s6, s5;
	s31 =	sadd.s32 $0x9C4, s8  }
0xc: {  	s7 =	smax.u32 s29, $0x1;
	s8 =	sadd.s32 $0x592C00, s9;
	s9 =	sadd.s32 $0x92C00, s9  }
0xd: {  	s4 =	sadd.s32 $0x9600, s6;
	s5 =	sadd.s32 $0x13600, s6;
	s6 =	smin.u32 s31, $0x50  }
.LBB2_1:
0xe: {  	[tilespmem:s2], [sflag:$0x3] =	stream.linear.gather [hbm4b:s4+s2], $0x2800, $0x38;
	[tilespmem:$0xD000] =	vst v63  }
0xf: {  	_ =	swait.ge [sflag:s10], $0x2800  }
0x10: {  	[sflag:s10] =	ssyncset.done $0x0  }
0x11: {  	s17 =	simm.s32 $0x2800;
	[sflag:s10] =	ssyncadd.s32 $0xFFFFD800  }
0x12: {  	[tilespmem:s17], [sflag:$0x3] =	stream.linear.gather [hbm4b:s5+s2], $0x2800, $0x38;
	[tilespmem:$0xD000] =	vst v63  }
0x13: {  	_ =	swait.ge [sflag:s10], $0x2800  }
0x14: {  	[sflag:s10] =	ssyncset.done $0x0  }
0x15: {  	[sflag:s10] =	ssyncadd.s32 $0xFFFFD800  }
0x16: {  	[tilespmem:s12], [sflag:$0x1] =	stream.indirect.gather [hbm4b:s3+s11], $0x80, s2, s11, $0xb8;
	[tilespmem:$0xD000] =	vst v63  }
0x17: {  	_ = 	snop  }
0x18: {  	[tilespmem:s13], [sflag:$0x2] =	stream.indirect.gather [hbm4b:s3+s11], $0x80, s17, s11, $0xb8;
	[tilespmem:$0xD000] =	vst v63  }
0x19: {  	_ =	swait.ge [sflag:s14], $0x4000  }
0x1a: {  	[sflag:s14] =	ssyncset.done $0x0  }
0x1b: {  	[sflag:s14] =	ssyncadd.s32 $0xFFFFC000  }
0x1c: {  	[hbm4b:s9+s2] =	stream.linear.scatter [tilespmem:s12], [sflag:$0x3], $0x4000, $0x38;
	[tilespmem:$0xD000] =	vst v63  }
0x1d: {  	_ =	swait.ge [sflag:s10], $0x4000  }
0x1e: {  	[sflag:s10] =	ssyncset.done $0x0  }
0x1f: {  	[sflag:s10] =	ssyncadd.s32 $0xFFFFC000  }
0x20: {  	p0 =	sne.s32 s6, $0x1;
	_ =	swait.ge [sflag:s15], $0x4000  }
.Ltmp0:
0x21: {  	[sflag:s15] =	ssyncset.done $0x0;
	(pc) =	sbr.rel @!p0 .LBB2_3-.Ltmp0, $4  }
0x22: {  	[sflag:s15] =	ssyncadd.s32 $0xFFFFC000  }
0x23: {  	[hbm4b:s8+s2] =	stream.linear.scatter [tilespmem:s13], [sflag:$0x3], $0x4000, $0x38;
	[tilespmem:$0xD000] =	vst v63  }
0x24: {  	s18 =	sadd.s32 $0xFFFFFFFF, s6;
	s19 =	sadd.s32 $0x800, s8;
	_ =	swait.ge [sflag:s10], $0x4000  }
0x25: {  	s20 =	sadd.s32 $0x800, s9;
	s21 =	simm.s32 $0x0;
	[sflag:s10] =	ssyncset.done $0x0  }
.LBB2_2:
0x26: {  	[sflag:s10] =	ssyncadd.s32 $0xFFFFC000;
	s21 =	sadd.s32 $0x80, s21;
	s17 =	sadd.s32 $0x80, s17  }
0x27: {  	[tilespmem:s12], [sflag:$0x1] =	stream.indirect.gather [hbm4b:s3+s11], $0x80, s21, s11, $0xb8;
	[tilespmem:$0xD000] =	vst v63  }
0x28: {  	p0 =	sne.s32 s18, $0x1;
	s18 =	sadd.s32 $0xFFFFFFFF, s18  }
0x29: {  	[tilespmem:s13], [sflag:$0x2] =	stream.indirect.gather [hbm4b:s3+s11], $0x80, s17, s11, $0xb8;
	[tilespmem:$0xD000] =	vst v63  }
0x2a: {  	_ =	swait.ge [sflag:s14], $0x4000  }
0x2b: {  	[sflag:s14] =	ssyncset.done $0x0  }
0x2c: {  	[sflag:s14] =	ssyncadd.s32 $0xFFFFC000  }
0x2d: {  	[hbm4b:s20+s2] =	stream.linear.scatter [tilespmem:s12], [sflag:$0x3], $0x4000, $0x38;
	[tilespmem:$0xD000] =	vst v63  }
0x2e: {  	_ =	swait.ge [sflag:s10], $0x4000  }
0x2f: {  	[sflag:s10] =	ssyncset.done $0x0  }
0x30: {  	[sflag:s10] =	ssyncadd.s32 $0xFFFFC000  }
0x31: {  	_ =	swait.ge [sflag:s15], $0x4000  }
.Ltmp1:
0x32: {  	[sflag:s15] =	ssyncset.done $0x0;
	(pc) =	sbr.rel @p0 .LBB2_2-.Ltmp1, $4  }
0x33: {  	[sflag:s15] =	ssyncadd.s32 $0xFFFFC000  }
0x34: {  	[hbm4b:s19+s2] =	stream.linear.scatter [tilespmem:s13], [sflag:$0x3], $0x4000, $0x38;
	[tilespmem:$0xD000] =	vst v63  }
0x35: {  	_ =	swait.ge [sflag:s10], $0x4000  }
0x36: {  	s20 =	sadd.s32 $0x800, s20;
	s19 =	sadd.s32 $0x800, s19;
	[sflag:s10] =	ssyncset.done $0x0  }
.LBB2_3:
0x37: {  	s16 =	sadd.s32 $0x1, s16  }
0x38: {  	p0 =	sne.s32 s16, s7  }
.Ltmp2:
0x39: {  	_ = 	snop;
	(pc) =	sbr.rel @p0 .LBB2_1-.Ltmp2, $2  }
0x3a: {  	_ =	sdelay $0x2  }
0x3b: {  	[sflag:s10] =	ssyncadd.s32 $0xFFFFC000  }
0x3c: {  	_ =	sfence.sel $0x180000  }
0x3d: {  	[bflag:$0x0] =	sbarrier.arrive $0xFFFF  }
0x3e: {  	p0 =	sne.s32 s0, $0x0;
	_ =	strace $0x90000047  }
0x3f: {  	s0 =	sadd.s32 @!p0 $0x100000, s1;
	[bflag:$0x2] =	sbarrier.arrive $0xFFFF  }
0x40: {  	[sflag:s0] =	ssyncadd.tile.s32 @!p0 $0x1;
	_ =	shalt  }
.Lfunc_end2:
_tile_overlayer_lowered:
.L_overlay_start_2:
0x41: {  	(tag) =	ssettag $0x2  }
0x42: {  	s0 =	rddreg [dreg:$0x0];
	s2 =	stileid.u32  }
0x43: {  	s1 =	rddreg [dreg:$0x1];
	p0 =	sne.s32 s2, $0x0  }
0x44: {  	s3 =	rddreg [dreg:$0x2];
	[bflag:$0x3] =	sbarrier.arrive $0xFFFF;
	s2 =	simm.s32 @!p0 $0x1C03  }
0x45: {  	[timem:s3], [sflag:s2] =	dma.local @!p0 [hbm:s0], s1  }
0x46: {  	s0 =	simm.s32 @!p0 $0x3  }
0x47: {  	_ =	swait.ge @!p0 [sflag:s0], s1  }
0x48: {  	s1 =	ssub.s32 @!p0 $0x0, s1;
	[sflag:s0] =	ssyncset.done @!p0 $0x0  }
0x49: {  	[sflag:s0] =	ssyncadd.s32 @!p0 s1  }
0x4a: {  	[bflag:$0x3] =	sbarrier.arrive $0xFFFF  }
0x4b: {  	_ =	shalt  }

// kernel: kernel.23.cloned.1.call-start
scs
__scs_entry_jumppad:
0x0: {  	(pc) =	sbr.rel $0x88, $3  }
0x1: {  	(tag) =	ssettag $0x0;
	lr =	simm.s32 $0x1  }
0x2: {  	[smem:$0x3F76] =	sst lr;
	_ =	strace $0xD0000000  }
0x3: {  	_ = 	snop  }
0x4: {  	_ = 	snop  }
0x5: {  	_ = 	snop  }
0x6: {  	_ = 	snop  }
0x7: {  	_ = 	snop  }
__scs_overlays_trampoline_lowered:
0x8: {  	[smem:$0x3F85] =	sst s0  }
0x9: {  	[smem:$0x3F86] =	sst s1  }
0xa: {  	[smem:$0x3F87] =	sst s2  }
0xb: {  	[smem:$0x3F88] =	sst s3  }
0xc: {  	[smem:$0x3F89] =	sst s4  }
0xd: {  	[smem:$0x3F8A] =	sst s5  }
0xe: {  	[smem:$0x3F8B] =	sst s6  }
0xf: {  	[smem:$0x3F8C] =	sst s7  }
0x10: {  	[smem:$0x3F8D] =	sst s8  }
0x11: {  	[smem:$0x3F8E] =	sst s9;
	s0 =	simm.s32 @!p0 $0x0  }
0x12: {  	s1 =	sld [smem:$0x3F74];
	s0 =	simm.s32 @p0 $0x1  }
0x13: {  	[smem:$0x3F8F] =	sst s0;
	s0 =	simm.s32 @!p1 $0x0  }
0x14: {  	s2 =	sld [smem:$0x3F73];
	s0 =	simm.s32 @p1 $0x1  }
0x15: {  	[smem:$0x3F90] =	sst s0;
	s0 =	simm.s32 @!p2 $0x0  }
0x16: {  	s3 =	sld [smem:$0x3FDB];
	s0 =	simm.s32 @p2 $0x1  }
0x17: {  	s4 =	simm.s32 $0x1BF5;
	[smem:$0x3F92] =	sst s0  }
0x18: {  	s0 =	sld [smem:$0x3F75];
	_ =	swait.ge [sflag:s4], $0x0  }
0x19: {  	s7 =	sld [smem:$0x3F76]  }
0x1a: {  	s8 =	sadd.s32 $0xFFFFE003, lr  }
0x1b: {  	s9 =	sadd.s32 $0xFFFFFEF7, lr;
	s5 =	simm.s32 $0xFFFFFFFF;
	p2 =	slt.u32 s8, $0xFFFFF086  }
0x1c: {  	p1 =	slt.u32 s9, $0xF7A;
	s5 =	simm.s32 @!p2 $0x0  }
0x1d: {  	s5 =	simm.s32 @p1 $0x1;
	p0 =	seq.s32 s7, s2  }
0x1e: {  	s7 =	smul.u32 @!p0 $0xF7A, s2;
	p2 =	seq.s32 @!p0 s5, $0x0  }
0x1f: {  	s9 =	smul.u32 $0xF7A, s1;
	s8 =	simm.s32 @!p0 $0x1BF5;
	p2 =	por !p2, p0  }
0x20: {  	[sflag:s8] =	ssyncset.s32 @!p0 $0xFFFFF086;
	s6 =	sadd.s32 @!p0 s3, s7;
	s7 =	simm.s32 @!p0 $0x108  }
0x21: {  	s3 =	sadd.s32 s3, s9;
	s6 =	sadd.s32 @!p0 $0x88, s6;
	s7 =	simm.s32 @p2 $0x1082  }
0x22: {  	[simem:s7], [sflag:s8] =	dma.local @!p0 [hbm:s6], $0xF7A  }
0x23: {  	s9 =	sor.u32 $0xD0000000, s2;
	s6 =	simm.s32 $0x108;
	_ =	swait.ge @!p0 [sflag:s8], $0x0  }
0x24: {  	s3 =	sadd.s32 $0x88, s3;
	s6 =	simm.s32 @!p1 $0x1082;
	[sflag:s4] =	ssyncset.s32 $0xFFFFF086  }
0x25: {  	[simem:s6], [sflag:s4] =	dma.local [hbm:s3], $0xF7A  }
0x26: {  	[smem:$0x3F76] =	sst s1;
	(tag) =	ssettag s2;
	_ =	strace s9  }
0x27: {  	s1 =	sld [smem:$0x3F86]  }
0x28: {  	s2 =	sld [smem:$0x3F87]  }
0x29: {  	s4 =	sld [smem:$0x3F89]  }
0x2a: {  	p0 =	seq.s32 s5, $0x0;
	s5 =	sld [smem:$0x3F8A]  }
0x2b: {  	s6 =	sld [smem:$0x3F8B]  }
0x2c: {  	s7 =	sld [smem:$0x3F8C]  }
0x2d: {  	s3 =	simm.s32 $0x108;
	s8 =	sld [smem:$0x3F8D]  }
0x2e: {  	s3 =	simm.s32 @!p0 $0x1082;
	s9 =	sld [smem:$0x3F8E]  }
0x2f: {  	lr =	sadd.s32 s0, s3;
	s0 =	sld [smem:$0x3F85]  }
0x30: {  	s3 =	sld [smem:$0x3F88]  }
0x31: {  	[smem:$0x3F91] =	sst s10  }
0x32: {  	s10 =	sld [smem:$0x3F8F];
	_ =	sdelay $0x3  }
0x33: {  	p0 =	seq.s32 s10, $0x1;
	s10 =	sld [smem:$0x3F91];
	_ =	sdelay $0x3  }
0x34: {  	[smem:$0x3F91] =	sst s10  }
0x35: {  	s10 =	sld [smem:$0x3F90];
	_ =	sdelay $0x3  }
0x36: {  	p1 =	seq.s32 s10, $0x1;
	s10 =	sld [smem:$0x3F91];
	_ =	sdelay $0x3  }
0x37: {  	[smem:$0x3F91] =	sst s10  }
0x38: {  	s10 =	sld [smem:$0x3F92]  }
0x39: {  	_ = 	snop;
	(pc) =	sbr.ind lr, $3  }
0x3a: {  	_ = 	snop  }
0x3b: {  	_ = 	snop  }
0x3c: {  	p2 =	seq.s32 s10, $0x1;
	s10 =	sld [smem:$0x3F91]  }
0x3d: {  	_ =	shalt  }
0x3e: {  	_ =	shalt  }
0x3f: {  	_ =	shalt  }
0x40: {  	_ =	shalt  }
0x41: {  	_ =	shalt  }
0x42: {  	_ =	shalt  }
0x43: {  	_ =	shalt  }
0x44: {  	_ =	shalt  }
0x45: {  	_ =	shalt  }
0x46: {  	_ =	shalt  }
0x47: {  	_ =	shalt  }
0x48: {  	_ =	shalt  }
0x49: {  	_ =	shalt  }
0x4a: {  	_ =	shalt  }
0x4b: {  	_ =	shalt  }
0x4c: {  	_ =	shalt  }
0x4d: {  	_ =	shalt  }
0x4e: {  	_ =	shalt  }
0x4f: {  	_ =	shalt  }
0x50: {  	_ =	shalt  }
0x51: {  	_ =	shalt  }
0x52: {  	_ =	shalt  }
0x53: {  	_ =	shalt  }
0x54: {  	_ =	shalt  }
0x55: {  	_ =	shalt  }
0x56: {  	_ =	shalt  }
0x57: {  	_ =	shalt  }
0x58: {  	_ =	shalt  }
0x59: {  	_ =	shalt  }
0x5a: {  	_ =	shalt  }
0x5b: {  	_ =	shalt  }
0x5c: {  	_ =	shalt  }
0x5d: {  	_ =	shalt  }
0x5e: {  	_ =	shalt  }
0x5f: {  	_ =	shalt  }
0x60: {  	_ =	shalt  }
0x61: {  	_ =	shalt  }
0x62: {  	_ =	shalt  }
0x63: {  	_ =	shalt  }
0x64: {  	_ =	shalt  }
0x65: {  	_ =	shalt  }
0x66: {  	_ =	shalt  }
0x67: {  	_ =	shalt  }
0x68: {  	_ =	shalt  }
0x69: {  	_ =	shalt  }
0x6a: {  	_ =	shalt  }
0x6b: {  	_ =	shalt  }
0x6c: {  	_ =	shalt  }
0x6d: {  	_ =	shalt  }
0x6e: {  	_ =	shalt  }
0x6f: {  	_ =	shalt  }
0x70: {  	_ =	shalt  }
0x71: {  	_ =	shalt  }
0x72: {  	_ =	shalt  }
0x73: {  	_ =	shalt  }
0x74: {  	_ =	shalt  }
0x75: {  	_ =	shalt  }
0x76: {  	_ =	shalt  }
0x77: {  	_ =	shalt  }
0x78: {  	_ =	shalt  }
0x79: {  	_ =	shalt  }
0x7a: {  	_ =	shalt  }
0x7b: {  	_ =	shalt  }
0x7c: {  	_ =	shalt  }
0x7d: {  	_ =	shalt  }
0x7e: {  	_ =	shalt  }
0x7f: {  	_ =	shalt  }
0x80: {  	_ =	shalt  }
0x81: {  	_ =	shalt  }
0x82: {  	_ =	shalt  }
0x83: {  	_ =	shalt  }
0x84: {  	_ =	shalt  }
0x85: {  	_ =	shalt  }
0x86: {  	_ =	shalt  }
0x87: {  	_ =	shalt  }
.Lfunc_end0:
.L_simem_size_0:
called_computation.1_lowered:
.L_overlay_start_0:
0x88: {  	s2 =	sld [smem:$0x3FD9]  }
0x89: {  	s3 =	sld [smem:$0x3FFE];
	_ =	sdelay $0x1  }
0x8a: {  	s1 =	srdreg.scid  }
0x8b: {  	s0 =	sand.u32 $0x1, s1  }
0x8c: {  	s16 =	sshll.u32 s0, $0xA;
	s2 =	sadd.s32 s3, s2  }
0x8d: {  	s2 =	sadd.s32 s2, s16  }
0x8e: {  	[smem:$0x3F9D] =	sst s2  }
0x8f: {  	_ = 	snop  }
0x90: {  	(tm) =	ssettm $0x1  }
0x91: {  	s17 =	sld [smem:$0x3FFB];
	_ =	sdelay $0x3  }
0x92: {  	_ =	strace s17  }
0x93: {  	s2 =	sld [smem:$0x3FFC];
	_ =	sdelay $0x3  }
0x94: {  	_ =	strace s2  }
0x95: {  	s2 =	sld [smem:$0x3FFD];
	_ =	sdelay $0x3  }
0x96: {  	_ =	strace s2  }
0x97: {  	_ =	strace $0x8FFFFFFF  }
0x98: {  	s18 =	sld [smem:$0x3FDB];
	_ =	sdelay $0x1  }
0x99: {  	s19 =	simm.s32 $_scs_section_size  }
0x9a: {  	s4 =	simm.s32 $_size__tile_overlayer_lowered;
	s5 =	simm.s32 $_tile_overlayer_lowered  }
0x9b: {  	s22 =	simm.s32 $0x1BFF;
	s21 =	sshll.u32 s5, $0x1;
	s2 =	sadd.s32 s19, s18  }
0x9c: {  	s6 =	simm.s32 $0x0;
	s20 =	sshll.u32 s4, $0x1;
	s4 =	sadd.s32 s21, s2  }
0x9d: {  	[timem:s6], [sflag:s22] =	dma.local [hbm:s4], s20  }
0x9e: {  	_ =	swait.ge [sflag:s22], s20  }
0x9f: {  	s3 =	ssub.s32 $0x0, s20;
	[sflag:s22] =	ssyncset.done $0x0  }
0xa0: {  	[sflag:s22] =	ssyncadd.s32 s3;
	_ =	sdelay $0x1  }
0xa1: {  	s23 =	simm.s32 $0x1B8B  }
0xa2: {  	_ =	swait.ge [sflag:s23], $0x1  }
0xa3: {  	[sflag:s23] =	ssyncset.done $0x0  }
0xa4: {  	s25 =	simm.s32 $0x1B8E;
	s24 =	sld [smem:$0x3FFE];
	[sflag:s23] =	ssyncadd.s32 $0xFFFFFFFF  }
0xa5: {  	s26 =	simm.s32 $execute0_lowered;
	[smem:$0x3FD2] =	sst s25  }
0xa6: {  	s4 =	sshll.u32 s26, $0x1;
	_ =	strace $0x80000049;
	[dreg:$0x1] =	wrdreg $0xFFFFFFFF  }
0xa7: {  	s28 =	simm.s32 $_size_execute0_lowered;
	s2 =	sadd.s32 s2, s4;
	[dreg:$0x0] =	wrdreg $0x0  }
0xa8: {  	s4 =	sshll.u32 s28, $0x1;
	[dreg:$0x2] =	wrdreg s2  }
0xa9: {  	[dreg:$0x3] =	wrdreg s4  }
0xaa: {  	[dreg:$0x4] =	wrdreg $0xC0  }
0xab: {  	_ =	task [dreg:s6], $0x5FFFF  }
0xac: {  	[dreg:$0x1] =	wrdreg $0xFFFFFFFF  }
0xad: {  	[dreg:$0x0] =	wrdreg $0x60  }
0xae: {  	[dreg:$0x2] =	wrdreg s24  }
0xaf: {  	[dreg:$0x3] =	wrdreg $0x68000  }
0xb0: {  	[dreg:$0x4] =	wrdreg $0x9  }
0xb1: {  	_ =	task.clear_ibuf [dreg:s6], $0x5FFFF;
	_ =	strace $0x90000049  }
0xb2: {  	s29 =	simm.s32 $0x9;
	_ =	strace $0x8000004B  }
0xb3: {  	_ =	swait.ge [sflag:s29], $0x1  }
0xb4: {  	[sflag:s29] =	ssyncadd.s32 $0xFFFFFFFF  }
0xb5: {  	_ =	strace $0x9000004B  }
0xb6: {  	_ =	sfence  }
0xb7: {  	s30 =	sld [smem:$0x0];
	_ =	sdelay $0x2  }
0xb8: {  	s31 =	sshll.u32 s1, $0xD;
	s1 =	sshrl.u32 s1, $0x2  }
0xb9: {  	s3 =	sand.u32 $0x4000, s31;
	s1 =	sadd.s32 s1, s30  }
0xba: {  	s0 =	sor.u32 s3, s0;
	s1 =	sshll.u32 s1, $0x11  }
0xbb: {  	s0 =	sor.u32 s1, s0  }
0xbc: {  	s0 =	sadd.s32 $0x8F2B, s0  }
0xbd: {  	[sflag:s0] =	ssyncadd.remote.s32 $0x1  }
0xbe: {  	_ =	sfence.sel $0xFFFF  }
0xbf: {  	[dreg:$0x0] =	wrdreg $0xFFFFFFFF;
	(pc) =	sbr.abs _section_cstart, $3  }
0xc0: {  	[dreg:$0x1] =	wrdreg $0xFFFFFFFF  }
0xc1: {  	_ =	task.clear_ibuf [dreg:s6], $0x2FFFF;
	_ =	strace $0x9FFFFFFF  }
0xc2: {  	(tm) =	ssettm $0x7FFFFFFF  }
0xc3: {  	_ =	shalt  }
tec
execute0_lowered:
.L_overlay_start_1:
0x0: {  	(tag) =	ssettag $0x1  }
0x1: {  	s0 =	stileid.u32  }
0x2: {  	s1 =	srdreg.scid;
	s5 =	smul.u32 $0x50000, s0  }
0x3: {  	s4 =	rddreg [dreg:$0x0];
	s8 =	smul.u32 $0x13C00, s0  }
0x4: {  	s2 =	rddreg [dreg:$0x1];
	s3 =	simm.s32 $0x0;
	s11 =	smul.u32 $0x4F000, s0  }
0x5: {  	s14 =	simm.s32 $0x80;
	s6 =	sand.u32 $0x1, s1;
	s28 =	smul.u32 $0xFFFFFF60, s0  }
0x6: {  	s15 =	simm.s32 $0x0;
	s22 =	sshll.u32 s0, $0x1;
	s9 =	smul.u32 $0x13C000, s6  }
0x7: {  	[smem:$0x7FF] =	sst s3;
	s29 =	sshll.u32 s0, $0x6;
	s12 =	smul.u32 $0xFFFFFFB0, s6  }
0x8: {  	s1 =	sor.u32 s6, s22;
	s24 =	ssub.s32 $0x2, s6;
	s30 =	smul.u32 $0x28000, s6  }
0x9: {  	s7 =	smul.u32 $0x500, s1;
	s1 =	rddreg [dreg:$0x2];
	_ =	strace $0x8000004A  }
0xa: {  	s10 =	sadd.s32 s5, s4;
	s23 =	sshrl.u32 s8, $0x3;
	s25 =	sshrl.u32 s24, $0x1  }
0xb: {  	s26 =	sshrl.u32 s11, $0x2;
	s5 =	sadd.s32 s23, s4;
	s8 =	sadd.s32 s8, s9  }
0xc: {  	s9 =	ssub.s32 s24, s25;
	s13 =	sadd.s32 s26, s2;
	s11 =	sadd.s32 s28, s12  }
0xd: {  	s10 =	sadd.s32 s30, s10;
	s12 =	simm.s32 $0x1;
	s7 =	sadd.s32 s7, s4  }
0xe: {  	s8 =	sshrl.u32 s8, $0x3;
	s31 =	sadd.s32 $0x9C4, s11;
	s9 =	smax.u32 s9, $0x1  }
0xf: {  	s10 =	sadd.s32 $0xA92C00, s10;
	s11 =	sshrl.u32 s13, $0x3;
	s13 =	simm.s32 $0x2800  }
0x10: {  	s8 =	sadd.s32 s8, s4;
	s4 =	sadd.s32 $0x92C00, s5;
	s5 =	sor.u32 $0x1C01, s29  }
0x11: {  	s6 =	sadd.s32 $0x9600, s7;
	s7 =	sadd.s32 $0xBA400, s8;
	s8 =	smin.u32 s31, $0x50  }
.LBB2_1:
0x12: {  	[spmem:s11], [sflag:s5] =	dma.local [hbm:s4], $0x2780  }
0x13: {  	_ =	swait.ge [sflag:s12], $0x2780  }
0x14: {  	[sflag:s12] =	ssyncset.done $0x0  }
0x15: {  	[sflag:s12] =	ssyncadd.s32 $0xFFFFD880  }
0x16: {  	[tilespmem:s3], [sflag:$0x1] =	stream.linear.gather [hbm4b:s6+s3], $0x2800, $0x38;
	[tilespmem:$0x1A400] =	vst v63  }
0x17: {  	_ =	swait.ge [sflag:s12], $0x2800  }
0x18: {  	[sflag:s12] =	ssyncset.done $0x0  }
0x19: {  	[sflag:s12] =	ssyncadd.s32 $0xFFFFD800  }
0x1a: {  	[bflag:$0x0] =	sbarrier.arrive $0xFFFF  }
0x1b: {  	[tilespmem:s13], [sflag:$0x1] =	stream.linear.gather [hbm4b:s10+s3], $0x4000, $0x38;
	[tilespmem:$0x1A400] =	vst v63  }
0x1c: {  	p0 =	sne.s32 s8, $0x1;
	_ =	swait.ge [sflag:s12], $0x4000  }
.Ltmp0:
0x1d: {  	[sflag:s12] =	ssyncset.done $0x0;
	(pc) =	sbr.rel @!p0 .LBB2_3-.Ltmp0, $4  }
0x1e: {  	[sflag:s12] =	ssyncadd.s32 $0xFFFFC000  }
0x1f: {  	[spmem:s2] =	stream.indirect.scatter.add.f32 [tilespmem:s13], [sflag:$0x1], $0x80, s3, s14, $0xb8;
	[tilespmem:$0x1A400] =	vst v63  }
0x20: {  	s16 =	sadd.s32 $0xFFFFFFFF, s8;
	_ =	swait.ge [sflag:s12], $0x4000  }
0x21: {  	s17 =	simm.s32 $0x0;
	s18 =	smov.u32 s10;
	[sflag:s12] =	ssyncset.done $0x0  }
.LBB2_2:
0x22: {  	[sflag:s12] =	ssyncadd.s32 $0xFFFFC000;
	s17 =	sadd.s32 $0x80, s17;
	s18 =	sadd.s32 $0x800, s18  }
0x23: {  	[tilespmem:s13], [sflag:$0x1] =	stream.linear.gather [hbm4b:s18+s3], $0x4000, $0x38;
	[tilespmem:$0x1A400] =	vst v63  }
0x24: {  	p0 =	sne.s32 s16, $0x1;
	s16 =	sadd.s32 $0xFFFFFFFF, s16;
	_ =	swait.ge [sflag:s12], $0x4000  }
.Ltmp1:
0x25: {  	[sflag:s12] =	ssyncset.done $0x0;
	(pc) =	sbr.rel @p0 .LBB2_2-.Ltmp1, $4  }
0x26: {  	[sflag:s12] =	ssyncadd.s32 $0xFFFFC000  }
0x27: {  	[spmem:s2] =	stream.indirect.scatter.add.f32 [tilespmem:s13], [sflag:$0x1], $0x80, s17, s14, $0xb8;
	[tilespmem:$0x1A400] =	vst v63  }
0x28: {  	_ =	swait.ge [sflag:s12], $0x4000  }
0x29: {  	[sflag:s12] =	ssyncset.done $0x0  }
.LBB2_3:
0x2a: {  	s15 =	sadd.s32 $0x1, s15  }
0x2b: {  	[sflag:s12] =	ssyncadd.s32 $0xFFFFC000;
	p0 =	sne.s32 s15, s9  }
.Ltmp2:
0x2c: {  	[bflag:$0x0] =	sbarrier.arrive $0xFFFF;
	(pc) =	sbr.rel @p0 .LBB2_1-.Ltmp2, $4  }
0x2d: {  	[hbm:s7], [sflag:s5] =	dma.local [spmem:s11], $0x2780  }
0x2e: {  	_ =	swait.ge [sflag:s12], $0x2780  }
0x2f: {  	[sflag:s12] =	ssyncset.done $0x0  }
0x30: {  	[sflag:s12] =	ssyncadd.s32 $0xFFFFD880  }
0x31: {  	_ =	sfence.sel $0x180000  }
0x32: {  	[bflag:$0x0] =	sbarrier.arrive $0xFFFF  }
0x33: {  	p0 =	sne.s32 s0, $0x0;
	_ =	strace $0x9000004A  }
0x34: {  	s0 =	sadd.s32 @!p0 $0x100000, s1;
	[bflag:$0x2] =	sbarrier.arrive $0xFFFF  }
0x35: {  	[sflag:s0] =	ssyncadd.tile.s32 @!p0 $0x1;
	_ =	shalt  }
.Lfunc_end2:
_tile_overlayer_lowered:
.L_overlay_start_2:
0x36: {  	(tag) =	ssettag $0x2  }
0x37: {  	s0 =	rddreg [dreg:$0x0];
	s2 =	stileid.u32  }
0x38: {  	s1 =	rddreg [dreg:$0x1];
	p0 =	sne.s32 s2, $0x0  }
0x39: {  	s3 =	rddreg [dreg:$0x2];
	[bflag:$0x3] =	sbarrier.arrive $0xFFFF;
	s2 =	simm.s32 @!p0 $0x1C01  }
0x3a: {  	[timem:s3], [sflag:s2] =	dma.local @!p0 [hbm:s0], s1  }
0x3b: {  	s0 =	simm.s32 @!p0 $0x1  }
0x3c: {  	_ =	swait.ge @!p0 [sflag:s0], s1  }
0x3d: {  	s1 =	ssub.s32 @!p0 $0x0, s1;
	[sflag:s0] =	ssyncset.done @!p0 $0x0  }
0x3e: {  	[sflag:s0] =	ssyncadd.s32 @!p0 s1  }
0x3f: {  	[bflag:$0x3] =	sbarrier.arrive $0xFFFF  }
0x40: {  	_ =	shalt  }

// kernel: kernel.26.cloned.1.call-start
scs
__scs_entry_jumppad:
0x0: {  	(pc) =	sbr.rel $0x88, $3  }
0x1: {  	(tag) =	ssettag $0x0;
	lr =	simm.s32 $0x1  }
0x2: {  	[smem:$0x3F76] =	sst lr;
	_ =	strace $0xD0000000  }
0x3: {  	_ = 	snop  }
0x4: {  	_ = 	snop  }
0x5: {  	_ = 	snop  }
0x6: {  	_ = 	snop  }
0x7: {  	_ = 	snop  }
__scs_overlays_trampoline_lowered:
0x8: {  	[smem:$0x3F85] =	sst s0  }
0x9: {  	[smem:$0x3F86] =	sst s1  }
0xa: {  	[smem:$0x3F87] =	sst s2  }
0xb: {  	[smem:$0x3F88] =	sst s3  }
0xc: {  	[smem:$0x3F89] =	sst s4  }
0xd: {  	[smem:$0x3F8A] =	sst s5  }
0xe: {  	[smem:$0x3F8B] =	sst s6  }
0xf: {  	[smem:$0x3F8C] =	sst s7  }
0x10: {  	[smem:$0x3F8D] =	sst s8  }
0x11: {  	[smem:$0x3F8E] =	sst s9;
	s0 =	simm.s32 @!p0 $0x0  }
0x12: {  	s1 =	sld [smem:$0x3F74];
	s0 =	simm.s32 @p0 $0x1  }
0x13: {  	[smem:$0x3F8F] =	sst s0;
	s0 =	simm.s32 @!p1 $0x0  }
0x14: {  	s2 =	sld [smem:$0x3F73];
	s0 =	simm.s32 @p1 $0x1  }
0x15: {  	[smem:$0x3F90] =	sst s0;
	s0 =	simm.s32 @!p2 $0x0  }
0x16: {  	s3 =	sld [smem:$0x3FDB];
	s0 =	simm.s32 @p2 $0x1  }
0x17: {  	s4 =	simm.s32 $0x1BF5;
	[smem:$0x3F92] =	sst s0  }
0x18: {  	s0 =	sld [smem:$0x3F75];
	_ =	swait.ge [sflag:s4], $0x0  }
0x19: {  	s7 =	sld [smem:$0x3F76]  }
0x1a: {  	s8 =	sadd.s32 $0xFFFFE003, lr  }
0x1b: {  	s9 =	sadd.s32 $0xFFFFFEF7, lr;
	s5 =	simm.s32 $0xFFFFFFFF;
	p2 =	slt.u32 s8, $0xFFFFF086  }
0x1c: {  	p1 =	slt.u32 s9, $0xF7A;
	s5 =	simm.s32 @!p2 $0x0  }
0x1d: {  	s5 =	simm.s32 @p1 $0x1;
	p0 =	seq.s32 s7, s2  }
0x1e: {  	s7 =	smul.u32 @!p0 $0xF7A, s2;
	p2 =	seq.s32 @!p0 s5, $0x0  }
0x1f: {  	s9 =	smul.u32 $0xF7A, s1;
	s8 =	simm.s32 @!p0 $0x1BF5;
	p2 =	por !p2, p0  }
0x20: {  	[sflag:s8] =	ssyncset.s32 @!p0 $0xFFFFF086;
	s6 =	sadd.s32 @!p0 s3, s7;
	s7 =	simm.s32 @!p0 $0x108  }
0x21: {  	s3 =	sadd.s32 s3, s9;
	s6 =	sadd.s32 @!p0 $0x88, s6;
	s7 =	simm.s32 @p2 $0x1082  }
0x22: {  	[simem:s7], [sflag:s8] =	dma.local @!p0 [hbm:s6], $0xF7A  }
0x23: {  	s9 =	sor.u32 $0xD0000000, s2;
	s6 =	simm.s32 $0x108;
	_ =	swait.ge @!p0 [sflag:s8], $0x0  }
0x24: {  	s3 =	sadd.s32 $0x88, s3;
	s6 =	simm.s32 @!p1 $0x1082;
	[sflag:s4] =	ssyncset.s32 $0xFFFFF086  }
0x25: {  	[simem:s6], [sflag:s4] =	dma.local [hbm:s3], $0xF7A  }
0x26: {  	[smem:$0x3F76] =	sst s1;
	(tag) =	ssettag s2;
	_ =	strace s9  }
0x27: {  	s1 =	sld [smem:$0x3F86]  }
0x28: {  	s2 =	sld [smem:$0x3F87]  }
0x29: {  	s4 =	sld [smem:$0x3F89]  }
0x2a: {  	p0 =	seq.s32 s5, $0x0;
	s5 =	sld [smem:$0x3F8A]  }
0x2b: {  	s6 =	sld [smem:$0x3F8B]  }
0x2c: {  	s7 =	sld [smem:$0x3F8C]  }
0x2d: {  	s3 =	simm.s32 $0x108;
	s8 =	sld [smem:$0x3F8D]  }
0x2e: {  	s3 =	simm.s32 @!p0 $0x1082;
	s9 =	sld [smem:$0x3F8E]  }
0x2f: {  	lr =	sadd.s32 s0, s3;
	s0 =	sld [smem:$0x3F85]  }
0x30: {  	s3 =	sld [smem:$0x3F88]  }
0x31: {  	[smem:$0x3F91] =	sst s10  }
0x32: {  	s10 =	sld [smem:$0x3F8F];
	_ =	sdelay $0x3  }
0x33: {  	p0 =	seq.s32 s10, $0x1;
	s10 =	sld [smem:$0x3F91];
	_ =	sdelay $0x3  }
0x34: {  	[smem:$0x3F91] =	sst s10  }
0x35: {  	s10 =	sld [smem:$0x3F90];
	_ =	sdelay $0x3  }
0x36: {  	p1 =	seq.s32 s10, $0x1;
	s10 =	sld [smem:$0x3F91];
	_ =	sdelay $0x3  }
0x37: {  	[smem:$0x3F91] =	sst s10  }
0x38: {  	s10 =	sld [smem:$0x3F92]  }
0x39: {  	_ = 	snop;
	(pc) =	sbr.ind lr, $3  }
0x3a: {  	_ = 	snop  }
0x3b: {  	_ = 	snop  }
0x3c: {  	p2 =	seq.s32 s10, $0x1;
	s10 =	sld [smem:$0x3F91]  }
0x3d: {  	_ =	shalt  }
0x3e: {  	_ =	shalt  }
0x3f: {  	_ =	shalt  }
0x40: {  	_ =	shalt  }
0x41: {  	_ =	shalt  }
0x42: {  	_ =	shalt  }
0x43: {  	_ =	shalt  }
0x44: {  	_ =	shalt  }
0x45: {  	_ =	shalt  }
0x46: {  	_ =	shalt  }
0x47: {  	_ =	shalt  }
0x48: {  	_ =	shalt  }
0x49: {  	_ =	shalt  }
0x4a: {  	_ =	shalt  }
0x4b: {  	_ =	shalt  }
0x4c: {  	_ =	shalt  }
0x4d: {  	_ =	shalt  }
0x4e: {  	_ =	shalt  }
0x4f: {  	_ =	shalt  }
0x50: {  	_ =	shalt  }
0x51: {  	_ =	shalt  }
0x52: {  	_ =	shalt  }
0x53: {  	_ =	shalt  }
0x54: {  	_ =	shalt  }
0x55: {  	_ =	shalt  }
0x56: {  	_ =	shalt  }
0x57: {  	_ =	shalt  }
0x58: {  	_ =	shalt  }
0x59: {  	_ =	shalt  }
0x5a: {  	_ =	shalt  }
0x5b: {  	_ =	shalt  }
0x5c: {  	_ =	shalt  }
0x5d: {  	_ =	shalt  }
0x5e: {  	_ =	shalt  }
0x5f: {  	_ =	shalt  }
0x60: {  	_ =	shalt  }
0x61: {  	_ =	shalt  }
0x62: {  	_ =	shalt  }
0x63: {  	_ =	shalt  }
0x64: {  	_ =	shalt  }
0x65: {  	_ =	shalt  }
0x66: {  	_ =	shalt  }
0x67: {  	_ =	shalt  }
0x68: {  	_ =	shalt  }
0x69: {  	_ =	shalt  }
0x6a: {  	_ =	shalt  }
0x6b: {  	_ =	shalt  }
0x6c: {  	_ =	shalt  }
0x6d: {  	_ =	shalt  }
0x6e: {  	_ =	shalt  }
0x6f: {  	_ =	shalt  }
0x70: {  	_ =	shalt  }
0x71: {  	_ =	shalt  }
0x72: {  	_ =	shalt  }
0x73: {  	_ =	shalt  }
0x74: {  	_ =	shalt  }
0x75: {  	_ =	shalt  }
0x76: {  	_ =	shalt  }
0x77: {  	_ =	shalt  }
0x78: {  	_ =	shalt  }
0x79: {  	_ =	shalt  }
0x7a: {  	_ =	shalt  }
0x7b: {  	_ =	shalt  }
0x7c: {  	_ =	shalt  }
0x7d: {  	_ =	shalt  }
0x7e: {  	_ =	shalt  }
0x7f: {  	_ =	shalt  }
0x80: {  	_ =	shalt  }
0x81: {  	_ =	shalt  }
0x82: {  	_ =	shalt  }
0x83: {  	_ =	shalt  }
0x84: {  	_ =	shalt  }
0x85: {  	_ =	shalt  }
0x86: {  	_ =	shalt  }
0x87: {  	_ =	shalt  }
.Lfunc_end0:
.L_simem_size_0:
called_computation.2_lowered:
.L_overlay_start_0:
0x88: {  	s2 =	sld [smem:$0x3FD9]  }
0x89: {  	s3 =	sld [smem:$0x3FFE];
	_ =	sdelay $0x1  }
0x8a: {  	s1 =	srdreg.scid  }
0x8b: {  	s0 =	sand.u32 $0x1, s1  }
0x8c: {  	s16 =	sshll.u32 s0, $0xA;
	s2 =	sadd.s32 s3, s2  }
0x8d: {  	s2 =	sadd.s32 s2, s16  }
0x8e: {  	[smem:$0x3F9D] =	sst s2  }
0x8f: {  	_ = 	snop  }
0x90: {  	(tm) =	ssettm $0x1  }
0x91: {  	s17 =	sld [smem:$0x3FFB];
	_ =	sdelay $0x3  }
0x92: {  	_ =	strace s17  }
0x93: {  	s2 =	sld [smem:$0x3FFC];
	_ =	sdelay $0x3  }
0x94: {  	_ =	strace s2  }
0x95: {  	s2 =	sld [smem:$0x3FFD];
	_ =	sdelay $0x3  }
0x96: {  	_ =	strace s2  }
0x97: {  	_ =	strace $0x8FFFFFFF  }
0x98: {  	s18 =	sld [smem:$0x3FDB];
	_ =	sdelay $0x1  }
0x99: {  	s19 =	simm.s32 $_scs_section_size  }
0x9a: {  	s4 =	simm.s32 $_size__tile_overlayer_lowered;
	s5 =	simm.s32 $_tile_overlayer_lowered  }
0x9b: {  	s22 =	simm.s32 $0x1BFF;
	s21 =	sshll.u32 s5, $0x1;
	s2 =	sadd.s32 s19, s18  }
0x9c: {  	s6 =	simm.s32 $0x0;
	s20 =	sshll.u32 s4, $0x1;
	s4 =	sadd.s32 s21, s2  }
0x9d: {  	[timem:s6], [sflag:s22] =	dma.local [hbm:s4], s20  }
0x9e: {  	_ =	swait.ge [sflag:s22], s20  }
0x9f: {  	s3 =	ssub.s32 $0x0, s20;
	[sflag:s22] =	ssyncset.done $0x0  }
0xa0: {  	[sflag:s22] =	ssyncadd.s32 s3;
	_ =	sdelay $0x1  }
0xa1: {  	s23 =	simm.s32 $0x1B8B  }
0xa2: {  	_ =	swait.ge [sflag:s23], $0x1  }
0xa3: {  	[sflag:s23] =	ssyncset.done $0x0  }
0xa4: {  	s25 =	simm.s32 $0x1B8E;
	s24 =	sld [smem:$0x3FFE];
	[sflag:s23] =	ssyncadd.s32 $0xFFFFFFFF  }
0xa5: {  	s26 =	simm.s32 $execute0_lowered;
	[smem:$0x3FD2] =	sst s25  }
0xa6: {  	s4 =	sshll.u32 s26, $0x1;
	_ =	strace $0x8000004C;
	[dreg:$0x1] =	wrdreg $0xFFFFFFFF  }
0xa7: {  	s28 =	simm.s32 $_size_execute0_lowered;
	s2 =	sadd.s32 s2, s4;
	[dreg:$0x0] =	wrdreg $0x0  }
0xa8: {  	s4 =	sshll.u32 s28, $0x1;
	[dreg:$0x2] =	wrdreg s2  }
0xa9: {  	[dreg:$0x3] =	wrdreg s4  }
0xaa: {  	[dreg:$0x4] =	wrdreg $0xC0  }
0xab: {  	_ =	task [dreg:s6], $0x5FFFF  }
0xac: {  	[dreg:$0x1] =	wrdreg $0xFFFFFFFF  }
0xad: {  	[dreg:$0x0] =	wrdreg $0x60  }
0xae: {  	[dreg:$0x2] =	wrdreg s24  }
0xaf: {  	[dreg:$0x3] =	wrdreg $0x9  }
0xb0: {  	_ =	task.clear_ibuf [dreg:s6], $0x4FFFF;
	_ =	strace $0x9000004C  }
0xb1: {  	s29 =	simm.s32 $0x9;
	_ =	strace $0x8000004E  }
0xb2: {  	_ =	swait.ge [sflag:s29], $0x1  }
0xb3: {  	[sflag:s29] =	ssyncadd.s32 $0xFFFFFFFF  }
0xb4: {  	_ =	strace $0x9000004E  }
0xb5: {  	_ =	sfence  }
0xb6: {  	s30 =	sld [smem:$0x0];
	_ =	sdelay $0x2  }
0xb7: {  	s31 =	sshll.u32 s1, $0xD;
	s1 =	sshrl.u32 s1, $0x2  }
0xb8: {  	s3 =	sand.u32 $0x4000, s31;
	s1 =	sadd.s32 s1, s30  }
0xb9: {  	s0 =	sor.u32 s3, s0;
	s1 =	sshll.u32 s1, $0x11  }
0xba: {  	s0 =	sor.u32 s1, s0  }
0xbb: {  	s0 =	sadd.s32 $0x8F2B, s0  }
0xbc: {  	[sflag:s0] =	ssyncadd.remote.s32 $0x1  }
0xbd: {  	_ =	sfence.sel $0xFFFF  }
0xbe: {  	[dreg:$0x0] =	wrdreg $0xFFFFFFFF;
	(pc) =	sbr.abs _section_cstart, $3  }
0xbf: {  	[dreg:$0x1] =	wrdreg $0xFFFFFFFF  }
0xc0: {  	_ =	task.clear_ibuf [dreg:s6], $0x2FFFF;
	_ =	strace $0x9FFFFFFF  }
0xc1: {  	(tm) =	ssettm $0x7FFFFFFF  }
tec
execute0_lowered:
.L_overlay_start_1:
0x0: {  	(tag) =	ssettag $0x1  }
0x1: {  	s1 =	srdreg.scid  }
0x2: {  	s0 =	stileid.u32;
	s5 =	rddreg [dreg:$0x0];
	s2 =	simm.s32 $0x0  }
0x3: {  	s12 =	simm.s32 $0x5000;
	s13 =	simm.s32 $0x9000;
	s14 =	simm.s32 $0x1  }
0x4: {  	s15 =	simm.s32 $0x2;
	s16 =	simm.s32 $0x0;
	s7 =	smul.u32 $0x50000, s0  }
0x5: {  	s4 =	sand.u32 $0x1, s1;
	s1 =	rddreg [dreg:$0x1];
	s10 =	smul.u32 $0xFFFFFF60, s0  }
0x6: {  	s26 =	sshll.u32 s0, $0x1;
	[smem:$0x7FF] =	sst s2;
	s8 =	smul.u32 $0xFFFFFFB0, s4  }
0x7: {  	s3 =	sor.u32 s4, s26;
	s9 =	ssub.s32 $0x2, s4;
	s30 =	smul.u32 $0x28000, s4  }
0x8: {  	_ =	strace $0x8000004D;
	s6 =	smul.u32 $0x500, s3;
	s28 =	sshrl.u32 s9, $0x1  }
0x9: {  	s3 =	sadd.s32 $0x6BA00, s5;
	s11 =	sadd.s32 s7, s5;
	s29 =	ssub.s32 s9, s28  }
0xa: {  	s8 =	sadd.s32 s10, s8;
	s9 =	sadd.s32 s30, s11;
	s10 =	simm.s32 $0x3  }
0xb: {  	s11 =	simm.s32 $0x80;
	s6 =	sadd.s32 s6, s5;
	s31 =	sadd.s32 $0x9C4, s8  }
0xc: {  	s7 =	smax.u32 s29, $0x1;
	s8 =	sadd.s32 $0x5E1600, s9;
	s9 =	sadd.s32 $0xE1600, s9  }
0xd: {  	s4 =	sadd.s32 $0x9600, s6;
	s5 =	sadd.s32 $0x13600, s6;
	s6 =	smin.u32 s31, $0x50  }
.LBB2_1:
0xe: {  	[tilespmem:s2], [sflag:$0x3] =	stream.linear.gather [hbm4b:s4+s2], $0x2800, $0x38;
	[tilespmem:$0xD000] =	vst v63  }
0xf: {  	_ =	swait.ge [sflag:s10], $0x2800  }
0x10: {  	[sflag:s10] =	ssyncset.done $0x0  }
0x11: {  	s17 =	simm.s32 $0x2800;
	[sflag:s10] =	ssyncadd.s32 $0xFFFFD800  }
0x12: {  	[tilespmem:s17], [sflag:$0x3] =	stream.linear.gather [hbm4b:s5+s2], $0x2800, $0x38;
	[tilespmem:$0xD000] =	vst v63  }
0x13: {  	_ =	swait.ge [sflag:s10], $0x2800  }
0x14: {  	[sflag:s10] =	ssyncset.done $0x0  }
0x15: {  	[sflag:s10] =	ssyncadd.s32 $0xFFFFD800  }
0x16: {  	[tilespmem:s12], [sflag:$0x1] =	stream.indirect.gather [hbm4b:s3+s11], $0x80, s2, s11, $0xb8;
	[tilespmem:$0xD000] =	vst v63  }
0x17: {  	_ = 	snop  }
0x18: {  	[tilespmem:s13], [sflag:$0x2] =	stream.indirect.gather [hbm4b:s3+s11], $0x80, s17, s11, $0xb8;
	[tilespmem:$0xD000] =	vst v63  }
0x19: {  	_ =	swait.ge [sflag:s14], $0x4000  }
0x1a: {  	[sflag:s14] =	ssyncset.done $0x0  }
0x1b: {  	[sflag:s14] =	ssyncadd.s32 $0xFFFFC000  }
0x1c: {  	[hbm4b:s9+s2] =	stream.linear.scatter [tilespmem:s12], [sflag:$0x3], $0x4000, $0x38;
	[tilespmem:$0xD000] =	vst v63  }
0x1d: {  	_ =	swait.ge [sflag:s10], $0x4000  }
0x1e: {  	[sflag:s10] =	ssyncset.done $0x0  }
0x1f: {  	[sflag:s10] =	ssyncadd.s32 $0xFFFFC000  }
0x20: {  	p0 =	sne.s32 s6, $0x1;
	_ =	swait.ge [sflag:s15], $0x4000  }
.Ltmp0:
0x21: {  	[sflag:s15] =	ssyncset.done $0x0;
	(pc) =	sbr.rel @!p0 .LBB2_3-.Ltmp0, $4  }
0x22: {  	[sflag:s15] =	ssyncadd.s32 $0xFFFFC000  }
0x23: {  	[hbm4b:s8+s2] =	stream.linear.scatter [tilespmem:s13], [sflag:$0x3], $0x4000, $0x38;
	[tilespmem:$0xD000] =	vst v63  }
0x24: {  	s18 =	sadd.s32 $0xFFFFFFFF, s6;
	s19 =	sadd.s32 $0x800, s8;
	_ =	swait.ge [sflag:s10], $0x4000  }
0x25: {  	s20 =	sadd.s32 $0x800, s9;
	s21 =	simm.s32 $0x0;
	[sflag:s10] =	ssyncset.done $0x0  }
.LBB2_2:
0x26: {  	[sflag:s10] =	ssyncadd.s32 $0xFFFFC000;
	s21 =	sadd.s32 $0x80, s21;
	s17 =	sadd.s32 $0x80, s17  }
0x27: {  	[tilespmem:s12], [sflag:$0x1] =	stream.indirect.gather [hbm4b:s3+s11], $0x80, s21, s11, $0xb8;
	[tilespmem:$0xD000] =	vst v63  }
0x28: {  	p0 =	sne.s32 s18, $0x1;
	s18 =	sadd.s32 $0xFFFFFFFF, s18  }
0x29: {  	[tilespmem:s13], [sflag:$0x2] =	stream.indirect.gather [hbm4b:s3+s11], $0x80, s17, s11, $0xb8;
	[tilespmem:$0xD000] =	vst v63  }
0x2a: {  	_ =	swait.ge [sflag:s14], $0x4000  }
0x2b: {  	[sflag:s14] =	ssyncset.done $0x0  }
0x2c: {  	[sflag:s14] =	ssyncadd.s32 $0xFFFFC000  }
0x2d: {  	[hbm4b:s20+s2] =	stream.linear.scatter [tilespmem:s12], [sflag:$0x3], $0x4000, $0x38;
	[tilespmem:$0xD000] =	vst v63  }
0x2e: {  	_ =	swait.ge [sflag:s10], $0x4000  }
0x2f: {  	[sflag:s10] =	ssyncset.done $0x0  }
0x30: {  	[sflag:s10] =	ssyncadd.s32 $0xFFFFC000  }
0x31: {  	_ =	swait.ge [sflag:s15], $0x4000  }
.Ltmp1:
0x32: {  	[sflag:s15] =	ssyncset.done $0x0;
	(pc) =	sbr.rel @p0 .LBB2_2-.Ltmp1, $4  }
0x33: {  	[sflag:s15] =	ssyncadd.s32 $0xFFFFC000  }
0x34: {  	[hbm4b:s19+s2] =	stream.linear.scatter [tilespmem:s13], [sflag:$0x3], $0x4000, $0x38;
	[tilespmem:$0xD000] =	vst v63  }
0x35: {  	_ =	swait.ge [sflag:s10], $0x4000  }
0x36: {  	s20 =	sadd.s32 $0x800, s20;
	s19 =	sadd.s32 $0x800, s19;
	[sflag:s10] =	ssyncset.done $0x0  }
.LBB2_3:
0x37: {  	s16 =	sadd.s32 $0x1, s16  }
0x38: {  	p0 =	sne.s32 s16, s7  }
.Ltmp2:
0x39: {  	_ = 	snop;
	(pc) =	sbr.rel @p0 .LBB2_1-.Ltmp2, $2  }
0x3a: {  	_ =	sdelay $0x2  }
0x3b: {  	[sflag:s10] =	ssyncadd.s32 $0xFFFFC000  }
0x3c: {  	_ =	sfence.sel $0x180000  }
0x3d: {  	[bflag:$0x0] =	sbarrier.arrive $0xFFFF  }
0x3e: {  	p0 =	sne.s32 s0, $0x0;
	_ =	strace $0x9000004D  }
0x3f: {  	s0 =	sadd.s32 @!p0 $0x100000, s1;
	[bflag:$0x2] =	sbarrier.arrive $0xFFFF  }
0x40: {  	[sflag:s0] =	ssyncadd.tile.s32 @!p0 $0x1;
	_ =	shalt  }
.Lfunc_end2:
_tile_overlayer_lowered:
.L_overlay_start_2:
0x41: {  	(tag) =	ssettag $0x2  }
0x42: {  	s0 =	rddreg [dreg:$0x0];
	s2 =	stileid.u32  }
0x43: {  	s1 =	rddreg [dreg:$0x1];
	p0 =	sne.s32 s2, $0x0  }
0x44: {  	s3 =	rddreg [dreg:$0x2];
	[bflag:$0x3] =	sbarrier.arrive $0xFFFF;
	s2 =	simm.s32 @!p0 $0x1C03  }
0x45: {  	[timem:s3], [sflag:s2] =	dma.local @!p0 [hbm:s0], s1  }
0x46: {  	s0 =	simm.s32 @!p0 $0x3  }
0x47: {  	_ =	swait.ge @!p0 [sflag:s0], s1  }
0x48: {  	s1 =	ssub.s32 @!p0 $0x0, s1;
	[sflag:s0] =	ssyncset.done @!p0 $0x0  }
0x49: {  	[sflag:s0] =	ssyncadd.s32 @!p0 s1  }
0x4a: {  	[bflag:$0x3] =	sbarrier.arrive $0xFFFF  }
0x4b: {  	_ =	shalt  }

// kernel: kernel.29.cloned.1.call-start
scs
__scs_entry_jumppad:
0x0: {  	(pc) =	sbr.rel $0x88, $3  }
0x1: {  	(tag) =	ssettag $0x0;
	lr =	simm.s32 $0x1  }
0x2: {  	[smem:$0x3F76] =	sst lr;
	_ =	strace $0xD0000000  }
0x3: {  	_ = 	snop  }
0x4: {  	_ = 	snop  }
0x5: {  	_ = 	snop  }
0x6: {  	_ = 	snop  }
0x7: {  	_ = 	snop  }
__scs_overlays_trampoline_lowered:
0x8: {  	[smem:$0x3F85] =	sst s0  }
0x9: {  	[smem:$0x3F86] =	sst s1  }
0xa: {  	[smem:$0x3F87] =	sst s2  }
0xb: {  	[smem:$0x3F88] =	sst s3  }
0xc: {  	[smem:$0x3F89] =	sst s4  }
0xd: {  	[smem:$0x3F8A] =	sst s5  }
0xe: {  	[smem:$0x3F8B] =	sst s6  }
0xf: {  	[smem:$0x3F8C] =	sst s7  }
0x10: {  	[smem:$0x3F8D] =	sst s8  }
0x11: {  	[smem:$0x3F8E] =	sst s9;
	s0 =	simm.s32 @!p0 $0x0  }
0x12: {  	s1 =	sld [smem:$0x3F74];
	s0 =	simm.s32 @p0 $0x1  }
0x13: {  	[smem:$0x3F8F] =	sst s0;
	s0 =	simm.s32 @!p1 $0x0  }
0x14: {  	s2 =	sld [smem:$0x3F73];
	s0 =	simm.s32 @p1 $0x1  }
0x15: {  	[smem:$0x3F90] =	sst s0;
	s0 =	simm.s32 @!p2 $0x0  }
0x16: {  	s3 =	sld [smem:$0x3FDB];
	s0 =	simm.s32 @p2 $0x1  }
0x17: {  	s4 =	simm.s32 $0x1BF5;
	[smem:$0x3F92] =	sst s0  }
0x18: {  	s0 =	sld [smem:$0x3F75];
	_ =	swait.ge [sflag:s4], $0x0  }
0x19: {  	s7 =	sld [smem:$0x3F76]  }
0x1a: {  	s8 =	sadd.s32 $0xFFFFE003, lr  }
0x1b: {  	s9 =	sadd.s32 $0xFFFFFEF7, lr;
	s5 =	simm.s32 $0xFFFFFFFF;
	p2 =	slt.u32 s8, $0xFFFFF086  }
0x1c: {  	p1 =	slt.u32 s9, $0xF7A;
	s5 =	simm.s32 @!p2 $0x0  }
0x1d: {  	s5 =	simm.s32 @p1 $0x1;
	p0 =	seq.s32 s7, s2  }
0x1e: {  	s7 =	smul.u32 @!p0 $0xF7A, s2;
	p2 =	seq.s32 @!p0 s5, $0x0  }
0x1f: {  	s9 =	smul.u32 $0xF7A, s1;
	s8 =	simm.s32 @!p0 $0x1BF5;
	p2 =	por !p2, p0  }
0x20: {  	[sflag:s8] =	ssyncset.s32 @!p0 $0xFFFFF086;
	s6 =	sadd.s32 @!p0 s3, s7;
	s7 =	simm.s32 @!p0 $0x108  }
0x21: {  	s3 =	sadd.s32 s3, s9;
	s6 =	sadd.s32 @!p0 $0x88, s6;
	s7 =	simm.s32 @p2 $0x1082  }
0x22: {  	[simem:s7], [sflag:s8] =	dma.local @!p0 [hbm:s6], $0xF7A  }
0x23: {  	s9 =	sor.u32 $0xD0000000, s2;
	s6 =	simm.s32 $0x108;
	_ =	swait.ge @!p0 [sflag:s8], $0x0  }
0x24: {  	s3 =	sadd.s32 $0x88, s3;
	s6 =	simm.s32 @!p1 $0x1082;
	[sflag:s4] =	ssyncset.s32 $0xFFFFF086  }
0x25: {  	[simem:s6], [sflag:s4] =	dma.local [hbm:s3], $0xF7A  }
0x26: {  	[smem:$0x3F76] =	sst s1;
	(tag) =	ssettag s2;
	_ =	strace s9  }
0x27: {  	s1 =	sld [smem:$0x3F86]  }
0x28: {  	s2 =	sld [smem:$0x3F87]  }
0x29: {  	s4 =	sld [smem:$0x3F89]  }
0x2a: {  	p0 =	seq.s32 s5, $0x0;
	s5 =	sld [smem:$0x3F8A]  }
0x2b: {  	s6 =	sld [smem:$0x3F8B]  }
0x2c: {  	s7 =	sld [smem:$0x3F8C]  }
0x2d: {  	s3 =	simm.s32 $0x108;
	s8 =	sld [smem:$0x3F8D]  }
0x2e: {  	s3 =	simm.s32 @!p0 $0x1082;
	s9 =	sld [smem:$0x3F8E]  }
0x2f: {  	lr =	sadd.s32 s0, s3;
	s0 =	sld [smem:$0x3F85]  }
0x30: {  	s3 =	sld [smem:$0x3F88]  }
0x31: {  	[smem:$0x3F91] =	sst s10  }
0x32: {  	s10 =	sld [smem:$0x3F8F];
	_ =	sdelay $0x3  }
0x33: {  	p0 =	seq.s32 s10, $0x1;
	s10 =	sld [smem:$0x3F91];
	_ =	sdelay $0x3  }
0x34: {  	[smem:$0x3F91] =	sst s10  }
0x35: {  	s10 =	sld [smem:$0x3F90];
	_ =	sdelay $0x3  }
0x36: {  	p1 =	seq.s32 s10, $0x1;
	s10 =	sld [smem:$0x3F91];
	_ =	sdelay $0x3  }
0x37: {  	[smem:$0x3F91] =	sst s10  }
0x38: {  	s10 =	sld [smem:$0x3F92]  }
0x39: {  	_ = 	snop;
	(pc) =	sbr.ind lr, $3  }
0x3a: {  	_ = 	snop  }
0x3b: {  	_ = 	snop  }
0x3c: {  	p2 =	seq.s32 s10, $0x1;
	s10 =	sld [smem:$0x3F91]  }
0x3d: {  	_ =	shalt  }
0x3e: {  	_ =	shalt  }
0x3f: {  	_ =	shalt  }
0x40: {  	_ =	shalt  }
0x41: {  	_ =	shalt  }
0x42: {  	_ =	shalt  }
0x43: {  	_ =	shalt  }
0x44: {  	_ =	shalt  }
0x45: {  	_ =	shalt  }
0x46: {  	_ =	shalt  }
0x47: {  	_ =	shalt  }
0x48: {  	_ =	shalt  }
0x49: {  	_ =	shalt  }
0x4a: {  	_ =	shalt  }
0x4b: {  	_ =	shalt  }
0x4c: {  	_ =	shalt  }
0x4d: {  	_ =	shalt  }
0x4e: {  	_ =	shalt  }
0x4f: {  	_ =	shalt  }
0x50: {  	_ =	shalt  }
0x51: {  	_ =	shalt  }
0x52: {  	_ =	shalt  }
0x53: {  	_ =	shalt  }
0x54: {  	_ =	shalt  }
0x55: {  	_ =	shalt  }
0x56: {  	_ =	shalt  }
0x57: {  	_ =	shalt  }
0x58: {  	_ =	shalt  }
0x59: {  	_ =	shalt  }
0x5a: {  	_ =	shalt  }
0x5b: {  	_ =	shalt  }
0x5c: {  	_ =	shalt  }
0x5d: {  	_ =	shalt  }
0x5e: {  	_ =	shalt  }
0x5f: {  	_ =	shalt  }
0x60: {  	_ =	shalt  }
0x61: {  	_ =	shalt  }
0x62: {  	_ =	shalt  }
0x63: {  	_ =	shalt  }
0x64: {  	_ =	shalt  }
0x65: {  	_ =	shalt  }
0x66: {  	_ =	shalt  }
0x67: {  	_ =	shalt  }
0x68: {  	_ =	shalt  }
0x69: {  	_ =	shalt  }
0x6a: {  	_ =	shalt  }
0x6b: {  	_ =	shalt  }
0x6c: {  	_ =	shalt  }
0x6d: {  	_ =	shalt  }
0x6e: {  	_ =	shalt  }
0x6f: {  	_ =	shalt  }
0x70: {  	_ =	shalt  }
0x71: {  	_ =	shalt  }
0x72: {  	_ =	shalt  }
0x73: {  	_ =	shalt  }
0x74: {  	_ =	shalt  }
0x75: {  	_ =	shalt  }
0x76: {  	_ =	shalt  }
0x77: {  	_ =	shalt  }
0x78: {  	_ =	shalt  }
0x79: {  	_ =	shalt  }
0x7a: {  	_ =	shalt  }
0x7b: {  	_ =	shalt  }
0x7c: {  	_ =	shalt  }
0x7d: {  	_ =	shalt  }
0x7e: {  	_ =	shalt  }
0x7f: {  	_ =	shalt  }
0x80: {  	_ =	shalt  }
0x81: {  	_ =	shalt  }
0x82: {  	_ =	shalt  }
0x83: {  	_ =	shalt  }
0x84: {  	_ =	shalt  }
0x85: {  	_ =	shalt  }
0x86: {  	_ =	shalt  }
0x87: {  	_ =	shalt  }
.Lfunc_end0:
.L_simem_size_0:
called_computation.3_lowered:
.L_overlay_start_0:
0x88: {  	s2 =	sld [smem:$0x3FD9]  }
0x89: {  	s3 =	sld [smem:$0x3FFE];
	_ =	sdelay $0x1  }
0x8a: {  	s1 =	srdreg.scid  }
0x8b: {  	s0 =	sand.u32 $0x1, s1  }
0x8c: {  	s16 =	sshll.u32 s0, $0xA;
	s2 =	sadd.s32 s3, s2  }
0x8d: {  	s2 =	sadd.s32 s2, s16  }
0x8e: {  	[smem:$0x3F9D] =	sst s2  }
0x8f: {  	_ = 	snop  }
0x90: {  	(tm) =	ssettm $0x1  }
0x91: {  	s17 =	sld [smem:$0x3FFB];
	_ =	sdelay $0x3  }
0x92: {  	_ =	strace s17  }
0x93: {  	s2 =	sld [smem:$0x3FFC];
	_ =	sdelay $0x3  }
0x94: {  	_ =	strace s2  }
0x95: {  	s2 =	sld [smem:$0x3FFD];
	_ =	sdelay $0x3  }
0x96: {  	_ =	strace s2  }
0x97: {  	_ =	strace $0x8FFFFFFF  }
0x98: {  	s18 =	sld [smem:$0x3FDB];
	_ =	sdelay $0x1  }
0x99: {  	s19 =	simm.s32 $_scs_section_size  }
0x9a: {  	s4 =	simm.s32 $_size__tile_overlayer_lowered;
	s5 =	simm.s32 $_tile_overlayer_lowered  }
0x9b: {  	s22 =	simm.s32 $0x1BFF;
	s21 =	sshll.u32 s5, $0x1;
	s2 =	sadd.s32 s19, s18  }
0x9c: {  	s6 =	simm.s32 $0x0;
	s20 =	sshll.u32 s4, $0x1;
	s4 =	sadd.s32 s21, s2  }
0x9d: {  	[timem:s6], [sflag:s22] =	dma.local [hbm:s4], s20  }
0x9e: {  	_ =	swait.ge [sflag:s22], s20  }
0x9f: {  	s3 =	ssub.s32 $0x0, s20;
	[sflag:s22] =	ssyncset.done $0x0  }
0xa0: {  	[sflag:s22] =	ssyncadd.s32 s3;
	_ =	sdelay $0x1  }
0xa1: {  	s23 =	simm.s32 $0x1B8B  }
0xa2: {  	_ =	swait.ge [sflag:s23], $0x1  }
0xa3: {  	[sflag:s23] =	ssyncset.done $0x0  }
0xa4: {  	s25 =	simm.s32 $0x1B8E;
	s24 =	sld [smem:$0x3FFE];
	[sflag:s23] =	ssyncadd.s32 $0xFFFFFFFF  }
0xa5: {  	s26 =	simm.s32 $execute0_lowered;
	[smem:$0x3FD2] =	sst s25  }
0xa6: {  	s4 =	sshll.u32 s26, $0x1;
	_ =	strace $0x8000004F;
	[dreg:$0x1] =	wrdreg $0xFFFFFFFF  }
0xa7: {  	s28 =	simm.s32 $_size_execute0_lowered;
	s2 =	sadd.s32 s2, s4;
	[dreg:$0x0] =	wrdreg $0x0  }
0xa8: {  	s4 =	sshll.u32 s28, $0x1;
	[dreg:$0x2] =	wrdreg s2  }
0xa9: {  	[dreg:$0x3] =	wrdreg s4  }
0xaa: {  	[dreg:$0x4] =	wrdreg $0xC0  }
0xab: {  	_ =	task [dreg:s6], $0x5FFFF  }
0xac: {  	[dreg:$0x1] =	wrdreg $0xFFFFFFFF  }
0xad: {  	[dreg:$0x0] =	wrdreg $0x60  }
0xae: {  	[dreg:$0x2] =	wrdreg s24  }
0xaf: {  	[dreg:$0x3] =	wrdreg $0x68000  }
0xb0: {  	[dreg:$0x4] =	wrdreg $0x9  }
0xb1: {  	_ =	task.clear_ibuf [dreg:s6], $0x5FFFF;
	_ =	strace $0x9000004F  }
0xb2: {  	s29 =	simm.s32 $0x9;
	_ =	strace $0x80000051  }
0xb3: {  	_ =	swait.ge [sflag:s29], $0x1  }
0xb4: {  	[sflag:s29] =	ssyncadd.s32 $0xFFFFFFFF  }
0xb5: {  	_ =	strace $0x90000051  }
0xb6: {  	_ =	sfence  }
0xb7: {  	s30 =	sld [smem:$0x0];
	_ =	sdelay $0x2  }
0xb8: {  	s31 =	sshll.u32 s1, $0xD;
	s1 =	sshrl.u32 s1, $0x2  }
0xb9: {  	s3 =	sand.u32 $0x4000, s31;
	s1 =	sadd.s32 s1, s30  }
0xba: {  	s0 =	sor.u32 s3, s0;
	s1 =	sshll.u32 s1, $0x11  }
0xbb: {  	s0 =	sor.u32 s1, s0  }
0xbc: {  	s0 =	sadd.s32 $0x8F2B, s0  }
0xbd: {  	[sflag:s0] =	ssyncadd.remote.s32 $0x1  }
0xbe: {  	_ =	sfence.sel $0xFFFF  }
0xbf: {  	[dreg:$0x0] =	wrdreg $0xFFFFFFFF;
	(pc) =	sbr.abs _section_cstart, $3  }
0xc0: {  	[dreg:$0x1] =	wrdreg $0xFFFFFFFF  }
0xc1: {  	_ =	task.clear_ibuf [dreg:s6], $0x2FFFF;
	_ =	strace $0x9FFFFFFF  }
0xc2: {  	(tm) =	ssettm $0x7FFFFFFF  }
0xc3: {  	_ =	shalt  }
tec
execute0_lowered:
.L_overlay_start_1:
0x0: {  	(tag) =	ssettag $0x1  }
0x1: {  	s0 =	stileid.u32  }
0x2: {  	s1 =	srdreg.scid;
	s5 =	smul.u32 $0x50000, s0  }
0x3: {  	s4 =	rddreg [dreg:$0x0];
	s8 =	smul.u32 $0x13C00, s0  }
0x4: {  	s2 =	rddreg [dreg:$0x1];
	s3 =	simm.s32 $0x0;
	s11 =	smul.u32 $0x4F000, s0  }
0x5: {  	s14 =	simm.s32 $0x80;
	s6 =	sand.u32 $0x1, s1;
	s28 =	smul.u32 $0xFFFFFF60, s0  }
0x6: {  	s15 =	simm.s32 $0x0;
	s22 =	sshll.u32 s0, $0x1;
	s9 =	smul.u32 $0x13C000, s6  }
0x7: {  	[smem:$0x7FF] =	sst s3;
	s29 =	sshll.u32 s0, $0x6;
	s12 =	smul.u32 $0xFFFFFFB0, s6  }
0x8: {  	s1 =	sor.u32 s6, s22;
	s24 =	ssub.s32 $0x2, s6;
	s30 =	smul.u32 $0x28000, s6  }
0x9: {  	s7 =	smul.u32 $0x500, s1;
	s1 =	rddreg [dreg:$0x2];
	_ =	strace $0x80000050  }
0xa: {  	s10 =	sadd.s32 s5, s4;
	s23 =	sshrl.u32 s8, $0x3;
	s25 =	sshrl.u32 s24, $0x1  }
0xb: {  	s26 =	sshrl.u32 s11, $0x2;
	s5 =	sadd.s32 s23, s4;
	s8 =	sadd.s32 s8, s9  }
0xc: {  	s9 =	ssub.s32 s24, s25;
	s13 =	sadd.s32 s26, s2;
	s11 =	sadd.s32 s28, s12  }
0xd: {  	s10 =	sadd.s32 s30, s10;
	s12 =	simm.s32 $0x1;
	s7 =	sadd.s32 s7, s4  }
0xe: {  	s8 =	sshrl.u32 s8, $0x3;
	s31 =	sadd.s32 $0x9C4, s11;
	s9 =	smax.u32 s9, $0x1  }
0xf: {  	s10 =	sadd.s32 $0xAE1600, s10;
	s11 =	sshrl.u32 s13, $0x3;
	s13 =	simm.s32 $0x2800  }
0x10: {  	s8 =	sadd.s32 s8, s4;
	s4 =	sadd.s32 $0x92C00, s5;
	s5 =	sor.u32 $0x1C01, s29  }
0x11: {  	s6 =	sadd.s32 $0x9600, s7;
	s7 =	sadd.s32 $0xE1600, s8;
	s8 =	smin.u32 s31, $0x50  }
.LBB2_1:
0x12: {  	[spmem:s11], [sflag:s5] =	dma.local [hbm:s4], $0x2780  }
0x13: {  	_ =	swait.ge [sflag:s12], $0x2780  }
0x14: {  	[sflag:s12] =	ssyncset.done $0x0  }
0x15: {  	[sflag:s12] =	ssyncadd.s32 $0xFFFFD880  }
0x16: {  	[tilespmem:s3], [sflag:$0x1] =	stream.linear.gather [hbm4b:s6+s3], $0x2800, $0x38;
	[tilespmem:$0x1A400] =	vst v63  }
0x17: {  	_ =	swait.ge [sflag:s12], $0x2800  }
0x18: {  	[sflag:s12] =	ssyncset.done $0x0  }
0x19: {  	[sflag:s12] =	ssyncadd.s32 $0xFFFFD800  }
0x1a: {  	[bflag:$0x0] =	sbarrier.arrive $0xFFFF  }
0x1b: {  	[tilespmem:s13], [sflag:$0x1] =	stream.linear.gather [hbm4b:s10+s3], $0x4000, $0x38;
	[tilespmem:$0x1A400] =	vst v63  }
0x1c: {  	p0 =	sne.s32 s8, $0x1;
	_ =	swait.ge [sflag:s12], $0x4000  }
.Ltmp0:
0x1d: {  	[sflag:s12] =	ssyncset.done $0x0;
	(pc) =	sbr.rel @!p0 .LBB2_3-.Ltmp0, $4  }
0x1e: {  	[sflag:s12] =	ssyncadd.s32 $0xFFFFC000  }
0x1f: {  	[spmem:s2] =	stream.indirect.scatter.add.f32 [tilespmem:s13], [sflag:$0x1], $0x80, s3, s14, $0xb8;
	[tilespmem:$0x1A400] =	vst v63  }
0x20: {  	s16 =	sadd.s32 $0xFFFFFFFF, s8;
	_ =	swait.ge [sflag:s12], $0x4000  }
0x21: {  	s17 =	simm.s32 $0x0;
	s18 =	smov.u32 s10;
	[sflag:s12] =	ssyncset.done $0x0  }
.LBB2_2:
0x22: {  	[sflag:s12] =	ssyncadd.s32 $0xFFFFC000;
	s17 =	sadd.s32 $0x80, s17;
	s18 =	sadd.s32 $0x800, s18  }
0x23: {  	[tilespmem:s13], [sflag:$0x1] =	stream.linear.gather [hbm4b:s18+s3], $0x4000, $0x38;
	[tilespmem:$0x1A400] =	vst v63  }
0x24: {  	p0 =	sne.s32 s16, $0x1;
	s16 =	sadd.s32 $0xFFFFFFFF, s16;
	_ =	swait.ge [sflag:s12], $0x4000  }
.Ltmp1:
0x25: {  	[sflag:s12] =	ssyncset.done $0x0;
	(pc) =	sbr.rel @p0 .LBB2_2-.Ltmp1, $4  }
0x26: {  	[sflag:s12] =	ssyncadd.s32 $0xFFFFC000  }
0x27: {  	[spmem:s2] =	stream.indirect.scatter.add.f32 [tilespmem:s13], [sflag:$0x1], $0x80, s17, s14, $0xb8;
	[tilespmem:$0x1A400] =	vst v63  }
0x28: {  	_ =	swait.ge [sflag:s12], $0x4000  }
0x29: {  	[sflag:s12] =	ssyncset.done $0x0  }
.LBB2_3:
0x2a: {  	s15 =	sadd.s32 $0x1, s15  }
0x2b: {  	[sflag:s12] =	ssyncadd.s32 $0xFFFFC000;
	p0 =	sne.s32 s15, s9  }
.Ltmp2:
0x2c: {  	[bflag:$0x0] =	sbarrier.arrive $0xFFFF;
	(pc) =	sbr.rel @p0 .LBB2_1-.Ltmp2, $4  }
0x2d: {  	[hbm:s7], [sflag:s5] =	dma.local [spmem:s11], $0x2780  }
0x2e: {  	_ =	swait.ge [sflag:s12], $0x2780  }
0x2f: {  	[sflag:s12] =	ssyncset.done $0x0  }
0x30: {  	[sflag:s12] =	ssyncadd.s32 $0xFFFFD880  }
0x31: {  	_ =	sfence.sel $0x180000  }
0x32: {  	[bflag:$0x0] =	sbarrier.arrive $0xFFFF  }
0x33: {  	p0 =	sne.s32 s0, $0x0;
	_ =	strace $0x90000050  }
0x34: {  	s0 =	sadd.s32 @!p0 $0x100000, s1;
	[bflag:$0x2] =	sbarrier.arrive $0xFFFF  }
0x35: {  	[sflag:s0] =	ssyncadd.tile.s32 @!p0 $0x1;
	_ =	shalt  }
.Lfunc_end2:
_tile_overlayer_lowered:
.L_overlay_start_2:
0x36: {  	(tag) =	ssettag $0x2  }
0x37: {  	s0 =	rddreg [dreg:$0x0];
	s2 =	stileid.u32  }
0x38: {  	s1 =	rddreg [dreg:$0x1];
	p0 =	sne.s32 s2, $0x0  }
0x39: {  	s3 =	rddreg [dreg:$0x2];
	[bflag:$0x3] =	sbarrier.arrive $0xFFFF;
	s2 =	simm.s32 @!p0 $0x1C01  }
0x3a: {  	[timem:s3], [sflag:s2] =	dma.local @!p0 [hbm:s0], s1  }
0x3b: {  	s0 =	simm.s32 @!p0 $0x1  }
0x3c: {  	_ =	swait.ge @!p0 [sflag:s0], s1  }
0x3d: {  	s1 =	ssub.s32 @!p0 $0x0, s1;
	[sflag:s0] =	ssyncset.done @!p0 $0x0  }
0x3e: {  	[sflag:s0] =	ssyncadd.s32 @!p0 s1  }
0x3f: {  	[bflag:$0x3] =	sbarrier.arrive $0xFFFF  }
0x40: {  	_ =	shalt  }

// kernel: kernel.32.cloned.1.call-start
scs
__scs_entry_jumppad:
0x0: {  	(pc) =	sbr.rel $0x88, $3  }
0x1: {  	(tag) =	ssettag $0x0;
	lr =	simm.s32 $0x1  }
0x2: {  	[smem:$0x3F76] =	sst lr;
	_ =	strace $0xD0000000  }
0x3: {  	_ = 	snop  }
0x4: {  	_ = 	snop  }
0x5: {  	_ = 	snop  }
0x6: {  	_ = 	snop  }
0x7: {  	_ = 	snop  }
__scs_overlays_trampoline_lowered:
0x8: {  	[smem:$0x3F85] =	sst s0  }
0x9: {  	[smem:$0x3F86] =	sst s1  }
0xa: {  	[smem:$0x3F87] =	sst s2  }
0xb: {  	[smem:$0x3F88] =	sst s3  }
0xc: {  	[smem:$0x3F89] =	sst s4  }
0xd: {  	[smem:$0x3F8A] =	sst s5  }
0xe: {  	[smem:$0x3F8B] =	sst s6  }
0xf: {  	[smem:$0x3F8C] =	sst s7  }
0x10: {  	[smem:$0x3F8D] =	sst s8  }
0x11: {  	[smem:$0x3F8E] =	sst s9;
	s0 =	simm.s32 @!p0 $0x0  }
0x12: {  	s1 =	sld [smem:$0x3F74];
	s0 =	simm.s32 @p0 $0x1  }
0x13: {  	[smem:$0x3F8F] =	sst s0;
	s0 =	simm.s32 @!p1 $0x0  }
0x14: {  	s2 =	sld [smem:$0x3F73];
	s0 =	simm.s32 @p1 $0x1  }
0x15: {  	[smem:$0x3F90] =	sst s0;
	s0 =	simm.s32 @!p2 $0x0  }
0x16: {  	s3 =	sld [smem:$0x3FDB];
	s0 =	simm.s32 @p2 $0x1  }
0x17: {  	s4 =	simm.s32 $0x1BF5;
	[smem:$0x3F92] =	sst s0  }
0x18: {  	s0 =	sld [smem:$0x3F75];
	_ =	swait.ge [sflag:s4], $0x0  }
0x19: {  	s7 =	sld [smem:$0x3F76]  }
0x1a: {  	s8 =	sadd.s32 $0xFFFFE003, lr  }
0x1b: {  	s9 =	sadd.s32 $0xFFFFFEF7, lr;
	s5 =	simm.s32 $0xFFFFFFFF;
	p2 =	slt.u32 s8, $0xFFFFF086  }
0x1c: {  	p1 =	slt.u32 s9, $0xF7A;
	s5 =	simm.s32 @!p2 $0x0  }
0x1d: {  	s5 =	simm.s32 @p1 $0x1;
	p0 =	seq.s32 s7, s2  }
0x1e: {  	s7 =	smul.u32 @!p0 $0xF7A, s2;
	p2 =	seq.s32 @!p0 s5, $0x0  }
0x1f: {  	s9 =	smul.u32 $0xF7A, s1;
	s8 =	simm.s32 @!p0 $0x1BF5;
	p2 =	por !p2, p0  }
0x20: {  	[sflag:s8] =	ssyncset.s32 @!p0 $0xFFFFF086;
	s6 =	sadd.s32 @!p0 s3, s7;
	s7 =	simm.s32 @!p0 $0x108  }
0x21: {  	s3 =	sadd.s32 s3, s9;
	s6 =	sadd.s32 @!p0 $0x88, s6;
	s7 =	simm.s32 @p2 $0x1082  }
0x22: {  	[simem:s7], [sflag:s8] =	dma.local @!p0 [hbm:s6], $0xF7A  }
0x23: {  	s9 =	sor.u32 $0xD0000000, s2;
	s6 =	simm.s32 $0x108;
	_ =	swait.ge @!p0 [sflag:s8], $0x0  }
0x24: {  	s3 =	sadd.s32 $0x88, s3;
	s6 =	simm.s32 @!p1 $0x1082;
	[sflag:s4] =	ssyncset.s32 $0xFFFFF086  }
0x25: {  	[simem:s6], [sflag:s4] =	dma.local [hbm:s3], $0xF7A  }
0x26: {  	[smem:$0x3F76] =	sst s1;
	(tag) =	ssettag s2;
	_ =	strace s9  }
0x27: {  	s1 =	sld [smem:$0x3F86]  }
0x28: {  	s2 =	sld [smem:$0x3F87]  }
0x29: {  	s4 =	sld [smem:$0x3F89]  }
0x2a: {  	p0 =	seq.s32 s5, $0x0;
	s5 =	sld [smem:$0x3F8A]  }
0x2b: {  	s6 =	sld [smem:$0x3F8B]  }
0x2c: {  	s7 =	sld [smem:$0x3F8C]  }
0x2d: {  	s3 =	simm.s32 $0x108;
	s8 =	sld [smem:$0x3F8D]  }
0x2e: {  	s3 =	simm.s32 @!p0 $0x1082;
	s9 =	sld [smem:$0x3F8E]  }
0x2f: {  	lr =	sadd.s32 s0, s3;
	s0 =	sld [smem:$0x3F85]  }
0x30: {  	s3 =	sld [smem:$0x3F88]  }
0x31: {  	[smem:$0x3F91] =	sst s10  }
0x32: {  	s10 =	sld [smem:$0x3F8F];
	_ =	sdelay $0x3  }
0x33: {  	p0 =	seq.s32 s10, $0x1;
	s10 =	sld [smem:$0x3F91];
	_ =	sdelay $0x3  }
0x34: {  	[smem:$0x3F91] =	sst s10  }
0x35: {  	s10 =	sld [smem:$0x3F90];
	_ =	sdelay $0x3  }
0x36: {  	p1 =	seq.s32 s10, $0x1;
	s10 =	sld [smem:$0x3F91];
	_ =	sdelay $0x3  }
0x37: {  	[smem:$0x3F91] =	sst s10  }
0x38: {  	s10 =	sld [smem:$0x3F92]  }
0x39: {  	_ = 	snop;
	(pc) =	sbr.ind lr, $3  }
0x3a: {  	_ = 	snop  }
0x3b: {  	_ = 	snop  }
0x3c: {  	p2 =	seq.s32 s10, $0x1;
	s10 =	sld [smem:$0x3F91]  }
0x3d: {  	_ =	shalt  }
0x3e: {  	_ =	shalt  }
0x3f: {  	_ =	shalt  }
0x40: {  	_ =	shalt  }
0x41: {  	_ =	shalt  }
0x42: {  	_ =	shalt  }
0x43: {  	_ =	shalt  }
0x44: {  	_ =	shalt  }
0x45: {  	_ =	shalt  }
0x46: {  	_ =	shalt  }
0x47: {  	_ =	shalt  }
0x48: {  	_ =	shalt  }
0x49: {  	_ =	shalt  }
0x4a: {  	_ =	shalt  }
0x4b: {  	_ =	shalt  }
0x4c: {  	_ =	shalt  }
0x4d: {  	_ =	shalt  }
0x4e: {  	_ =	shalt  }
0x4f: {  	_ =	shalt  }
0x50: {  	_ =	shalt  }
0x51: {  	_ =	shalt  }
0x52: {  	_ =	shalt  }
0x53: {  	_ =	shalt  }
0x54: {  	_ =	shalt  }
0x55: {  	_ =	shalt  }
0x56: {  	_ =	shalt  }
0x57: {  	_ =	shalt  }
0x58: {  	_ =	shalt  }
0x59: {  	_ =	shalt  }
0x5a: {  	_ =	shalt  }
0x5b: {  	_ =	shalt  }
0x5c: {  	_ =	shalt  }
0x5d: {  	_ =	shalt  }
0x5e: {  	_ =	shalt  }
0x5f: {  	_ =	shalt  }
0x60: {  	_ =	shalt  }
0x61: {  	_ =	shalt  }
0x62: {  	_ =	shalt  }
0x63: {  	_ =	shalt  }
0x64: {  	_ =	shalt  }
0x65: {  	_ =	shalt  }
0x66: {  	_ =	shalt  }
0x67: {  	_ =	shalt  }
0x68: {  	_ =	shalt  }
0x69: {  	_ =	shalt  }
0x6a: {  	_ =	shalt  }
0x6b: {  	_ =	shalt  }
0x6c: {  	_ =	shalt  }
0x6d: {  	_ =	shalt  }
0x6e: {  	_ =	shalt  }
0x6f: {  	_ =	shalt  }
0x70: {  	_ =	shalt  }
0x71: {  	_ =	shalt  }
0x72: {  	_ =	shalt  }
0x73: {  	_ =	shalt  }
0x74: {  	_ =	shalt  }
0x75: {  	_ =	shalt  }
0x76: {  	_ =	shalt  }
0x77: {  	_ =	shalt  }
0x78: {  	_ =	shalt  }
0x79: {  	_ =	shalt  }
0x7a: {  	_ =	shalt  }
0x7b: {  	_ =	shalt  }
0x7c: {  	_ =	shalt  }
0x7d: {  	_ =	shalt  }
0x7e: {  	_ =	shalt  }
0x7f: {  	_ =	shalt  }
0x80: {  	_ =	shalt  }
0x81: {  	_ =	shalt  }
0x82: {  	_ =	shalt  }
0x83: {  	_ =	shalt  }
0x84: {  	_ =	shalt  }
0x85: {  	_ =	shalt  }
0x86: {  	_ =	shalt  }
0x87: {  	_ =	shalt  }
.Lfunc_end0:
.L_simem_size_0:
called_computation.4_lowered:
.L_overlay_start_0:
0x88: {  	s2 =	sld [smem:$0x3FD9]  }
0x89: {  	s3 =	sld [smem:$0x3FFE];
	_ =	sdelay $0x1  }
0x8a: {  	s1 =	srdreg.scid  }
0x8b: {  	s0 =	sand.u32 $0x1, s1  }
0x8c: {  	s16 =	sshll.u32 s0, $0xA;
	s2 =	sadd.s32 s3, s2  }
0x8d: {  	s2 =	sadd.s32 s2, s16  }
0x8e: {  	[smem:$0x3F9D] =	sst s2  }
0x8f: {  	_ = 	snop  }
0x90: {  	(tm) =	ssettm $0x1  }
0x91: {  	s17 =	sld [smem:$0x3FFB];
	_ =	sdelay $0x3  }
0x92: {  	_ =	strace s17  }
0x93: {  	s2 =	sld [smem:$0x3FFC];
	_ =	sdelay $0x3  }
0x94: {  	_ =	strace s2  }
0x95: {  	s2 =	sld [smem:$0x3FFD];
	_ =	sdelay $0x3  }
0x96: {  	_ =	strace s2  }
0x97: {  	_ =	strace $0x8FFFFFFF  }
0x98: {  	s18 =	sld [smem:$0x3FDB];
	_ =	sdelay $0x1  }
0x99: {  	s19 =	simm.s32 $_scs_section_size  }
0x9a: {  	s4 =	simm.s32 $_size__tile_overlayer_lowered;
	s5 =	simm.s32 $_tile_overlayer_lowered  }
0x9b: {  	s22 =	simm.s32 $0x1BFF;
	s21 =	sshll.u32 s5, $0x1;
	s2 =	sadd.s32 s19, s18  }
0x9c: {  	s6 =	simm.s32 $0x0;
	s20 =	sshll.u32 s4, $0x1;
	s4 =	sadd.s32 s21, s2  }
0x9d: {  	[timem:s6], [sflag:s22] =	dma.local [hbm:s4], s20  }
0x9e: {  	_ =	swait.ge [sflag:s22], s20  }
0x9f: {  	s3 =	ssub.s32 $0x0, s20;
	[sflag:s22] =	ssyncset.done $0x0  }
0xa0: {  	[sflag:s22] =	ssyncadd.s32 s3;
	_ =	sdelay $0x1  }
0xa1: {  	s23 =	simm.s32 $0x1B8B  }
0xa2: {  	_ =	swait.ge [sflag:s23], $0x1  }
0xa3: {  	[sflag:s23] =	ssyncset.done $0x0  }
0xa4: {  	s25 =	simm.s32 $0x1B8E;
	s24 =	sld [smem:$0x3FFE];
	[sflag:s23] =	ssyncadd.s32 $0xFFFFFFFF  }
0xa5: {  	s26 =	simm.s32 $execute0_lowered;
	[smem:$0x3FD2] =	sst s25  }
0xa6: {  	s4 =	sshll.u32 s26, $0x1;
	_ =	strace $0x80000052;
	[dreg:$0x1] =	wrdreg $0xFFFFFFFF  }
0xa7: {  	s28 =	simm.s32 $_size_execute0_lowered;
	s2 =	sadd.s32 s2, s4;
	[dreg:$0x0] =	wrdreg $0x0  }
0xa8: {  	s4 =	sshll.u32 s28, $0x1;
	[dreg:$0x2] =	wrdreg s2  }
0xa9: {  	[dreg:$0x3] =	wrdreg s4  }
0xaa: {  	[dreg:$0x4] =	wrdreg $0xC0  }
0xab: {  	_ =	task [dreg:s6], $0x5FFFF  }
0xac: {  	[dreg:$0x1] =	wrdreg $0xFFFFFFFF  }
0xad: {  	[dreg:$0x0] =	wrdreg $0x60  }
0xae: {  	[dreg:$0x2] =	wrdreg s24  }
0xaf: {  	[dreg:$0x3] =	wrdreg $0x90000  }
0xb0: {  	[dreg:$0x4] =	wrdreg $0x9  }
0xb1: {  	_ =	task.clear_ibuf [dreg:s6], $0x5FFFF;
	_ =	strace $0x90000052  }
0xb2: {  	s29 =	simm.s32 $0x9;
	_ =	strace $0x80000054  }
0xb3: {  	_ =	swait.ge [sflag:s29], $0x1  }
0xb4: {  	[sflag:s29] =	ssyncadd.s32 $0xFFFFFFFF  }
0xb5: {  	_ =	strace $0x90000054  }
0xb6: {  	_ =	sfence  }
0xb7: {  	s30 =	sld [smem:$0x0];
	_ =	sdelay $0x2  }
0xb8: {  	s31 =	sshll.u32 s1, $0xD;
	s1 =	sshrl.u32 s1, $0x2  }
0xb9: {  	s3 =	sand.u32 $0x4000, s31;
	s1 =	sadd.s32 s1, s30  }
0xba: {  	s0 =	sor.u32 s3, s0;
	s1 =	sshll.u32 s1, $0x11  }
0xbb: {  	s0 =	sor.u32 s1, s0  }
0xbc: {  	s0 =	sadd.s32 $0x8F2B, s0  }
0xbd: {  	[sflag:s0] =	ssyncadd.remote.s32 $0x1  }
0xbe: {  	_ =	sfence.sel $0xFFFF  }
0xbf: {  	[dreg:$0x0] =	wrdreg $0xFFFFFFFF;
	(pc) =	sbr.abs _section_cstart, $3  }
0xc0: {  	[dreg:$0x1] =	wrdreg $0xFFFFFFFF  }
0xc1: {  	_ =	task.clear_ibuf [dreg:s6], $0x2FFFF;
	_ =	strace $0x9FFFFFFF  }
0xc2: {  	(tm) =	ssettm $0x7FFFFFFF  }
0xc3: {  	_ =	shalt  }
tec
execute0_lowered:
.L_overlay_start_1:
0x0: {  	(tag) =	ssettag $0x1  }
0x1: {  	s1 =	srdreg.scid;
	s5 =	rddreg [dreg:$0x0]  }
0x2: {  	s0 =	stileid.u32;
	s2 =	rddreg [dreg:$0x1];
	s3 =	simm.s32 $0x0  }
0x3: {  	s15 =	simm.s32 $0x5000;
	s16 =	simm.s32 $0x1;
	s17 =	simm.s32 $0x0  }
0x4: {  	s6 =	sand.u32 $0x1, s1;
	s1 =	rddreg [dreg:$0x2];
	s9 =	smul.u32 $0x13C00, s0  }
0x5: {  	s24 =	sshll.u32 s0, $0x1;
	[smem:$0x7FF] =	sst s3;
	s26 =	smul.u32 $0x4F000, s0  }
0x6: {  	s4 =	sadd.s32 $0x1D600, s5;
	s7 =	sor.u32 s6, s24;
	s10 =	smul.u32 $0x13C000, s6  }
0x7: {  	s31 =	sshll.u32 s0, $0x6;
	_ =	strace $0x80000053;
	s8 =	smul.u32 $0x500, s7  }
0x8: {  	s6 =	ssub.s32 $0x2, s6;
	s11 =	sshrl.u32 s9, $0x3;
	s12 =	smul.u32 $0xFFFFFFB0, s7  }
0x9: {  	s29 =	sshrl.u32 s6, $0x1;
	s30 =	sshrl.u32 s26, $0x2;
	s11 =	sadd.s32 s11, s5  }
0xa: {  	s9 =	sadd.s32 s9, s10;
	s13 =	ssub.s32 s6, s29;
	s14 =	sadd.s32 s30, s2  }
0xb: {  	s6 =	sor.u32 $0x1C02, s31;
	s8 =	sadd.s32 s8, s5;
	s25 =	sshrl.u32 s9, $0x3  }
0xc: {  	p0 =	slt.s32 s12, $0xFFFFF68C;
	s10 =	smax.u32 s13, $0x1;
	s13 =	simm.s32 $0x2  }
0xd: {  	s28 =	sadd.s32 s25, s5;
	s12 =	simm.s32 @!p0 $0xFFFFF68C;
	s5 =	sadd.s32 $0x92C00, s11  }
0xe: {  	s7 =	sadd.s32 $0x9600, s8;
	s8 =	sadd.s32 $0x13600, s8;
	s9 =	sadd.s32 $0xBA400, s28  }
0xf: {  	s11 =	sadd.s32 $0x9C3, s12;
	s12 =	sshrl.u32 s14, $0x3;
	s14 =	simm.s32 $0x80  }
.LBB2_1:
0x10: {  	[spmem:s12], [sflag:s6] =	dma.local [hbm:s5], $0x2780  }
0x11: {  	_ =	swait.ge [sflag:s13], $0x2780  }
0x12: {  	[sflag:s13] =	ssyncset.done $0x0  }
0x13: {  	[sflag:s13] =	ssyncadd.s32 $0xFFFFD880  }
0x14: {  	[tilespmem:s3], [sflag:$0x2] =	stream.linear.gather [hbm4b:s7+s3], $0x2800, $0x38;
	[tilespmem:$0x1CC00] =	vst v63  }
0x15: {  	_ =	swait.ge [sflag:s13], $0x2800  }
0x16: {  	[sflag:s13] =	ssyncset.done $0x0  }
0x17: {  	s18 =	simm.s32 $0x2800;
	[sflag:s13] =	ssyncadd.s32 $0xFFFFD800  }
0x18: {  	[tilespmem:s18], [sflag:$0x2] =	stream.linear.gather [hbm4b:s8+s3], $0x2800, $0x38;
	[tilespmem:$0x1CC00] =	vst v63  }
0x19: {  	_ =	swait.ge [sflag:s13], $0x2800  }
0x1a: {  	[sflag:s13] =	ssyncset.done $0x0  }
0x1b: {  	[sflag:s13] =	ssyncadd.s32 $0xFFFFD800  }
0x1c: {  	[bflag:$0x0] =	sbarrier.arrive $0xFFFF  }
0x1d: {  	[tilespmem:s15], [sflag:$0x1] =	stream.indirect.gather [hbm4b:s4+s14], $0x80, s3, s14, $0xb8;
	[tilespmem:$0x1CC00] =	vst v63  }
0x1e: {  	p0 =	sgt.u32 s11, $0x0;
	_ =	swait.ge [sflag:s16], $0x4000  }
.Ltmp0:
0x1f: {  	[sflag:s16] =	ssyncset.done $0x0;
	(pc) =	sbr.rel @!p0 .LBB2_3-.Ltmp0, $4  }
0x20: {  	[sflag:s16] =	ssyncadd.s32 $0xFFFFC000  }
0x21: {  	[spmem:s2] =	stream.indirect.scatter.add.f32 [tilespmem:s15], [sflag:$0x2], $0x80, s18, s14, $0xb8;
	[tilespmem:$0x1CC00] =	vst v63  }
0x22: {  	s19 =	simm.s32 $0x2880;
	_ =	swait.ge [sflag:s13], $0x4000  }
0x23: {  	s20 =	simm.s32 $0x0;
	s18 =	simm.s32 $0x0;
	[sflag:s13] =	ssyncset.done $0x0  }
.LBB2_2:
0x24: {  	s18 =	sadd.s32 $0x1, s18;
	[sflag:s13] =	ssyncadd.s32 $0xFFFFC000;
	s20 =	sadd.s32 $0x80, s20  }
0x25: {  	[tilespmem:s15], [sflag:$0x1] =	stream.indirect.gather [hbm4b:s4+s14], $0x80, s20, s14, $0xb8;
	[tilespmem:$0x1CC00] =	vst v63  }
0x26: {  	p0 =	slt.u32 s18, s11;
	_ =	swait.ge [sflag:s16], $0x4000  }
.Ltmp1:
0x27: {  	[sflag:s16] =	ssyncset.done $0x0;
	(pc) =	sbr.rel @p0 .LBB2_2-.Ltmp1, $4  }
0x28: {  	[sflag:s16] =	ssyncadd.s32 $0xFFFFC000  }
0x29: {  	[spmem:s2] =	stream.indirect.scatter.add.f32 [tilespmem:s15], [sflag:$0x2], $0x80, s19, s14, $0xb8;
	[tilespmem:$0x1CC00] =	vst v63  }
0x2a: {  	_ =	swait.ge [sflag:s13], $0x4000  }
0x2b: {  	s19 =	sadd.s32 $0x80, s19;
	[sflag:s13] =	ssyncset.done $0x0  }
.LBB2_3:
0x2c: {  	s17 =	sadd.s32 $0x1, s17  }
0x2d: {  	[sflag:s13] =	ssyncadd.s32 $0xFFFFC000;
	p0 =	sne.s32 s17, s10  }
.Ltmp2:
0x2e: {  	[bflag:$0x0] =	sbarrier.arrive $0xFFFF;
	(pc) =	sbr.rel @p0 .LBB2_1-.Ltmp2, $4  }
0x2f: {  	[hbm:s9], [sflag:s6] =	dma.local [spmem:s12], $0x2780  }
0x30: {  	_ =	swait.ge [sflag:s13], $0x2780  }
0x31: {  	[sflag:s13] =	ssyncset.done $0x0  }
0x32: {  	[sflag:s13] =	ssyncadd.s32 $0xFFFFD880  }
0x33: {  	_ =	sfence.sel $0x180000  }
0x34: {  	[bflag:$0x0] =	sbarrier.arrive $0xFFFF  }
0x35: {  	p0 =	sne.s32 s0, $0x0;
	_ =	strace $0x90000053  }
0x36: {  	s0 =	sadd.s32 @!p0 $0x100000, s1;
	[bflag:$0x2] =	sbarrier.arrive $0xFFFF  }
0x37: {  	[sflag:s0] =	ssyncadd.tile.s32 @!p0 $0x1;
	_ =	shalt  }
.Lfunc_end2:
_tile_overlayer_lowered:
.L_overlay_start_2:
0x38: {  	(tag) =	ssettag $0x2  }
0x39: {  	s0 =	rddreg [dreg:$0x0];
	s2 =	stileid.u32  }
0x3a: {  	s1 =	rddreg [dreg:$0x1];
	p0 =	sne.s32 s2, $0x0  }
0x3b: {  	s3 =	rddreg [dreg:$0x2];
	[bflag:$0x3] =	sbarrier.arrive $0xFFFF;
	s2 =	simm.s32 @!p0 $0x1C02  }
0x3c: {  	[timem:s3], [sflag:s2] =	dma.local @!p0 [hbm:s0], s1  }
0x3d: {  	s0 =	simm.s32 @!p0 $0x2  }
0x3e: {  	_ =	swait.ge @!p0 [sflag:s0], s1  }
0x3f: {  	s1 =	ssub.s32 @!p0 $0x0, s1;
	[sflag:s0] =	ssyncset.done @!p0 $0x0  }
0x40: {  	[sflag:s0] =	ssyncadd.s32 @!p0 s1  }
0x41: {  	[bflag:$0x3] =	sbarrier.arrive $0xFFFF  }
0x42: {  	_ =	shalt  }

// kernel: kernel.35.cloned.1.call-start
scs
__scs_entry_jumppad:
0x0: {  	(pc) =	sbr.rel $0x88, $3  }
0x1: {  	(tag) =	ssettag $0x0;
	lr =	simm.s32 $0x1  }
0x2: {  	[smem:$0x3F76] =	sst lr;
	_ =	strace $0xD0000000  }
0x3: {  	_ = 	snop  }
0x4: {  	_ = 	snop  }
0x5: {  	_ = 	snop  }
0x6: {  	_ = 	snop  }
0x7: {  	_ = 	snop  }
__scs_overlays_trampoline_lowered:
0x8: {  	[smem:$0x3F85] =	sst s0  }
0x9: {  	[smem:$0x3F86] =	sst s1  }
0xa: {  	[smem:$0x3F87] =	sst s2  }
0xb: {  	[smem:$0x3F88] =	sst s3  }
0xc: {  	[smem:$0x3F89] =	sst s4  }
0xd: {  	[smem:$0x3F8A] =	sst s5  }
0xe: {  	[smem:$0x3F8B] =	sst s6  }
0xf: {  	[smem:$0x3F8C] =	sst s7  }
0x10: {  	[smem:$0x3F8D] =	sst s8  }
0x11: {  	[smem:$0x3F8E] =	sst s9;
	s0 =	simm.s32 @!p0 $0x0  }
0x12: {  	s1 =	sld [smem:$0x3F74];
	s0 =	simm.s32 @p0 $0x1  }
0x13: {  	[smem:$0x3F8F] =	sst s0;
	s0 =	simm.s32 @!p1 $0x0  }
0x14: {  	s2 =	sld [smem:$0x3F73];
	s0 =	simm.s32 @p1 $0x1  }
0x15: {  	[smem:$0x3F90] =	sst s0;
	s0 =	simm.s32 @!p2 $0x0  }
0x16: {  	s3 =	sld [smem:$0x3FDB];
	s0 =	simm.s32 @p2 $0x1  }
0x17: {  	s4 =	simm.s32 $0x1BF5;
	[smem:$0x3F92] =	sst s0  }
0x18: {  	s0 =	sld [smem:$0x3F75];
	_ =	swait.ge [sflag:s4], $0x0  }
0x19: {  	s7 =	sld [smem:$0x3F76]  }
0x1a: {  	s8 =	sadd.s32 $0xFFFFE003, lr  }
0x1b: {  	s9 =	sadd.s32 $0xFFFFFEF7, lr;
	s5 =	simm.s32 $0xFFFFFFFF;
	p2 =	slt.u32 s8, $0xFFFFF086  }
0x1c: {  	p1 =	slt.u32 s9, $0xF7A;
	s5 =	simm.s32 @!p2 $0x0  }
0x1d: {  	s5 =	simm.s32 @p1 $0x1;
	p0 =	seq.s32 s7, s2  }
0x1e: {  	s7 =	smul.u32 @!p0 $0xF7A, s2;
	p2 =	seq.s32 @!p0 s5, $0x0  }
0x1f: {  	s9 =	smul.u32 $0xF7A, s1;
	s8 =	simm.s32 @!p0 $0x1BF5;
	p2 =	por !p2, p0  }
0x20: {  	[sflag:s8] =	ssyncset.s32 @!p0 $0xFFFFF086;
	s6 =	sadd.s32 @!p0 s3, s7;
	s7 =	simm.s32 @!p0 $0x108  }
0x21: {  	s3 =	sadd.s32 s3, s9;
	s6 =	sadd.s32 @!p0 $0x88, s6;
	s7 =	simm.s32 @p2 $0x1082  }
0x22: {  	[simem:s7], [sflag:s8] =	dma.local @!p0 [hbm:s6], $0xF7A  }
0x23: {  	s9 =	sor.u32 $0xD0000000, s2;
	s6 =	simm.s32 $0x108;
	_ =	swait.ge @!p0 [sflag:s8], $0x0  }
0x24: {  	s3 =	sadd.s32 $0x88, s3;
	s6 =	simm.s32 @!p1 $0x1082;
	[sflag:s4] =	ssyncset.s32 $0xFFFFF086  }
0x25: {  	[simem:s6], [sflag:s4] =	dma.local [hbm:s3], $0xF7A  }
0x26: {  	[smem:$0x3F76] =	sst s1;
	(tag) =	ssettag s2;
	_ =	strace s9  }
0x27: {  	s1 =	sld [smem:$0x3F86]  }
0x28: {  	s2 =	sld [smem:$0x3F87]  }
0x29: {  	s4 =	sld [smem:$0x3F89]  }
0x2a: {  	p0 =	seq.s32 s5, $0x0;
	s5 =	sld [smem:$0x3F8A]  }
0x2b: {  	s6 =	sld [smem:$0x3F8B]  }
0x2c: {  	s7 =	sld [smem:$0x3F8C]  }
0x2d: {  	s3 =	simm.s32 $0x108;
	s8 =	sld [smem:$0x3F8D]  }
0x2e: {  	s3 =	simm.s32 @!p0 $0x1082;
	s9 =	sld [smem:$0x3F8E]  }
0x2f: {  	lr =	sadd.s32 s0, s3;
	s0 =	sld [smem:$0x3F85]  }
0x30: {  	s3 =	sld [smem:$0x3F88]  }
0x31: {  	[smem:$0x3F91] =	sst s10  }
0x32: {  	s10 =	sld [smem:$0x3F8F];
	_ =	sdelay $0x3  }
0x33: {  	p0 =	seq.s32 s10, $0x1;
	s10 =	sld [smem:$0x3F91];
	_ =	sdelay $0x3  }
0x34: {  	[smem:$0x3F91] =	sst s10  }
0x35: {  	s10 =	sld [smem:$0x3F90];
	_ =	sdelay $0x3  }
0x36: {  	p1 =	seq.s32 s10, $0x1;
	s10 =	sld [smem:$0x3F91];
	_ =	sdelay $0x3  }
0x37: {  	[smem:$0x3F91] =	sst s10  }
0x38: {  	s10 =	sld [smem:$0x3F92]  }
0x39: {  	_ = 	snop;
	(pc) =	sbr.ind lr, $3  }
0x3a: {  	_ = 	snop  }
0x3b: {  	_ = 	snop  }
0x3c: {  	p2 =	seq.s32 s10, $0x1;
	s10 =	sld [smem:$0x3F91]  }
0x3d: {  	_ =	shalt  }
0x3e: {  	_ =	shalt  }
0x3f: {  	_ =	shalt  }
0x40: {  	_ =	shalt  }
0x41: {  	_ =	shalt  }
0x42: {  	_ =	shalt  }
0x43: {  	_ =	shalt  }
0x44: {  	_ =	shalt  }
0x45: {  	_ =	shalt  }
0x46: {  	_ =	shalt  }
0x47: {  	_ =	shalt  }
0x48: {  	_ =	shalt  }
0x49: {  	_ =	shalt  }
0x4a: {  	_ =	shalt  }
0x4b: {  	_ =	shalt  }
0x4c: {  	_ =	shalt  }
0x4d: {  	_ =	shalt  }
0x4e: {  	_ =	shalt  }
0x4f: {  	_ =	shalt  }
0x50: {  	_ =	shalt  }
0x51: {  	_ =	shalt  }
0x52: {  	_ =	shalt  }
0x53: {  	_ =	shalt  }
0x54: {  	_ =	shalt  }
0x55: {  	_ =	shalt  }
0x56: {  	_ =	shalt  }
0x57: {  	_ =	shalt  }
0x58: {  	_ =	shalt  }
0x59: {  	_ =	shalt  }
0x5a: {  	_ =	shalt  }
0x5b: {  	_ =	shalt  }
0x5c: {  	_ =	shalt  }
0x5d: {  	_ =	shalt  }
0x5e: {  	_ =	shalt  }
0x5f: {  	_ =	shalt  }
0x60: {  	_ =	shalt  }
0x61: {  	_ =	shalt  }
0x62: {  	_ =	shalt  }
0x63: {  	_ =	shalt  }
0x64: {  	_ =	shalt  }
0x65: {  	_ =	shalt  }
0x66: {  	_ =	shalt  }
0x67: {  	_ =	shalt  }
0x68: {  	_ =	shalt  }
0x69: {  	_ =	shalt  }
0x6a: {  	_ =	shalt  }
0x6b: {  	_ =	shalt  }
0x6c: {  	_ =	shalt  }
0x6d: {  	_ =	shalt  }
0x6e: {  	_ =	shalt  }
0x6f: {  	_ =	shalt  }
0x70: {  	_ =	shalt  }
0x71: {  	_ =	shalt  }
0x72: {  	_ =	shalt  }
0x73: {  	_ =	shalt  }
0x74: {  	_ =	shalt  }
0x75: {  	_ =	shalt  }
0x76: {  	_ =	shalt  }
0x77: {  	_ =	shalt  }
0x78: {  	_ =	shalt  }
0x79: {  	_ =	shalt  }
0x7a: {  	_ =	shalt  }
0x7b: {  	_ =	shalt  }
0x7c: {  	_ =	shalt  }
0x7d: {  	_ =	shalt  }
0x7e: {  	_ =	shalt  }
0x7f: {  	_ =	shalt  }
0x80: {  	_ =	shalt  }
0x81: {  	_ =	shalt  }
0x82: {  	_ =	shalt  }
0x83: {  	_ =	shalt  }
0x84: {  	_ =	shalt  }
0x85: {  	_ =	shalt  }
0x86: {  	_ =	shalt  }
0x87: {  	_ =	shalt  }
.Lfunc_end0:
.L_simem_size_0:
called_computation.5_lowered:
.L_overlay_start_0:
0x88: {  	s2 =	sld [smem:$0x3FD9]  }
0x89: {  	s3 =	sld [smem:$0x3FFE];
	_ =	sdelay $0x1  }
0x8a: {  	s1 =	srdreg.scid  }
0x8b: {  	s0 =	sand.u32 $0x1, s1  }
0x8c: {  	s16 =	sshll.u32 s0, $0xA;
	s2 =	sadd.s32 s3, s2  }
0x8d: {  	s2 =	sadd.s32 s2, s16  }
0x8e: {  	[smem:$0x3F9D] =	sst s2  }
0x8f: {  	_ = 	snop  }
0x90: {  	(tm) =	ssettm $0x1  }
0x91: {  	s17 =	sld [smem:$0x3FFB];
	_ =	sdelay $0x3  }
0x92: {  	_ =	strace s17  }
0x93: {  	s2 =	sld [smem:$0x3FFC];
	_ =	sdelay $0x3  }
0x94: {  	_ =	strace s2  }
0x95: {  	s2 =	sld [smem:$0x3FFD];
	_ =	sdelay $0x3  }
0x96: {  	_ =	strace s2  }
0x97: {  	_ =	strace $0x8FFFFFFF  }
0x98: {  	s18 =	sld [smem:$0x3FDB];
	_ =	sdelay $0x1  }
0x99: {  	s19 =	simm.s32 $_scs_section_size  }
0x9a: {  	s4 =	simm.s32 $_size__tile_overlayer_lowered;
	s5 =	simm.s32 $_tile_overlayer_lowered  }
0x9b: {  	s22 =	simm.s32 $0x1BFF;
	s21 =	sshll.u32 s5, $0x1;
	s2 =	sadd.s32 s19, s18  }
0x9c: {  	s6 =	simm.s32 $0x0;
	s20 =	sshll.u32 s4, $0x1;
	s4 =	sadd.s32 s21, s2  }
0x9d: {  	[timem:s6], [sflag:s22] =	dma.local [hbm:s4], s20  }
0x9e: {  	_ =	swait.ge [sflag:s22], s20  }
0x9f: {  	s3 =	ssub.s32 $0x0, s20;
	[sflag:s22] =	ssyncset.done $0x0  }
0xa0: {  	[sflag:s22] =	ssyncadd.s32 s3;
	_ =	sdelay $0x1  }
0xa1: {  	s23 =	simm.s32 $0x1B8B  }
0xa2: {  	_ =	swait.ge [sflag:s23], $0x1  }
0xa3: {  	[sflag:s23] =	ssyncset.done $0x0  }
0xa4: {  	s25 =	simm.s32 $0x1B8E;
	s24 =	sld [smem:$0x3FFE];
	[sflag:s23] =	ssyncadd.s32 $0xFFFFFFFF  }
0xa5: {  	s26 =	simm.s32 $execute0_lowered;
	[smem:$0x3FD2] =	sst s25  }
0xa6: {  	s4 =	sshll.u32 s26, $0x1;
	_ =	strace $0x80000055;
	[dreg:$0x1] =	wrdreg $0xFFFFFFFF  }
0xa7: {  	s28 =	simm.s32 $_size_execute0_lowered;
	s2 =	sadd.s32 s2, s4;
	[dreg:$0x0] =	wrdreg $0x0  }
0xa8: {  	s4 =	sshll.u32 s28, $0x1;
	[dreg:$0x2] =	wrdreg s2  }
0xa9: {  	[dreg:$0x3] =	wrdreg s4  }
0xaa: {  	[dreg:$0x4] =	wrdreg $0xC0  }
0xab: {  	_ =	task [dreg:s6], $0x5FFFF  }
0xac: {  	[dreg:$0x1] =	wrdreg $0xFFFFFFFF  }
0xad: {  	[dreg:$0x0] =	wrdreg $0x60  }
0xae: {  	[dreg:$0x2] =	wrdreg s24  }
0xaf: {  	[dreg:$0x3] =	wrdreg $0x90000  }
0xb0: {  	[dreg:$0x4] =	wrdreg $0x9  }
0xb1: {  	_ =	task.clear_ibuf [dreg:s6], $0x5FFFF;
	_ =	strace $0x90000055  }
0xb2: {  	s29 =	simm.s32 $0x9;
	_ =	strace $0x80000057  }
0xb3: {  	_ =	swait.ge [sflag:s29], $0x1  }
0xb4: {  	[sflag:s29] =	ssyncadd.s32 $0xFFFFFFFF  }
0xb5: {  	_ =	strace $0x90000057  }
0xb6: {  	_ =	sfence  }
0xb7: {  	s30 =	sld [smem:$0x0];
	_ =	sdelay $0x2  }
0xb8: {  	s31 =	sshll.u32 s1, $0xD;
	s1 =	sshrl.u32 s1, $0x2  }
0xb9: {  	s3 =	sand.u32 $0x4000, s31;
	s1 =	sadd.s32 s1, s30  }
0xba: {  	s0 =	sor.u32 s3, s0;
	s1 =	sshll.u32 s1, $0x11  }
0xbb: {  	s0 =	sor.u32 s1, s0  }
0xbc: {  	s0 =	sadd.s32 $0x8F2B, s0  }
0xbd: {  	[sflag:s0] =	ssyncadd.remote.s32 $0x1  }
0xbe: {  	_ =	sfence.sel $0xFFFF  }
0xbf: {  	[dreg:$0x0] =	wrdreg $0xFFFFFFFF;
	(pc) =	sbr.abs _section_cstart, $3  }
0xc0: {  	[dreg:$0x1] =	wrdreg $0xFFFFFFFF  }
0xc1: {  	_ =	task.clear_ibuf [dreg:s6], $0x2FFFF;
	_ =	strace $0x9FFFFFFF  }
0xc2: {  	(tm) =	ssettm $0x7FFFFFFF  }
0xc3: {  	_ =	shalt  }
tec
execute0_lowered:
.L_overlay_start_1:
0x0: {  	(tag) =	ssettag $0x1  }
0x1: {  	s1 =	srdreg.scid;
	s5 =	rddreg [dreg:$0x0]  }
0x2: {  	s0 =	stileid.u32;
	s2 =	rddreg [dreg:$0x1];
	s3 =	simm.s32 $0x0  }
0x3: {  	s15 =	simm.s32 $0x5000;
	s16 =	simm.s32 $0x1;
	s17 =	simm.s32 $0x0  }
0x4: {  	s6 =	sand.u32 $0x1, s1;
	s1 =	rddreg [dreg:$0x2];
	s9 =	smul.u32 $0x13C00, s0  }
0x5: {  	s24 =	sshll.u32 s0, $0x1;
	[smem:$0x7FF] =	sst s3;
	s26 =	smul.u32 $0x4F000, s0  }
0x6: {  	s4 =	sadd.s32 $0x1D600, s5;
	s7 =	sor.u32 s6, s24;
	s10 =	smul.u32 $0x13C000, s6  }
0x7: {  	s31 =	sshll.u32 s0, $0x6;
	_ =	strace $0x80000056;
	s8 =	smul.u32 $0x500, s7  }
0x8: {  	s6 =	ssub.s32 $0x2, s6;
	s11 =	sshrl.u32 s9, $0x3;
	s12 =	smul.u32 $0xFFFFFFB0, s7  }
0x9: {  	s29 =	sshrl.u32 s6, $0x1;
	s30 =	sshrl.u32 s26, $0x2;
	s11 =	sadd.s32 s11, s5  }
0xa: {  	s9 =	sadd.s32 s9, s10;
	s13 =	ssub.s32 s6, s29;
	s14 =	sadd.s32 s30, s2  }
0xb: {  	s6 =	sor.u32 $0x1C02, s31;
	s8 =	sadd.s32 s8, s5;
	s25 =	sshrl.u32 s9, $0x3  }
0xc: {  	p0 =	slt.s32 s12, $0xFFFFF68C;
	s10 =	smax.u32 s13, $0x1;
	s13 =	simm.s32 $0x2  }
0xd: {  	s28 =	sadd.s32 s25, s5;
	s12 =	simm.s32 @!p0 $0xFFFFF68C;
	s5 =	sadd.s32 $0x92C00, s11  }
0xe: {  	s7 =	sadd.s32 $0x9600, s8;
	s8 =	sadd.s32 $0x13600, s8;
	s9 =	sadd.s32 $0xBA400, s28  }
0xf: {  	s11 =	sadd.s32 $0x9C3, s12;
	s12 =	sshrl.u32 s14, $0x3;
	s14 =	simm.s32 $0x80  }
.LBB2_1:
0x10: {  	[spmem:s12], [sflag:s6] =	dma.local [hbm:s5], $0x2780  }
0x11: {  	_ =	swait.ge [sflag:s13], $0x2780  }
0x12: {  	[sflag:s13] =	ssyncset.done $0x0  }
0x13: {  	[sflag:s13] =	ssyncadd.s32 $0xFFFFD880  }
0x14: {  	[tilespmem:s3], [sflag:$0x2] =	stream.linear.gather [hbm4b:s7+s3], $0x2800, $0x38;
	[tilespmem:$0x1CC00] =	vst v63  }
0x15: {  	_ =	swait.ge [sflag:s13], $0x2800  }
0x16: {  	[sflag:s13] =	ssyncset.done $0x0  }
0x17: {  	s18 =	simm.s32 $0x2800;
	[sflag:s13] =	ssyncadd.s32 $0xFFFFD800  }
0x18: {  	[tilespmem:s18], [sflag:$0x2] =	stream.linear.gather [hbm4b:s8+s3], $0x2800, $0x38;
	[tilespmem:$0x1CC00] =	vst v63  }
0x19: {  	_ =	swait.ge [sflag:s13], $0x2800  }
0x1a: {  	[sflag:s13] =	ssyncset.done $0x0  }
0x1b: {  	[sflag:s13] =	ssyncadd.s32 $0xFFFFD800  }
0x1c: {  	[bflag:$0x0] =	sbarrier.arrive $0xFFFF  }
0x1d: {  	[tilespmem:s15], [sflag:$0x1] =	stream.indirect.gather [hbm4b:s4+s14], $0x80, s3, s14, $0xb8;
	[tilespmem:$0x1CC00] =	vst v63  }
0x1e: {  	p0 =	sgt.u32 s11, $0x0;
	_ =	swait.ge [sflag:s16], $0x4000  }
.Ltmp0:
0x1f: {  	[sflag:s16] =	ssyncset.done $0x0;
	(pc) =	sbr.rel @!p0 .LBB2_3-.Ltmp0, $4  }
0x20: {  	[sflag:s16] =	ssyncadd.s32 $0xFFFFC000  }
0x21: {  	[spmem:s2] =	stream.indirect.scatter.add.f32 [tilespmem:s15], [sflag:$0x2], $0x80, s18, s14, $0xb8;
	[tilespmem:$0x1CC00] =	vst v63  }
0x22: {  	s19 =	simm.s32 $0x2880;
	_ =	swait.ge [sflag:s13], $0x4000  }
0x23: {  	s20 =	simm.s32 $0x0;
	s18 =	simm.s32 $0x0;
	[sflag:s13] =	ssyncset.done $0x0  }
.LBB2_2:
0x24: {  	s18 =	sadd.s32 $0x1, s18;
	[sflag:s13] =	ssyncadd.s32 $0xFFFFC000;
	s20 =	sadd.s32 $0x80, s20  }
0x25: {  	[tilespmem:s15], [sflag:$0x1] =	stream.indirect.gather [hbm4b:s4+s14], $0x80, s20, s14, $0xb8;
	[tilespmem:$0x1CC00] =	vst v63  }
0x26: {  	p0 =	slt.u32 s18, s11;
	_ =	swait.ge [sflag:s16], $0x4000  }
.Ltmp1:
0x27: {  	[sflag:s16] =	ssyncset.done $0x0;
	(pc) =	sbr.rel @p0 .LBB2_2-.Ltmp1, $4  }
0x28: {  	[sflag:s16] =	ssyncadd.s32 $0xFFFFC000  }
0x29: {  	[spmem:s2] =	stream.indirect.scatter.add.f32 [tilespmem:s15], [sflag:$0x2], $0x80, s19, s14, $0xb8;
	[tilespmem:$0x1CC00] =	vst v63  }
0x2a: {  	_ =	swait.ge [sflag:s13], $0x4000  }
0x2b: {  	s19 =	sadd.s32 $0x80, s19;
	[sflag:s13] =	ssyncset.done $0x0  }
.LBB2_3:
0x2c: {  	s17 =	sadd.s32 $0x1, s17  }
0x2d: {  	[sflag:s13] =	ssyncadd.s32 $0xFFFFC000;
	p0 =	sne.s32 s17, s10  }
.Ltmp2:
0x2e: {  	[bflag:$0x0] =	sbarrier.arrive $0xFFFF;
	(pc) =	sbr.rel @p0 .LBB2_1-.Ltmp2, $4  }
0x2f: {  	[hbm:s9], [sflag:s6] =	dma.local [spmem:s12], $0x2780  }
0x30: {  	_ =	swait.ge [sflag:s13], $0x2780  }
0x31: {  	[sflag:s13] =	ssyncset.done $0x0  }
0x32: {  	[sflag:s13] =	ssyncadd.s32 $0xFFFFD880  }
0x33: {  	_ =	sfence.sel $0x180000  }
0x34: {  	[bflag:$0x0] =	sbarrier.arrive $0xFFFF  }
0x35: {  	p0 =	sne.s32 s0, $0x0;
	_ =	strace $0x90000056  }
0x36: {  	s0 =	sadd.s32 @!p0 $0x100000, s1;
	[bflag:$0x2] =	sbarrier.arrive $0xFFFF  }
0x37: {  	[sflag:s0] =	ssyncadd.tile.s32 @!p0 $0x1;
	_ =	shalt  }
.Lfunc_end2:
_tile_overlayer_lowered:
.L_overlay_start_2:
0x38: {  	(tag) =	ssettag $0x2  }
0x39: {  	s0 =	rddreg [dreg:$0x0];
	s2 =	stileid.u32  }
0x3a: {  	s1 =	rddreg [dreg:$0x1];
	p0 =	sne.s32 s2, $0x0  }
0x3b: {  	s3 =	rddreg [dreg:$0x2];
	[bflag:$0x3] =	sbarrier.arrive $0xFFFF;
	s2 =	simm.s32 @!p0 $0x1C02  }
0x3c: {  	[timem:s3], [sflag:s2] =	dma.local @!p0 [hbm:s0], s1  }
0x3d: {  	s0 =	simm.s32 @!p0 $0x2  }
0x3e: {  	_ =	swait.ge @!p0 [sflag:s0], s1  }
0x3f: {  	s1 =	ssub.s32 @!p0 $0x0, s1;
	[sflag:s0] =	ssyncset.done @!p0 $0x0  }
0x40: {  	[sflag:s0] =	ssyncadd.s32 @!p0 s1  }
0x41: {  	[bflag:$0x3] =	sbarrier.arrive $0xFFFF  }
0x42: {  	_ =	shalt  }

</sc_bundles>
